<compile_context>
chip_gen: v7x
topology: tpu7x:2x2x1
jax: 0.10.2.dev20260603
libtpu: 0.0.44.dev20260713+nightly
codegen_flags: <defaults>
</compile_context>

<pallas_src>
import functools

import jax
import jax.numpy as jnp
from jax import lax
from jax.experimental import pallas as pl
from jax.experimental.pallas import tpu as pltpu
from jax.experimental.pallas import tpu_sc as plsc

GROUP = 32
NC = 2
NS = 16
NW = NC * NS


def _make_lookup(n_embed: int, d: int, batch: int, hist: int):
    assert batch % (NW * 2 * GROUP) == 0
    rows_per_w = batch // NW
    n_pairs = rows_per_w // (2 * GROUP)

    mesh = plsc.VectorSubcoreMesh(core_axis_name="c", subcore_axis_name="s")

    @functools.partial(
        pl.kernel,
        mesh=mesh,
        compiler_params=pltpu.CompilerParams(use_tc_tiling_on_sc=False),
        out_type=jax.ShapeDtypeStruct((batch, (hist + 7) // 8 * 8, 128), jnp.float32),
        scratch_types=[
            pltpu.VMEM((rows_per_w, hist), jnp.int32),
            pltpu.VMEM((GROUP, hist, d), jnp.float32),
            pltpu.VMEM((GROUP, hist, d), jnp.float32),
            pltpu.SemaphoreType.DMA,
            pltpu.SemaphoreType.DMA,
            pltpu.SemaphoreType.DMA,
            pltpu.SemaphoreType.DMA,
        ],
    )
    def lookup(idx_hbm, table_hbm, out_hbm,
               idx_v, rows_a, rows_b, gsem_a, gsem_b, wsem_a, wsem_b):
        wid = lax.axis_index("s") * NC + lax.axis_index("c")
        row_base = wid * rows_per_w
        pltpu.sync_copy(idx_hbm.at[pl.ds(row_base, rows_per_w)], idx_v)

        def fire(g, buf, sem):
            return [
                pltpu.async_copy(
                    table_hbm.at[idx_v.at[g * GROUP + b]],
                    buf.at[b],
                    sem,
                )
                for b in range(GROUP)
            ]

        def write(g, buf, sem):
            row0 = row_base + g * GROUP
            return pltpu.async_copy(
                buf,
                out_hbm.at[pl.ds(row0, GROUP), pl.ds(0, hist), pl.ds(0, d)],
                sem,
            )

        def pair_body(k, carry):
            g0 = 2 * k
            ha = fire(g0, rows_a, gsem_a)
            hb = fire(g0 + 1, rows_b, gsem_b)
            for h in ha:
                h.wait()
            wa = write(g0, rows_a, wsem_a)
            for h in hb:
                h.wait()
            wb = write(g0 + 1, rows_b, wsem_b)
            wa.wait()
            wb.wait()
            return carry

        lax.fori_loop(0, n_pairs, pair_body, 0)

    return lookup


def kernel(inputs, lookup_table):
    batch, hist = inputs.shape
    n_embed, d = lookup_table.shape
    idx = inputs if inputs.dtype == jnp.int32 else inputs.astype(jnp.int32)
    raw = _make_lookup(n_embed, d, batch, hist)(idx, lookup_table)
    return raw[:, :hist, :d]

# --- scband reference (transcript-rebuilt; emitter-appended) ---
"""Pipeline reference for scband-embedding-lookup-5257039971098 (READ-ONLY COPY).

The authoritative reference and input builder live on the scoring server;
editing this copy changes nothing except your own understanding.
"""

import jax, jax.numpy as jnp
import numpy as np

N_EMBED = 1000000
D_EMBED = 32
BATCH = 16384
HIST = 50

def setup_inputs(seed: int = 0) -> dict:
    key = jax.random.key(seed)
    k_idx, k_tab = jax.random.split(key)
    inputs = jax.random.randint(k_idx, (BATCH, HIST), 0, N_EMBED, dtype=jnp.int64)
    lookup_table = jax.random.normal(k_tab, (N_EMBED, D_EMBED), dtype=jnp.float32)
    return {"inputs": inputs, "lookup_table": lookup_table}

def reference(inputs, lookup_table):
    # F.embedding(inputs, table) -> table[inputs]
    return jnp.take(lookup_table, inputs, axis=0)

if __name__ == "__main__":
    import jax
    _d = setup_inputs()
    print(jax.jit(kernel)(*tuple(_d.values())))

</pallas_src>

<mosaic_0001>
#map = affine_map<(d0, d1) -> (0, 0)>
#map1 = affine_map<(d0, d1) -> (0, 0, 0)>
module attributes {stable_mosaic.version = 14 : i64} {
  func.func @lookup(%arg0: i32, %arg1: i32, %arg2: memref<16384x50xi32, #tpu.memory_space<hbm>>, %arg3: memref<1000000x32xf32, #tpu.memory_space<hbm>>, %arg4: memref<16384x56x128xf32, #tpu.memory_space<hbm>>, %arg5: memref<512x50xi32, #tpu.memory_space<vmem>>, %arg6: memref<32x50x32xf32, #tpu.memory_space<vmem>>, %arg7: memref<32x50x32xf32, #tpu.memory_space<vmem>>, %arg8: memref<!tpu.dma_semaphore, #tpu.memory_space<semaphore_mem>>, %arg9: memref<!tpu.dma_semaphore, #tpu.memory_space<semaphore_mem>>, %arg10: memref<!tpu.dma_semaphore, #tpu.memory_space<semaphore_mem>>, %arg11: memref<!tpu.dma_semaphore, #tpu.memory_space<semaphore_mem>>) attributes {dimension_semantics = [#tpu.dimension_semantics<core_parallel>, #tpu.dimension_semantics<subcore_parallel>], iteration_bounds = array<i64: 2, 16>, scalar_prefetch = 0 : i64, scratch_operands = 7 : i64, tpu.core_type = #tpu.core_type<sc_vector_subcore>, window_params = [{transform_indices = #map}, {transform_indices = #map}, {transform_indices = #map1}]} {
    %mul3A = arith.constant 2 : i32
    %mul3A_0 = arith.muli %arg1, %mul3A : i32
    %add3A = arith.addi %mul3A_0, %arg0 : i32
    %mul3A_1 = arith.constant 512 : i32
    %mul3A_2 = arith.muli %add3A, %mul3A_1 : i32
    "tpu.region"() ({
      %run_scoped3A = tpu.sem_alloc : memref<!tpu.dma_semaphore, #tpu.memory_space<semaphore_mem>>
      %dma_start3A = arith.constant 0 : i32
      %dma_start3A_8 = tpu.memref_slice %arg2[%mul3A_2, %dma_start3A] : memref<16384x50xi32, #tpu.memory_space<hbm>> -> memref<512x50xi32, #tpu.memory_space<hbm>>
      %dma_start3A_9 = arith.constant 0 : i32
      %dma_start3A_10 = tpu.memref_slice %arg2[%mul3A_2, %dma_start3A_9] : memref<16384x50xi32, #tpu.memory_space<hbm>> -> memref<512x50xi32, #tpu.memory_space<hbm>>
      tpu.enqueue_dma source(%dma_start3A_10 : memref<512x50xi32, #tpu.memory_space<hbm>>) target(%arg5 : memref<512x50xi32, #tpu.memory_space<vmem>>) target_semaphore(%run_scoped3A : memref<!tpu.dma_semaphore, #tpu.memory_space<semaphore_mem>>)
      %dma_wait3A = arith.constant 0 : i32
      %dma_wait3A_11 = tpu.memref_slice %arg2[%mul3A_2, %dma_wait3A] : memref<16384x50xi32, #tpu.memory_space<hbm>> -> memref<512x50xi32, #tpu.memory_space<hbm>>
      %dma_wait3A_12 = arith.constant 0 : i32
      %dma_wait3A_13 = tpu.memref_slice %arg2[%mul3A_2, %dma_wait3A_12] : memref<16384x50xi32, #tpu.memory_space<hbm>> -> memref<512x50xi32, #tpu.memory_space<hbm>>
      tpu.wait_dma2 semaphore(%run_scoped3A : memref<!tpu.dma_semaphore, #tpu.memory_space<semaphore_mem>>) src(%dma_wait3A_13 : memref<512x50xi32, #tpu.memory_space<hbm>>) dst(%arg5 : memref<512x50xi32, #tpu.memory_space<vmem>>)
      tpu.yield
    }) : () -> ()
    %scan3A = arith.constant 0 : i32
    %scan3A_3 = arith.constant 0 : i32
    %scan3A_4 = arith.constant 8 : i32
    %scan3A_5 = arith.addi %scan3A_3, %scan3A_4 : i32
    %scan3A_6 = arith.constant 1 : i32
    scf.for %scan3A_8 = %scan3A_3 to %scan3A_5 step %scan3A_6  : i32 {
      %mul3A_9 = arith.constant 2 : i32
      %mul3A_10 = arith.muli %mul3A_9, %scan3A_8 : i32
      %mul3A_11 = arith.constant 32 : i32
      %mul3A_12 = arith.muli %mul3A_10, %mul3A_11 : i32
      %add3A_13 = arith.constant 0 : i32
      %add3A_14 = arith.addi %mul3A_12, %add3A_13 : i32
      %dma_start3A = arith.constant 0 : i32
      %dma_start3A_15 = arith.constant 0 : i32
      %dma_start3A_16 = arith.constant 0 : i32
      %dma_start3A_17 = tpu.memref_slice %arg6[%dma_start3A, %dma_start3A_15, %dma_start3A_16] : memref<32x50x32xf32, #tpu.memory_space<vmem>> -> memref<1x50x32xf32, #tpu.memory_space<vmem>>
      %dma_start3A_18 = tpu.memref_squeeze %dma_start3A_17 : memref<1x50x32xf32, #tpu.memory_space<vmem>> -> memref<50x32xf32, #tpu.memory_space<vmem>>
      %dma_start3A_19 = arith.constant 0 : i32
      %dma_start3A_20 = tpu.memref_slice %arg5[%add3A_14, %dma_start3A_19] : memref<512x50xi32, #tpu.memory_space<vmem>> -> memref<1x50xi32, #tpu.memory_space<vmem>>
      %dma_start3A_21 = tpu.memref_squeeze %dma_start3A_20 : memref<1x50xi32, #tpu.memory_space<vmem>> -> memref<50xi32, #tpu.memory_space<vmem>>
      %dma_start3A_22 = arith.constant 0 : i32
      %dma_start3A_23 = arith.constant 0 : i32
      %dma_start3A_24 = tpu.memref_slice %arg3[%dma_start3A_22, %dma_start3A_23] : memref<1000000x32xf32, #tpu.memory_space<hbm>> -> memref<1000000x32xf32, #tpu.memory_space<hbm>>
      tpu.enqueue_indirect_dma source(%dma_start3A_24 : memref<1000000x32xf32, #tpu.memory_space<hbm>>) target(%dma_start3A_18 : memref<50x32xf32, #tpu.memory_space<vmem>>) offsets(%dma_start3A_21 : memref<50xi32, #tpu.memory_space<vmem>>) semaphore(%arg8 : memref<!tpu.dma_semaphore, #tpu.memory_space<semaphore_mem>>)
      %mul3A_25 = arith.constant 32 : i32
      %mul3A_26 = arith.muli %mul3A_10, %mul3A_25 : i32
      %add3A_27 = arith.constant 1 : i32
      %add3A_28 = arith.addi %mul3A_26, %add3A_27 : i32
      %dma_start3A_29 = arith.constant 1 : i32
      %dma_start3A_30 = arith.constant 0 : i32
      %dma_start3A_31 = arith.constant 0 : i32
      %dma_start3A_32 = tpu.memref_slice %arg6[%dma_start3A_29, %dma_start3A_30, %dma_start3A_31] : memref<32x50x32xf32, #tpu.memory_space<vmem>> -> memref<1x50x32xf32, #tpu.memory_space<vmem>>
      %dma_start3A_33 = tpu.memref_squeeze %dma_start3A_32 : memref<1x50x32xf32, #tpu.memory_space<vmem>> -> memref<50x32xf32, #tpu.memory_space<vmem>>
      %dma_start3A_34 = arith.constant 0 : i32
      %dma_start3A_35 = tpu.memref_slice %arg5[%add3A_28, %dma_start3A_34] : memref<512x50xi32, #tpu.memory_space<vmem>> -> memref<1x50xi32, #tpu.memory_space<vmem>>
      %dma_start3A_36 = tpu.memref_squeeze %dma_start3A_35 : memref<1x50xi32, #tpu.memory_space<vmem>> -> memref<50xi32, #tpu.memory_space<vmem>>
      %dma_start3A_37 = arith.constant 0 : i32
      %dma_start3A_38 = arith.constant 0 : i32
      %dma_start3A_39 = tpu.memref_slice %arg3[%dma_start3A_37, %dma_start3A_38] : memref<1000000x32xf32, #tpu.memory_space<hbm>> -> memref<1000000x32xf32, #tpu.memory_space<hbm>>
      tpu.enqueue_indirect_dma source(%dma_start3A_39 : memref<1000000x32xf32, #tpu.memory_space<hbm>>) target(%dma_start3A_33 : memref<50x32xf32, #tpu.memory_space<vmem>>) offsets(%dma_start3A_36 : memref<50xi32, #tpu.memory_space<vmem>>) semaphore(%arg8 : memref<!tpu.dma_semaphore, #tpu.memory_space<semaphore_mem>>)
      %mul3A_40 = arith.constant 32 : i32
      %mul3A_41 = arith.muli %mul3A_10, %mul3A_40 : i32
      %add3A_42 = arith.constant 2 : i32
      %add3A_43 = arith.addi %mul3A_41, %add3A_42 : i32
      %dma_start3A_44 = arith.constant 2 : i32
      %dma_start3A_45 = arith.constant 0 : i32
      %dma_start3A_46 = arith.constant 0 : i32
      %dma_start3A_47 = tpu.memref_slice %arg6[%dma_start3A_44, %dma_start3A_45, %dma_start3A_46] : memref<32x50x32xf32, #tpu.memory_space<vmem>> -> memref<1x50x32xf32, #tpu.memory_space<vmem>>
      %dma_start3A_48 = tpu.memref_squeeze %dma_start3A_47 : memref<1x50x32xf32, #tpu.memory_space<vmem>> -> memref<50x32xf32, #tpu.memory_space<vmem>>
      %dma_start3A_49 = arith.constant 0 : i32
      %dma_start3A_50 = tpu.memref_slice %arg5[%add3A_43, %dma_start3A_49] : memref<512x50xi32, #tpu.memory_space<vmem>> -> memref<1x50xi32, #tpu.memory_space<vmem>>
      %dma_start3A_51 = tpu.memref_squeeze %dma_start3A_50 : memref<1x50xi32, #tpu.memory_space<vmem>> -> memref<50xi32, #tpu.memory_space<vmem>>
      %dma_start3A_52 = arith.constant 0 : i32
      %dma_start3A_53 = arith.constant 0 : i32
      %dma_start3A_54 = tpu.memref_slice %arg3[%dma_start3A_52, %dma_start3A_53] : memref<1000000x32xf32, #tpu.memory_space<hbm>> -> memref<1000000x32xf32, #tpu.memory_space<hbm>>
      tpu.enqueue_indirect_dma source(%dma_start3A_54 : memref<1000000x32xf32, #tpu.memory_space<hbm>>) target(%dma_start3A_48 : memref<50x32xf32, #tpu.memory_space<vmem>>) offsets(%dma_start3A_51 : memref<50xi32, #tpu.memory_space<vmem>>) semaphore(%arg8 : memref<!tpu.dma_semaphore, #tpu.memory_space<semaphore_mem>>)
      %mul3A_55 = arith.constant 32 : i32
      %mul3A_56 = arith.muli %mul3A_10, %mul3A_55 : i32
      %add3A_57 = arith.constant 3 : i32
      %add3A_58 = arith.addi %mul3A_56, %add3A_57 : i32
      %dma_start3A_59 = arith.constant 3 : i32
      %dma_start3A_60 = arith.constant 0 : i32
      %dma_start3A_61 = arith.constant 0 : i32
      %dma_start3A_62 = tpu.memref_slice %arg6[%dma_start3A_59, %dma_start3A_60, %dma_start3A_61] : memref<32x50x32xf32, #tpu.memory_space<vmem>> -> memref<1x50x32xf32, #tpu.memory_space<vmem>>
      %dma_start3A_63 = tpu.memref_squeeze %dma_start3A_62 : memref<1x50x32xf32, #tpu.memory_space<vmem>> -> memref<50x32xf32, #tpu.memory_space<vmem>>
      %dma_start3A_64 = arith.constant 0 : i32
      %dma_start3A_65 = tpu.memref_slice %arg5[%add3A_58, %dma_start3A_64] : memref<512x50xi32, #tpu.memory_space<vmem>> -> memref<1x50xi32, #tpu.memory_space<vmem>>
      %dma_start3A_66 = tpu.memref_squeeze %dma_start3A_65 : memref<1x50xi32, #tpu.memory_space<vmem>> -> memref<50xi32, #tpu.memory_space<vmem>>
      %dma_start3A_67 = arith.constant 0 : i32
      %dma_start3A_68 = arith.constant 0 : i32
      %dma_start3A_69 = tpu.memref_slice %arg3[%dma_start3A_67, %dma_start3A_68] : memref<1000000x32xf32, #tpu.memory_space<hbm>> -> memref<1000000x32xf32, #tpu.memory_space<hbm>>
      tpu.enqueue_indirect_dma source(%dma_start3A_69 : memref<1000000x32xf32, #tpu.memory_space<hbm>>) target(%dma_start3A_63 : memref<50x32xf32, #tpu.memory_space<vmem>>) offsets(%dma_start3A_66 : memref<50xi32, #tpu.memory_space<vmem>>) semaphore(%arg8 : memref<!tpu.dma_semaphore, #tpu.memory_space<semaphore_mem>>)
      %mul3A_70 = arith.constant 32 : i32
      %mul3A_71 = arith.muli %mul3A_10, %mul3A_70 : i32
      %add3A_72 = arith.constant 4 : i32
      %add3A_73 = arith.addi %mul3A_71, %add3A_72 : i32
      %dma_start3A_74 = arith.constant 4 : i32
      %dma_start3A_75 = arith.constant 0 : i32
      %dma_start3A_76 = arith.constant 0 : i32
      %dma_start3A_77 = tpu.memref_slice %arg6[%dma_start3A_74, %dma_start3A_75, %dma_start3A_76] : memref<32x50x32xf32, #tpu.memory_space<vmem>> -> memref<1x50x32xf32, #tpu.memory_space<vmem>>
      %dma_start3A_78 = tpu.memref_squeeze %dma_start3A_77 : memref<1x50x32xf32, #tpu.memory_space<vmem>> -> memref<50x32xf32, #tpu.memory_space<vmem>>
      %dma_start3A_79 = arith.constant 0 : i32
      %dma_start3A_80 = tpu.memref_slice %arg5[%add3A_73, %dma_start3A_79] : memref<512x50xi32, #tpu.memory_space<vmem>> -> memref<1x50xi32, #tpu.memory_space<vmem>>
      %dma_start3A_81 = tpu.memref_squeeze %dma_start3A_80 : memref<1x50xi32, #tpu.memory_space<vmem>> -> memref<50xi32, #tpu.memory_space<vmem>>
      %dma_start3A_82 = arith.constant 0 : i32
      %dma_start3A_83 = arith.constant 0 : i32
      %dma_start3A_84 = tpu.memref_slice %arg3[%dma_start3A_82, %dma_start3A_83] : memref<1000000x32xf32, #tpu.memory_space<hbm>> -> memref<1000000x32xf32, #tpu.memory_space<hbm>>
      tpu.enqueue_indirect_dma source(%dma_start3A_84 : memref<1000000x32xf32, #tpu.memory_space<hbm>>) target(%dma_start3A_78 : memref<50x32xf32, #tpu.memory_space<vmem>>) offsets(%dma_start3A_81 : memref<50xi32, #tpu.memory_space<vmem>>) semaphore(%arg8 : memref<!tpu.dma_semaphore, #tpu.memory_space<semaphore_mem>>)
      %mul3A_85 = arith.constant 32 : i32
      %mul3A_86 = arith.muli %mul3A_10, %mul3A_85 : i32
      %add3A_87 = arith.constant 5 : i32
      %add3A_88 = arith.addi %mul3A_86, %add3A_87 : i32
      %dma_start3A_89 = arith.constant 5 : i32
      %dma_start3A_90 = arith.constant 0 : i32
      %dma_start3A_91 = arith.constant 0 : i32
      %dma_start3A_92 = tpu.memref_slice %arg6[%dma_start3A_89, %dma_start3A_90, %dma_start3A_91] : memref<32x50x32xf32, #tpu.memory_space<vmem>> -> memref<1x50x32xf32, #tpu.memory_space<vmem>>
      %dma_start3A_93 = tpu.memref_squeeze %dma_start3A_92 : memref<1x50x32xf32, #tpu.memory_space<vmem>> -> memref<50x32xf32, #tpu.memory_space<vmem>>
      %dma_start3A_94 = arith.constant 0 : i32
      %dma_start3A_95 = tpu.memref_slice %arg5[%add3A_88, %dma_start3A_94] : memref<512x50xi32, #tpu.memory_space<vmem>> -> memref<1x50xi32, #tpu.memory_space<vmem>>
      %dma_start3A_96 = tpu.memref_squeeze %dma_start3A_95 : memref<1x50xi32, #tpu.memory_space<vmem>> -> memref<50xi32, #tpu.memory_space<vmem>>
      %dma_start3A_97 = arith.constant 0 : i32
      %dma_start3A_98 = arith.constant 0 : i32
      %dma_start3A_99 = tpu.memref_slice %arg3[%dma_start3A_97, %dma_start3A_98] : memref<1000000x32xf32, #tpu.memory_space<hbm>> -> memref<1000000x32xf32, #tpu.memory_space<hbm>>
      tpu.enqueue_indirect_dma source(%dma_start3A_99 : memref<1000000x32xf32, #tpu.memory_space<hbm>>) target(%dma_start3A_93 : memref<50x32xf32, #tpu.memory_space<vmem>>) offsets(%dma_start3A_96 : memref<50xi32, #tpu.memory_space<vmem>>) semaphore(%arg8 : memref<!tpu.dma_semaphore, #tpu.memory_space<semaphore_mem>>)
      %mul3A_100 = arith.constant 32 : i32
      %mul3A_101 = arith.muli %mul3A_10, %mul3A_100 : i32
      %add3A_102 = arith.constant 6 : i32
      %add3A_103 = arith.addi %mul3A_101, %add3A_102 : i32
      %dma_start3A_104 = arith.constant 6 : i32
      %dma_start3A_105 = arith.constant 0 : i32
      %dma_start3A_106 = arith.constant 0 : i32
      %dma_start3A_107 = tpu.memref_slice %arg6[%dma_start3A_104, %dma_start3A_105, %dma_start3A_106] : memref<32x50x32xf32, #tpu.memory_space<vmem>> -> memref<1x50x32xf32, #tpu.memory_space<vmem>>
      %dma_start3A_108 = tpu.memref_squeeze %dma_start3A_107 : memref<1x50x32xf32, #tpu.memory_space<vmem>> -> memref<50x32xf32, #tpu.memory_space<vmem>>
      %dma_start3A_109 = arith.constant 0 : i32
      %dma_start3A_110 = tpu.memref_slice %arg5[%add3A_103, %dma_start3A_109] : memref<512x50xi32, #tpu.memory_space<vmem>> -> memref<1x50xi32, #tpu.memory_space<vmem>>
      %dma_start3A_111 = tpu.memref_squeeze %dma_start3A_110 : memref<1x50xi32, #tpu.memory_space<vmem>> -> memref<50xi32, #tpu.memory_space<vmem>>
      %dma_start3A_112 = arith.constant 0 : i32
      %dma_start3A_113 = arith.constant 0 : i32
      %dma_start3A_114 = tpu.memref_slice %arg3[%dma_start3A_112, %dma_start3A_113] : memref<1000000x32xf32, #tpu.memory_space<hbm>> -> memref<1000000x32xf32, #tpu.memory_space<hbm>>
      tpu.enqueue_indirect_dma source(%dma_start3A_114 : memref<1000000x32xf32, #tpu.memory_space<hbm>>) target(%dma_start3A_108 : memref<50x32xf32, #tpu.memory_space<vmem>>) offsets(%dma_start3A_111 : memref<50xi32, #tpu.memory_space<vmem>>) semaphore(%arg8 : memref<!tpu.dma_semaphore, #tpu.memory_space<semaphore_mem>>)
      %mul3A_115 = arith.constant 32 : i32
      %mul3A_116 = arith.muli %mul3A_10, %mul3A_115 : i32
      %add3A_117 = arith.constant 7 : i32
      %add3A_118 = arith.addi %mul3A_116, %add3A_117 : i32
      %dma_start3A_119 = arith.constant 7 : i32
      %dma_start3A_120 = arith.constant 0 : i32
      %dma_start3A_121 = arith.constant 0 : i32
      %dma_start3A_122 = tpu.memref_slice %arg6[%dma_start3A_119, %dma_start3A_120, %dma_start3A_121] : memref<32x50x32xf32, #tpu.memory_space<vmem>> -> memref<1x50x32xf32, #tpu.memory_space<vmem>>
      %dma_start3A_123 = tpu.memref_squeeze %dma_start3A_122 : memref<1x50x32xf32, #tpu.memory_space<vmem>> -> memref<50x32xf32, #tpu.memory_space<vmem>>
      %dma_start3A_124 = arith.constant 0 : i32
      %dma_start3A_125 = tpu.memref_slice %arg5[%add3A_118, %dma_start3A_124] : memref<512x50xi32, #tpu.memory_space<vmem>> -> memref<1x50xi32, #tpu.memory_space<vmem>>
      %dma_start3A_126 = tpu.memref_squeeze %dma_start3A_125 : memref<1x50xi32, #tpu.memory_space<vmem>> -> memref<50xi32, #tpu.memory_space<vmem>>
      %dma_start3A_127 = arith.constant 0 : i32
      %dma_start3A_128 = arith.constant 0 : i32
      %dma_start3A_129 = tpu.memref_slice %arg3[%dma_start3A_127, %dma_start3A_128] : memref<1000000x32xf32, #tpu.memory_space<hbm>> -> memref<1000000x32xf32, #tpu.memory_space<hbm>>
      tpu.enqueue_indirect_dma source(%dma_start3A_129 : memref<1000000x32xf32, #tpu.memory_space<hbm>>) target(%dma_start3A_123 : memref<50x32xf32, #tpu.memory_space<vmem>>) offsets(%dma_start3A_126 : memref<50xi32, #tpu.memory_space<vmem>>) semaphore(%arg8 : memref<!tpu.dma_semaphore, #tpu.memory_space<semaphore_mem>>)
      %mul3A_130 = arith.constant 32 : i32
      %mul3A_131 = arith.muli %mul3A_10, %mul3A_130 : i32
      %add3A_132 = arith.constant 8 : i32
      %add3A_133 = arith.addi %mul3A_131, %add3A_132 : i32
      %dma_start3A_134 = arith.constant 8 : i32
      %dma_start3A_135 = arith.constant 0 : i32
      %dma_start3A_136 = arith.constant 0 : i32
      %dma_start3A_137 = tpu.memref_slice %arg6[%dma_start3A_134, %dma_start3A_135, %dma_start3A_136] : memref<32x50x32xf32, #tpu.memory_space<vmem>> -> memref<1x50x32xf32, #tpu.memory_space<vmem>>
      %dma_start3A_138 = tpu.memref_squeeze %dma_start3A_137 : memref<1x50x32xf32, #tpu.memory_space<vmem>> -> memref<50x32xf32, #tpu.memory_space<vmem>>
      %dma_start3A_139 = arith.constant 0 : i32
      %dma_start3A_140 = tpu.memref_slice %arg5[%add3A_133, %dma_start3A_139] : memref<512x50xi32, #tpu.memory_space<vmem>> -> memref<1x50xi32, #tpu.memory_space<vmem>>
      %dma_start3A_141 = tpu.memref_squeeze %dma_start3A_140 : memref<1x50xi32, #tpu.memory_space<vmem>> -> memref<50xi32, #tpu.memory_space<vmem>>
      %dma_start3A_142 = arith.constant 0 : i32
      %dma_start3A_143 = arith.constant 0 : i32
      %dma_start3A_144 = tpu.memref_slice %arg3[%dma_start3A_142, %dma_start3A_143] : memref<1000000x32xf32, #tpu.memory_space<hbm>> -> memref<1000000x32xf32, #tpu.memory_space<hbm>>
      tpu.enqueue_indirect_dma source(%dma_start3A_144 : memref<1000000x32xf32, #tpu.memory_space<hbm>>) target(%dma_start3A_138 : memref<50x32xf32, #tpu.memory_space<vmem>>) offsets(%dma_start3A_141 : memref<50xi32, #tpu.memory_space<vmem>>) semaphore(%arg8 : memref<!tpu.dma_semaphore, #tpu.memory_space<semaphore_mem>>)
      %mul3A_145 = arith.constant 32 : i32
      %mul3A_146 = arith.muli %mul3A_10, %mul3A_145 : i32
      %add3A_147 = arith.constant 9 : i32
      %add3A_148 = arith.addi %mul3A_146, %add3A_147 : i32
      %dma_start3A_149 = arith.constant 9 : i32
      %dma_start3A_150 = arith.constant 0 : i32
      %dma_start3A_151 = arith.constant 0 : i32
      %dma_start3A_152 = tpu.memref_slice %arg6[%dma_start3A_149, %dma_start3A_150, %dma_start3A_151] : memref<32x50x32xf32, #tpu.memory_space<vmem>> -> memref<1x50x32xf32, #tpu.memory_space<vmem>>
      %dma_start3A_153 = tpu.memref_squeeze %dma_start3A_152 : memref<1x50x32xf32, #tpu.memory_space<vmem>> -> memref<50x32xf32, #tpu.memory_space<vmem>>
      %dma_start3A_154 = arith.constant 0 : i32
      %dma_start3A_155 = tpu.memref_slice %arg5[%add3A_148, %dma_start3A_154] : memref<512x50xi32, #tpu.memory_space<vmem>> -> memref<1x50xi32, #tpu.memory_space<vmem>>
      %dma_start3A_156 = tpu.memref_squeeze %dma_start3A_155 : memref<1x50xi32, #tpu.memory_space<vmem>> -> memref<50xi32, #tpu.memory_space<vmem>>
      %dma_start3A_157 = arith.constant 0 : i32
      %dma_start3A_158 = arith.constant 0 : i32
      %dma_start3A_159 = tpu.memref_slice %arg3[%dma_start3A_157, %dma_start3A_158] : memref<1000000x32xf32, #tpu.memory_space<hbm>> -> memref<1000000x32xf32, #tpu.memory_space<hbm>>
      tpu.enqueue_indirect_dma source(%dma_start3A_159 : memref<1000000x32xf32, #tpu.memory_space<hbm>>) target(%dma_start3A_153 : memref<50x32xf32, #tpu.memory_space<vmem>>) offsets(%dma_start3A_156 : memref<50xi32, #tpu.memory_space<vmem>>) semaphore(%arg8 : memref<!tpu.dma_semaphore, #tpu.memory_space<semaphore_mem>>)
      %mul3A_160 = arith.constant 32 : i32
      %mul3A_161 = arith.muli %mul3A_10, %mul3A_160 : i32
      %add3A_162 = arith.constant 10 : i32
      %add3A_163 = arith.addi %mul3A_161, %add3A_162 : i32
      %dma_start3A_164 = arith.constant 10 : i32
      %dma_start3A_165 = arith.constant 0 : i32
      %dma_start3A_166 = arith.constant 0 : i32
      %dma_start3A_167 = tpu.memref_slice %arg6[%dma_start3A_164, %dma_start3A_165, %dma_start3A_166] : memref<32x50x32xf32, #tpu.memory_space<vmem>> -> memref<1x50x32xf32, #tpu.memory_space<vmem>>
      %dma_start3A_168 = tpu.memref_squeeze %dma_start3A_167 : memref<1x50x32xf32, #tpu.memory_space<vmem>> -> memref<50x32xf32, #tpu.memory_space<vmem>>
      %dma_start3A_169 = arith.constant 0 : i32
      %dma_start3A_170 = tpu.memref_slice %arg5[%add3A_163, %dma_start3A_169] : memref<512x50xi32, #tpu.memory_space<vmem>> -> memref<1x50xi32, #tpu.memory_space<vmem>>
      %dma_start3A_171 = tpu.memref_squeeze %dma_start3A_170 : memref<1x50xi32, #tpu.memory_space<vmem>> -> memref<50xi32, #tpu.memory_space<vmem>>
      %dma_start3A_172 = arith.constant 0 : i32
      %dma_start3A_173 = arith.constant 0 : i32
      %dma_start3A_174 = tpu.memref_slice %arg3[%dma_start3A_172, %dma_start3A_173] : memref<1000000x32xf32, #tpu.memory_space<hbm>> -> memref<1000000x32xf32, #tpu.memory_space<hbm>>
      tpu.enqueue_indirect_dma source(%dma_start3A_174 : memref<1000000x32xf32, #tpu.memory_space<hbm>>) target(%dma_start3A_168 : memref<50x32xf32, #tpu.memory_space<vmem>>) offsets(%dma_start3A_171 : memref<50xi32, #tpu.memory_space<vmem>>) semaphore(%arg8 : memref<!tpu.dma_semaphore, #tpu.memory_space<semaphore_mem>>)
      %mul3A_175 = arith.constant 32 : i32
      %mul3A_176 = arith.muli %mul3A_10, %mul3A_175 : i32
      %add3A_177 = arith.constant 11 : i32
      %add3A_178 = arith.addi %mul3A_176, %add3A_177 : i32
      %dma_start3A_179 = arith.constant 11 : i32
      %dma_start3A_180 = arith.constant 0 : i32
      %dma_start3A_181 = arith.constant 0 : i32
      %dma_start3A_182 = tpu.memref_slice %arg6[%dma_start3A_179, %dma_start3A_180, %dma_start3A_181] : memref<32x50x32xf32, #tpu.memory_space<vmem>> -> memref<1x50x32xf32, #tpu.memory_space<vmem>>
      %dma_start3A_183 = tpu.memref_squeeze %dma_start3A_182 : memref<1x50x32xf32, #tpu.memory_space<vmem>> -> memref<50x32xf32, #tpu.memory_space<vmem>>
      %dma_start3A_184 = arith.constant 0 : i32
      %dma_start3A_185 = tpu.memref_slice %arg5[%add3A_178, %dma_start3A_184] : memref<512x50xi32, #tpu.memory_space<vmem>> -> memref<1x50xi32, #tpu.memory_space<vmem>>
      %dma_start3A_186 = tpu.memref_squeeze %dma_start3A_185 : memref<1x50xi32, #tpu.memory_space<vmem>> -> memref<50xi32, #tpu.memory_space<vmem>>
      %dma_start3A_187 = arith.constant 0 : i32
      %dma_start3A_188 = arith.constant 0 : i32
      %dma_start3A_189 = tpu.memref_slice %arg3[%dma_start3A_187, %dma_start3A_188] : memref<1000000x32xf32, #tpu.memory_space<hbm>> -> memref<1000000x32xf32, #tpu.memory_space<hbm>>
      tpu.enqueue_indirect_dma source(%dma_start3A_189 : memref<1000000x32xf32, #tpu.memory_space<hbm>>) target(%dma_start3A_183 : memref<50x32xf32, #tpu.memory_space<vmem>>) offsets(%dma_start3A_186 : memref<50xi32, #tpu.memory_space<vmem>>) semaphore(%arg8 : memref<!tpu.dma_semaphore, #tpu.memory_space<semaphore_mem>>)
      %mul3A_190 = arith.constant 32 : i32
      %mul3A_191 = arith.muli %mul3A_10, %mul3A_190 : i32
      %add3A_192 = arith.constant 12 : i32
      %add3A_193 = arith.addi %mul3A_191, %add3A_192 : i32
      %dma_start3A_194 = arith.constant 12 : i32
      %dma_start3A_195 = arith.constant 0 : i32
      %dma_start3A_196 = arith.constant 0 : i32
      %dma_start3A_197 = tpu.memref_slice %arg6[%dma_start3A_194, %dma_start3A_195, %dma_start3A_196] : memref<32x50x32xf32, #tpu.memory_space<vmem>> -> memref<1x50x32xf32, #tpu.memory_space<vmem>>
      %dma_start3A_198 = tpu.memref_squeeze %dma_start3A_197 : memref<1x50x32xf32, #tpu.memory_space<vmem>> -> memref<50x32xf32, #tpu.memory_space<vmem>>
      %dma_start3A_199 = arith.constant 0 : i32
      %dma_start3A_200 = tpu.memref_slice %arg5[%add3A_193, %dma_start3A_199] : memref<512x50xi32, #tpu.memory_space<vmem>> -> memref<1x50xi32, #tpu.memory_space<vmem>>
      %dma_start3A_201 = tpu.memref_squeeze %dma_start3A_200 : memref<1x50xi32, #tpu.memory_space<vmem>> -> memref<50xi32, #tpu.memory_space<vmem>>
      %dma_start3A_202 = arith.constant 0 : i32
      %dma_start3A_203 = arith.constant 0 : i32
      %dma_start3A_204 = tpu.memref_slice %arg3[%dma_start3A_202, %dma_start3A_203] : memref<1000000x32xf32, #tpu.memory_space<hbm>> -> memref<1000000x32xf32, #tpu.memory_space<hbm>>
      tpu.enqueue_indirect_dma source(%dma_start3A_204 : memref<1000000x32xf32, #tpu.memory_space<hbm>>) target(%dma_start3A_198 : memref<50x32xf32, #tpu.memory_space<vmem>>) offsets(%dma_start3A_201 : memref<50xi32, #tpu.memory_space<vmem>>) semaphore(%arg8 : memref<!tpu.dma_semaphore, #tpu.memory_space<semaphore_mem>>)
      %mul3A_205 = arith.constant 32 : i32
      %mul3A_206 = arith.muli %mul3A_10, %mul3A_205 : i32
      %add3A_207 = arith.constant 13 : i32
      %add3A_208 = arith.addi %mul3A_206, %add3A_207 : i32
      %dma_start3A_209 = arith.constant 13 : i32
      %dma_start3A_210 = arith.constant 0 : i32
      %dma_start3A_211 = arith.constant 0 : i32
      %dma_start3A_212 = tpu.memref_slice %arg6[%dma_start3A_209, %dma_start3A_210, %dma_start3A_211] : memref<32x50x32xf32, #tpu.memory_space<vmem>> -> memref<1x50x32xf32, #tpu.memory_space<vmem>>
      %dma_start3A_213 = tpu.memref_squeeze %dma_start3A_212 : memref<1x50x32xf32, #tpu.memory_space<vmem>> -> memref<50x32xf32, #tpu.memory_space<vmem>>
      %dma_start3A_214 = arith.constant 0 : i32
      %dma_start3A_215 = tpu.memref_slice %arg5[%add3A_208, %dma_start3A_214] : memref<512x50xi32, #tpu.memory_space<vmem>> -> memref<1x50xi32, #tpu.memory_space<vmem>>
      %dma_start3A_216 = tpu.memref_squeeze %dma_start3A_215 : memref<1x50xi32, #tpu.memory_space<vmem>> -> memref<50xi32, #tpu.memory_space<vmem>>
      %dma_start3A_217 = arith.constant 0 : i32
      %dma_start3A_218 = arith.constant 0 : i32
      %dma_start3A_219 = tpu.memref_slice %arg3[%dma_start3A_217, %dma_start3A_218] : memref<1000000x32xf32, #tpu.memory_space<hbm>> -> memref<1000000x32xf32, #tpu.memory_space<hbm>>
      tpu.enqueue_indirect_dma source(%dma_start3A_219 : memref<1000000x32xf32, #tpu.memory_space<hbm>>) target(%dma_start3A_213 : memref<50x32xf32, #tpu.memory_space<vmem>>) offsets(%dma_start3A_216 : memref<50xi32, #tpu.memory_space<vmem>>) semaphore(%arg8 : memref<!tpu.dma_semaphore, #tpu.memory_space<semaphore_mem>>)
      %mul3A_220 = arith.constant 32 : i32
      %mul3A_221 = arith.muli %mul3A_10, %mul3A_220 : i32
      %add3A_222 = arith.constant 14 : i32
      %add3A_223 = arith.addi %mul3A_221, %add3A_222 : i32
      %dma_start3A_224 = arith.constant 14 : i32
      %dma_start3A_225 = arith.constant 0 : i32
      %dma_start3A_226 = arith.constant 0 : i32
      %dma_start3A_227 = tpu.memref_slice %arg6[%dma_start3A_224, %dma_start3A_225, %dma_start3A_226] : memref<32x50x32xf32, #tpu.memory_space<vmem>> -> memref<1x50x32xf32, #tpu.memory_space<vmem>>
      %dma_start3A_228 = tpu.memref_squeeze %dma_start3A_227 : memref<1x50x32xf32, #tpu.memory_space<vmem>> -> memref<50x32xf32, #tpu.memory_space<vmem>>
      %dma_start3A_229 = arith.constant 0 : i32
      %dma_start3A_230 = tpu.memref_slice %arg5[%add3A_223, %dma_start3A_229] : memref<512x50xi32, #tpu.memory_space<vmem>> -> memref<1x50xi32, #tpu.memory_space<vmem>>
      %dma_start3A_231 = tpu.memref_squeeze %dma_start3A_230 : memref<1x50xi32, #tpu.memory_space<vmem>> -> memref<50xi32, #tpu.memory_space<vmem>>
      %dma_start3A_232 = arith.constant 0 : i32
      %dma_start3A_233 = arith.constant 0 : i32
      %dma_start3A_234 = tpu.memref_slice %arg3[%dma_start3A_232, %dma_start3A_233] : memref<1000000x32xf32, #tpu.memory_space<hbm>> -> memref<1000000x32xf32, #tpu.memory_space<hbm>>
      tpu.enqueue_indirect_dma source(%dma_start3A_234 : memref<1000000x32xf32, #tpu.memory_space<hbm>>) target(%dma_start3A_228 : memref<50x32xf32, #tpu.memory_space<vmem>>) offsets(%dma_start3A_231 : memref<50xi32, #tpu.memory_space<vmem>>) semaphore(%arg8 : memref<!tpu.dma_semaphore, #tpu.memory_space<semaphore_mem>>)
      %mul3A_235 = arith.constant 32 : i32
      %mul3A_236 = arith.muli %mul3A_10, %mul3A_235 : i32
      %add3A_237 = arith.constant 15 : i32
      %add3A_238 = arith.addi %mul3A_236, %add3A_237 : i32
      %dma_start3A_239 = arith.constant 15 : i32
      %dma_start3A_240 = arith.constant 0 : i32
      %dma_start3A_241 = arith.constant 0 : i32
      %dma_start3A_242 = tpu.memref_slice %arg6[%dma_start3A_239, %dma_start3A_240, %dma_start3A_241] : memref<32x50x32xf32, #tpu.memory_space<vmem>> -> memref<1x50x32xf32, #tpu.memory_space<vmem>>
      %dma_start3A_243 = tpu.memref_squeeze %dma_start3A_242 : memref<1x50x32xf32, #tpu.memory_space<vmem>> -> memref<50x32xf32, #tpu.memory_space<vmem>>
      %dma_start3A_244 = arith.constant 0 : i32
      %dma_start3A_245 = tpu.memref_slice %arg5[%add3A_238, %dma_start3A_244] : memref<512x50xi32, #tpu.memory_space<vmem>> -> memref<1x50xi32, #tpu.memory_space<vmem>>
      %dma_start3A_246 = tpu.memref_squeeze %dma_start3A_245 : memref<1x50xi32, #tpu.memory_space<vmem>> -> memref<50xi32, #tpu.memory_space<vmem>>
      %dma_start3A_247 = arith.constant 0 : i32
      %dma_start3A_248 = arith.constant 0 : i32
      %dma_start3A_249 = tpu.memref_slice %arg3[%dma_start3A_247, %dma_start3A_248] : memref<1000000x32xf32, #tpu.memory_space<hbm>> -> memref<1000000x32xf32, #tpu.memory_space<hbm>>
      tpu.enqueue_indirect_dma source(%dma_start3A_249 : memref<1000000x32xf32, #tpu.memory_space<hbm>>) target(%dma_start3A_243 : memref<50x32xf32, #tpu.memory_space<vmem>>) offsets(%dma_start3A_246 : memref<50xi32, #tpu.memory_space<vmem>>) semaphore(%arg8 : memref<!tpu.dma_semaphore, #tpu.memory_space<semaphore_mem>>)
      %mul3A_250 = arith.constant 32 : i32
      %mul3A_251 = arith.muli %mul3A_10, %mul3A_250 : i32
      %add3A_252 = arith.constant 16 : i32
      %add3A_253 = arith.addi %mul3A_251, %add3A_252 : i32
      %dma_start3A_254 = arith.constant 16 : i32
      %dma_start3A_255 = arith.constant 0 : i32
      %dma_start3A_256 = arith.constant 0 : i32
      %dma_start3A_257 = tpu.memref_slice %arg6[%dma_start3A_254, %dma_start3A_255, %dma_start3A_256] : memref<32x50x32xf32, #tpu.memory_space<vmem>> -> memref<1x50x32xf32, #tpu.memory_space<vmem>>
      %dma_start3A_258 = tpu.memref_squeeze %dma_start3A_257 : memref<1x50x32xf32, #tpu.memory_space<vmem>> -> memref<50x32xf32, #tpu.memory_space<vmem>>
      %dma_start3A_259 = arith.constant 0 : i32
      %dma_start3A_260 = tpu.memref_slice %arg5[%add3A_253, %dma_start3A_259] : memref<512x50xi32, #tpu.memory_space<vmem>> -> memref<1x50xi32, #tpu.memory_space<vmem>>
      %dma_start3A_261 = tpu.memref_squeeze %dma_start3A_260 : memref<1x50xi32, #tpu.memory_space<vmem>> -> memref<50xi32, #tpu.memory_space<vmem>>
      %dma_start3A_262 = arith.constant 0 : i32
      %dma_start3A_263 = arith.constant 0 : i32
      %dma_start3A_264 = tpu.memref_slice %arg3[%dma_start3A_262, %dma_start3A_263] : memref<1000000x32xf32, #tpu.memory_space<hbm>> -> memref<1000000x32xf32, #tpu.memory_space<hbm>>
      tpu.enqueue_indirect_dma source(%dma_start3A_264 : memref<1000000x32xf32, #tpu.memory_space<hbm>>) target(%dma_start3A_258 : memref<50x32xf32, #tpu.memory_space<vmem>>) offsets(%dma_start3A_261 : memref<50xi32, #tpu.memory_space<vmem>>) semaphore(%arg8 : memref<!tpu.dma_semaphore, #tpu.memory_space<semaphore_mem>>)
      %mul3A_265 = arith.constant 32 : i32
      %mul3A_266 = arith.muli %mul3A_10, %mul3A_265 : i32
      %add3A_267 = arith.constant 17 : i32
      %add3A_268 = arith.addi %mul3A_266, %add3A_267 : i32
      %dma_start3A_269 = arith.constant 17 : i32
      %dma_start3A_270 = arith.constant 0 : i32
      %dma_start3A_271 = arith.constant 0 : i32
      %dma_start3A_272 = tpu.memref_slice %arg6[%dma_start3A_269, %dma_start3A_270, %dma_start3A_271] : memref<32x50x32xf32, #tpu.memory_space<vmem>> -> memref<1x50x32xf32, #tpu.memory_space<vmem>>
      %dma_start3A_273 = tpu.memref_squeeze %dma_start3A_272 : memref<1x50x32xf32, #tpu.memory_space<vmem>> -> memref<50x32xf32, #tpu.memory_space<vmem>>
      %dma_start3A_274 = arith.constant 0 : i32
      %dma_start3A_275 = tpu.memref_slice %arg5[%add3A_268, %dma_start3A_274] : memref<512x50xi32, #tpu.memory_space<vmem>> -> memref<1x50xi32, #tpu.memory_space<vmem>>
      %dma_start3A_276 = tpu.memref_squeeze %dma_start3A_275 : memref<1x50xi32, #tpu.memory_space<vmem>> -> memref<50xi32, #tpu.memory_space<vmem>>
      %dma_start3A_277 = arith.constant 0 : i32
      %dma_start3A_278 = arith.constant 0 : i32
      %dma_start3A_279 = tpu.memref_slice %arg3[%dma_start3A_277, %dma_start3A_278] : memref<1000000x32xf32, #tpu.memory_space<hbm>> -> memref<1000000x32xf32, #tpu.memory_space<hbm>>
      tpu.enqueue_indirect_dma source(%dma_start3A_279 : memref<1000000x32xf32, #tpu.memory_space<hbm>>) target(%dma_start3A_273 : memref<50x32xf32, #tpu.memory_space<vmem>>) offsets(%dma_start3A_276 : memref<50xi32, #tpu.memory_space<vmem>>) semaphore(%arg8 : memref<!tpu.dma_semaphore, #tpu.memory_space<semaphore_mem>>)
      %mul3A_280 = arith.constant 32 : i32
      %mul3A_281 = arith.muli %mul3A_10, %mul3A_280 : i32
      %add3A_282 = arith.constant 18 : i32
      %add3A_283 = arith.addi %mul3A_281, %add3A_282 : i32
      %dma_start3A_284 = arith.constant 18 : i32
      %dma_start3A_285 = arith.constant 0 : i32
      %dma_start3A_286 = arith.constant 0 : i32
      %dma_start3A_287 = tpu.memref_slice %arg6[%dma_start3A_284, %dma_start3A_285, %dma_start3A_286] : memref<32x50x32xf32, #tpu.memory_space<vmem>> -> memref<1x50x32xf32, #tpu.memory_space<vmem>>
      %dma_start3A_288 = tpu.memref_squeeze %dma_start3A_287 : memref<1x50x32xf32, #tpu.memory_space<vmem>> -> memref<50x32xf32, #tpu.memory_space<vmem>>
      %dma_start3A_289 = arith.constant 0 : i32
      %dma_start3A_290 = tpu.memref_slice %arg5[%add3A_283, %dma_start3A_289] : memref<512x50xi32, #tpu.memory_space<vmem>> -> memref<1x50xi32, #tpu.memory_space<vmem>>
      %dma_start3A_291 = tpu.memref_squeeze %dma_start3A_290 : memref<1x50xi32, #tpu.memory_space<vmem>> -> memref<50xi32, #tpu.memory_space<vmem>>
      %dma_start3A_292 = arith.constant 0 : i32
      %dma_start3A_293 = arith.constant 0 : i32
      %dma_start3A_294 = tpu.memref_slice %arg3[%dma_start3A_292, %dma_start3A_293] : memref<1000000x32xf32, #tpu.memory_space<hbm>> -> memref<1000000x32xf32, #tpu.memory_space<hbm>>
      tpu.enqueue_indirect_dma source(%dma_start3A_294 : memref<1000000x32xf32, #tpu.memory_space<hbm>>) target(%dma_start3A_288 : memref<50x32xf32, #tpu.memory_space<vmem>>) offsets(%dma_start3A_291 : memref<50xi32, #tpu.memory_space<vmem>>) semaphore(%arg8 : memref<!tpu.dma_semaphore, #tpu.memory_space<semaphore_mem>>)
      %mul3A_295 = arith.constant 32 : i32
      %mul3A_296 = arith.muli %mul3A_10, %mul3A_295 : i32
      %add3A_297 = arith.constant 19 : i32
      %add3A_298 = arith.addi %mul3A_296, %add3A_297 : i32
      %dma_start3A_299 = arith.constant 19 : i32
      %dma_start3A_300 = arith.constant 0 : i32
      %dma_start3A_301 = arith.constant 0 : i32
      %dma_start3A_302 = tpu.memref_slice %arg6[%dma_start3A_299, %dma_start3A_300, %dma_start3A_301] : memref<32x50x32xf32, #tpu.memory_space<vmem>> -> memref<1x50x32xf32, #tpu.memory_space<vmem>>
      %dma_start3A_303 = tpu.memref_squeeze %dma_start3A_302 : memref<1x50x32xf32, #tpu.memory_space<vmem>> -> memref<50x32xf32, #tpu.memory_space<vmem>>
      %dma_start3A_304 = arith.constant 0 : i32
      %dma_start3A_305 = tpu.memref_slice %arg5[%add3A_298, %dma_start3A_304] : memref<512x50xi32, #tpu.memory_space<vmem>> -> memref<1x50xi32, #tpu.memory_space<vmem>>
      %dma_start3A_306 = tpu.memref_squeeze %dma_start3A_305 : memref<1x50xi32, #tpu.memory_space<vmem>> -> memref<50xi32, #tpu.memory_space<vmem>>
      %dma_start3A_307 = arith.constant 0 : i32
      %dma_start3A_308 = arith.constant 0 : i32
      %dma_start3A_309 = tpu.memref_slice %arg3[%dma_start3A_307, %dma_start3A_308] : memref<1000000x32xf32, #tpu.memory_space<hbm>> -> memref<1000000x32xf32, #tpu.memory_space<hbm>>
      tpu.enqueue_indirect_dma source(%dma_start3A_309 : memref<1000000x32xf32, #tpu.memory_space<hbm>>) target(%dma_start3A_303 : memref<50x32xf32, #tpu.memory_space<vmem>>) offsets(%dma_start3A_306 : memref<50xi32, #tpu.memory_space<vmem>>) semaphore(%arg8 : memref<!tpu.dma_semaphore, #tpu.memory_space<semaphore_mem>>)
      %mul3A_310 = arith.constant 32 : i32
      %mul3A_311 = arith.muli %mul3A_10, %mul3A_310 : i32
      %add3A_312 = arith.constant 20 : i32
      %add3A_313 = arith.addi %mul3A_311, %add3A_312 : i32
      %dma_start3A_314 = arith.constant 20 : i32
      %dma_start3A_315 = arith.constant 0 : i32
      %dma_start3A_316 = arith.constant 0 : i32
      %dma_start3A_317 = tpu.memref_slice %arg6[%dma_start3A_314, %dma_start3A_315, %dma_start3A_316] : memref<32x50x32xf32, #tpu.memory_space<vmem>> -> memref<1x50x32xf32, #tpu.memory_space<vmem>>
      %dma_start3A_318 = tpu.memref_squeeze %dma_start3A_317 : memref<1x50x32xf32, #tpu.memory_space<vmem>> -> memref<50x32xf32, #tpu.memory_space<vmem>>
      %dma_start3A_319 = arith.constant 0 : i32
      %dma_start3A_320 = tpu.memref_slice %arg5[%add3A_313, %dma_start3A_319] : memref<512x50xi32, #tpu.memory_space<vmem>> -> memref<1x50xi32, #tpu.memory_space<vmem>>
      %dma_start3A_321 = tpu.memref_squeeze %dma_start3A_320 : memref<1x50xi32, #tpu.memory_space<vmem>> -> memref<50xi32, #tpu.memory_space<vmem>>
      %dma_start3A_322 = arith.constant 0 : i32
      %dma_start3A_323 = arith.constant 0 : i32
      %dma_start3A_324 = tpu.memref_slice %arg3[%dma_start3A_322, %dma_start3A_323] : memref<1000000x32xf32, #tpu.memory_space<hbm>> -> memref<1000000x32xf32, #tpu.memory_space<hbm>>
      tpu.enqueue_indirect_dma source(%dma_start3A_324 : memref<1000000x32xf32, #tpu.memory_space<hbm>>) target(%dma_start3A_318 : memref<50x32xf32, #tpu.memory_space<vmem>>) offsets(%dma_start3A_321 : memref<50xi32, #tpu.memory_space<vmem>>) semaphore(%arg8 : memref<!tpu.dma_semaphore, #tpu.memory_space<semaphore_mem>>)
      %mul3A_325 = arith.constant 32 : i32
      %mul3A_326 = arith.muli %mul3A_10, %mul3A_325 : i32
      %add3A_327 = arith.constant 21 : i32
      %add3A_328 = arith.addi %mul3A_326, %add3A_327 : i32
      %dma_start3A_329 = arith.constant 21 : i32
      %dma_start3A_330 = arith.constant 0 : i32
      %dma_start3A_331 = arith.constant 0 : i32
      %dma_start3A_332 = tpu.memref_slice %arg6[%dma_start3A_329, %dma_start3A_330, %dma_start3A_331] : memref<32x50x32xf32, #tpu.memory_space<vmem>> -> memref<1x50x32xf32, #tpu.memory_space<vmem>>
      %dma_start3A_333 = tpu.memref_squeeze %dma_start3A_332 : memref<1x50x32xf32, #tpu.memory_space<vmem>> -> memref<50x32xf32, #tpu.memory_space<vmem>>
      %dma_start3A_334 = arith.constant 0 : i32
      %dma_start3A_335 = tpu.memref_slice %arg5[%add3A_328, %dma_start3A_334] : memref<512x50xi32, #tpu.memory_space<vmem>> -> memref<1x50xi32, #tpu.memory_space<vmem>>
      %dma_start3A_336 = tpu.memref_squeeze %dma_start3A_335 : memref<1x50xi32, #tpu.memory_space<vmem>> -> memref<50xi32, #tpu.memory_space<vmem>>
      %dma_start3A_337 = arith.constant 0 : i32
      %dma_start3A_338 = arith.constant 0 : i32
      %dma_start3A_339 = tpu.memref_slice %arg3[%dma_start3A_337, %dma_start3A_338] : memref<1000000x32xf32, #tpu.memory_space<hbm>> -> memref<1000000x32xf32, #tpu.memory_space<hbm>>
      tpu.enqueue_indirect_dma source(%dma_start3A_339 : memref<1000000x32xf32, #tpu.memory_space<hbm>>) target(%dma_start3A_333 : memref<50x32xf32, #tpu.memory_space<vmem>>) offsets(%dma_start3A_336 : memref<50xi32, #tpu.memory_space<vmem>>) semaphore(%arg8 : memref<!tpu.dma_semaphore, #tpu.memory_space<semaphore_mem>>)
      %mul3A_340 = arith.constant 32 : i32
      %mul3A_341 = arith.muli %mul3A_10, %mul3A_340 : i32
      %add3A_342 = arith.constant 22 : i32
      %add3A_343 = arith.addi %mul3A_341, %add3A_342 : i32
      %dma_start3A_344 = arith.constant 22 : i32
      %dma_start3A_345 = arith.constant 0 : i32
      %dma_start3A_346 = arith.constant 0 : i32
      %dma_start3A_347 = tpu.memref_slice %arg6[%dma_start3A_344, %dma_start3A_345, %dma_start3A_346] : memref<32x50x32xf32, #tpu.memory_space<vmem>> -> memref<1x50x32xf32, #tpu.memory_space<vmem>>
      %dma_start3A_348 = tpu.memref_squeeze %dma_start3A_347 : memref<1x50x32xf32, #tpu.memory_space<vmem>> -> memref<50x32xf32, #tpu.memory_space<vmem>>
      %dma_start3A_349 = arith.constant 0 : i32
      %dma_start3A_350 = tpu.memref_slice %arg5[%add3A_343, %dma_start3A_349] : memref<512x50xi32, #tpu.memory_space<vmem>> -> memref<1x50xi32, #tpu.memory_space<vmem>>
      %dma_start3A_351 = tpu.memref_squeeze %dma_start3A_350 : memref<1x50xi32, #tpu.memory_space<vmem>> -> memref<50xi32, #tpu.memory_space<vmem>>
      %dma_start3A_352 = arith.constant 0 : i32
      %dma_start3A_353 = arith.constant 0 : i32
      %dma_start3A_354 = tpu.memref_slice %arg3[%dma_start3A_352, %dma_start3A_353] : memref<1000000x32xf32, #tpu.memory_space<hbm>> -> memref<1000000x32xf32, #tpu.memory_space<hbm>>
      tpu.enqueue_indirect_dma source(%dma_start3A_354 : memref<1000000x32xf32, #tpu.memory_space<hbm>>) target(%dma_start3A_348 : memref<50x32xf32, #tpu.memory_space<vmem>>) offsets(%dma_start3A_351 : memref<50xi32, #tpu.memory_space<vmem>>) semaphore(%arg8 : memref<!tpu.dma_semaphore, #tpu.memory_space<semaphore_mem>>)
      %mul3A_355 = arith.constant 32 : i32
      %mul3A_356 = arith.muli %mul3A_10, %mul3A_355 : i32
      %add3A_357 = arith.constant 23 : i32
      %add3A_358 = arith.addi %mul3A_356, %add3A_357 : i32
      %dma_start3A_359 = arith.constant 23 : i32
      %dma_start3A_360 = arith.constant 0 : i32
      %dma_start3A_361 = arith.constant 0 : i32
      %dma_start3A_362 = tpu.memref_slice %arg6[%dma_start3A_359, %dma_start3A_360, %dma_start3A_361] : memref<32x50x32xf32, #tpu.memory_space<vmem>> -> memref<1x50x32xf32, #tpu.memory_space<vmem>>
      %dma_start3A_363 = tpu.memref_squeeze %dma_start3A_362 : memref<1x50x32xf32, #tpu.memory_space<vmem>> -> memref<50x32xf32, #tpu.memory_space<vmem>>
      %dma_start3A_364 = arith.constant 0 : i32
      %dma_start3A_365 = tpu.memref_slice %arg5[%add3A_358, %dma_start3A_364] : memref<512x50xi32, #tpu.memory_space<vmem>> -> memref<1x50xi32, #tpu.memory_space<vmem>>
      %dma_start3A_366 = tpu.memref_squeeze %dma_start3A_365 : memref<1x50xi32, #tpu.memory_space<vmem>> -> memref<50xi32, #tpu.memory_space<vmem>>
      %dma_start3A_367 = arith.constant 0 : i32
      %dma_start3A_368 = arith.constant 0 : i32
      %dma_start3A_369 = tpu.memref_slice %arg3[%dma_start3A_367, %dma_start3A_368] : memref<1000000x32xf32, #tpu.memory_space<hbm>> -> memref<1000000x32xf32, #tpu.memory_space<hbm>>
      tpu.enqueue_indirect_dma source(%dma_start3A_369 : memref<1000000x32xf32, #tpu.memory_space<hbm>>) target(%dma_start3A_363 : memref<50x32xf32, #tpu.memory_space<vmem>>) offsets(%dma_start3A_366 : memref<50xi32, #tpu.memory_space<vmem>>) semaphore(%arg8 : memref<!tpu.dma_semaphore, #tpu.memory_space<semaphore_mem>>)
      %mul3A_370 = arith.constant 32 : i32
      %mul3A_371 = arith.muli %mul3A_10, %mul3A_370 : i32
      %add3A_372 = arith.constant 24 : i32
      %add3A_373 = arith.addi %mul3A_371, %add3A_372 : i32
      %dma_start3A_374 = arith.constant 24 : i32
      %dma_start3A_375 = arith.constant 0 : i32
      %dma_start3A_376 = arith.constant 0 : i32
      %dma_start3A_377 = tpu.memref_slice %arg6[%dma_start3A_374, %dma_start3A_375, %dma_start3A_376] : memref<32x50x32xf32, #tpu.memory_space<vmem>> -> memref<1x50x32xf32, #tpu.memory_space<vmem>>
      %dma_start3A_378 = tpu.memref_squeeze %dma_start3A_377 : memref<1x50x32xf32, #tpu.memory_space<vmem>> -> memref<50x32xf32, #tpu.memory_space<vmem>>
      %dma_start3A_379 = arith.constant 0 : i32
      %dma_start3A_380 = tpu.memref_slice %arg5[%add3A_373, %dma_start3A_379] : memref<512x50xi32, #tpu.memory_space<vmem>> -> memref<1x50xi32, #tpu.memory_space<vmem>>
      %dma_start3A_381 = tpu.memref_squeeze %dma_start3A_380 : memref<1x50xi32, #tpu.memory_space<vmem>> -> memref<50xi32, #tpu.memory_space<vmem>>
      %dma_start3A_382 = arith.constant 0 : i32
      %dma_start3A_383 = arith.constant 0 : i32
      %dma_start3A_384 = tpu.memref_slice %arg3[%dma_start3A_382, %dma_start3A_383] : memref<1000000x32xf32, #tpu.memory_space<hbm>> -> memref<1000000x32xf32, #tpu.memory_space<hbm>>
      tpu.enqueue_indirect_dma source(%dma_start3A_384 : memref<1000000x32xf32, #tpu.memory_space<hbm>>) target(%dma_start3A_378 : memref<50x32xf32, #tpu.memory_space<vmem>>) offsets(%dma_start3A_381 : memref<50xi32, #tpu.memory_space<vmem>>) semaphore(%arg8 : memref<!tpu.dma_semaphore, #tpu.memory_space<semaphore_mem>>)
      %mul3A_385 = arith.constant 32 : i32
      %mul3A_386 = arith.muli %mul3A_10, %mul3A_385 : i32
      %add3A_387 = arith.constant 25 : i32
      %add3A_388 = arith.addi %mul3A_386, %add3A_387 : i32
      %dma_start3A_389 = arith.constant 25 : i32
      %dma_start3A_390 = arith.constant 0 : i32
      %dma_start3A_391 = arith.constant 0 : i32
      %dma_start3A_392 = tpu.memref_slice %arg6[%dma_start3A_389, %dma_start3A_390, %dma_start3A_391] : memref<32x50x32xf32, #tpu.memory_space<vmem>> -> memref<1x50x32xf32, #tpu.memory_space<vmem>>
      %dma_start3A_393 = tpu.memref_squeeze %dma_start3A_392 : memref<1x50x32xf32, #tpu.memory_space<vmem>> -> memref<50x32xf32, #tpu.memory_space<vmem>>
      %dma_start3A_394 = arith.constant 0 : i32
      %dma_start3A_395 = tpu.memref_slice %arg5[%add3A_388, %dma_start3A_394] : memref<512x50xi32, #tpu.memory_space<vmem>> -> memref<1x50xi32, #tpu.memory_space<vmem>>
      %dma_start3A_396 = tpu.memref_squeeze %dma_start3A_395 : memref<1x50xi32, #tpu.memory_space<vmem>> -> memref<50xi32, #tpu.memory_space<vmem>>
      %dma_start3A_397 = arith.constant 0 : i32
      %dma_start3A_398 = arith.constant 0 : i32
      %dma_start3A_399 = tpu.memref_slice %arg3[%dma_start3A_397, %dma_start3A_398] : memref<1000000x32xf32, #tpu.memory_space<hbm>> -> memref<1000000x32xf32, #tpu.memory_space<hbm>>
      tpu.enqueue_indirect_dma source(%dma_start3A_399 : memref<1000000x32xf32, #tpu.memory_space<hbm>>) target(%dma_start3A_393 : memref<50x32xf32, #tpu.memory_space<vmem>>) offsets(%dma_start3A_396 : memref<50xi32, #tpu.memory_space<vmem>>) semaphore(%arg8 : memref<!tpu.dma_semaphore, #tpu.memory_space<semaphore_mem>>)
      %mul3A_400 = arith.constant 32 : i32
      %mul3A_401 = arith.muli %mul3A_10, %mul3A_400 : i32
      %add3A_402 = arith.constant 26 : i32
      %add3A_403 = arith.addi %mul3A_401, %add3A_402 : i32
      %dma_start3A_404 = arith.constant 26 : i32
      %dma_start3A_405 = arith.constant 0 : i32
      %dma_start3A_406 = arith.constant 0 : i32
      %dma_start3A_407 = tpu.memref_slice %arg6[%dma_start3A_404, %dma_start3A_405, %dma_start3A_406] : memref<32x50x32xf32, #tpu.memory_space<vmem>> -> memref<1x50x32xf32, #tpu.memory_space<vmem>>
      %dma_start3A_408 = tpu.memref_squeeze %dma_start3A_407 : memref<1x50x32xf32, #tpu.memory_space<vmem>> -> memref<50x32xf32, #tpu.memory_space<vmem>>
      %dma_start3A_409 = arith.constant 0 : i32
      %dma_start3A_410 = tpu.memref_slice %arg5[%add3A_403, %dma_start3A_409] : memref<512x50xi32, #tpu.memory_space<vmem>> -> memref<1x50xi32, #tpu.memory_space<vmem>>
      %dma_start3A_411 = tpu.memref_squeeze %dma_start3A_410 : memref<1x50xi32, #tpu.memory_space<vmem>> -> memref<50xi32, #tpu.memory_space<vmem>>
      %dma_start3A_412 = arith.constant 0 : i32
      %dma_start3A_413 = arith.constant 0 : i32
      %dma_start3A_414 = tpu.memref_slice %arg3[%dma_start3A_412, %dma_start3A_413] : memref<1000000x32xf32, #tpu.memory_space<hbm>> -> memref<1000000x32xf32, #tpu.memory_space<hbm>>
      tpu.enqueue_indirect_dma source(%dma_start3A_414 : memref<1000000x32xf32, #tpu.memory_space<hbm>>) target(%dma_start3A_408 : memref<50x32xf32, #tpu.memory_space<vmem>>) offsets(%dma_start3A_411 : memref<50xi32, #tpu.memory_space<vmem>>) semaphore(%arg8 : memref<!tpu.dma_semaphore, #tpu.memory_space<semaphore_mem>>)
      %mul3A_415 = arith.constant 32 : i32
      %mul3A_416 = arith.muli %mul3A_10, %mul3A_415 : i32
      %add3A_417 = arith.constant 27 : i32
      %add3A_418 = arith.addi %mul3A_416, %add3A_417 : i32
      %dma_start3A_419 = arith.constant 27 : i32
      %dma_start3A_420 = arith.constant 0 : i32
      %dma_start3A_421 = arith.constant 0 : i32
      %dma_start3A_422 = tpu.memref_slice %arg6[%dma_start3A_419, %dma_start3A_420, %dma_start3A_421] : memref<32x50x32xf32, #tpu.memory_space<vmem>> -> memref<1x50x32xf32, #tpu.memory_space<vmem>>
      %dma_start3A_423 = tpu.memref_squeeze %dma_start3A_422 : memref<1x50x32xf32, #tpu.memory_space<vmem>> -> memref<50x32xf32, #tpu.memory_space<vmem>>
      %dma_start3A_424 = arith.constant 0 : i32
      %dma_start3A_425 = tpu.memref_slice %arg5[%add3A_418, %dma_start3A_424] : memref<512x50xi32, #tpu.memory_space<vmem>> -> memref<1x50xi32, #tpu.memory_space<vmem>>
      %dma_start3A_426 = tpu.memref_squeeze %dma_start3A_425 : memref<1x50xi32, #tpu.memory_space<vmem>> -> memref<50xi32, #tpu.memory_space<vmem>>
      %dma_start3A_427 = arith.constant 0 : i32
      %dma_start3A_428 = arith.constant 0 : i32
      %dma_start3A_429 = tpu.memref_slice %arg3[%dma_start3A_427, %dma_start3A_428] : memref<1000000x32xf32, #tpu.memory_space<hbm>> -> memref<1000000x32xf32, #tpu.memory_space<hbm>>
      tpu.enqueue_indirect_dma source(%dma_start3A_429 : memref<1000000x32xf32, #tpu.memory_space<hbm>>) target(%dma_start3A_423 : memref<50x32xf32, #tpu.memory_space<vmem>>) offsets(%dma_start3A_426 : memref<50xi32, #tpu.memory_space<vmem>>) semaphore(%arg8 : memref<!tpu.dma_semaphore, #tpu.memory_space<semaphore_mem>>)
      %mul3A_430 = arith.constant 32 : i32
      %mul3A_431 = arith.muli %mul3A_10, %mul3A_430 : i32
      %add3A_432 = arith.constant 28 : i32
      %add3A_433 = arith.addi %mul3A_431, %add3A_432 : i32
      %dma_start3A_434 = arith.constant 28 : i32
      %dma_start3A_435 = arith.constant 0 : i32
      %dma_start3A_436 = arith.constant 0 : i32
      %dma_start3A_437 = tpu.memref_slice %arg6[%dma_start3A_434, %dma_start3A_435, %dma_start3A_436] : memref<32x50x32xf32, #tpu.memory_space<vmem>> -> memref<1x50x32xf32, #tpu.memory_space<vmem>>
      %dma_start3A_438 = tpu.memref_squeeze %dma_start3A_437 : memref<1x50x32xf32, #tpu.memory_space<vmem>> -> memref<50x32xf32, #tpu.memory_space<vmem>>
      %dma_start3A_439 = arith.constant 0 : i32
      %dma_start3A_440 = tpu.memref_slice %arg5[%add3A_433, %dma_start3A_439] : memref<512x50xi32, #tpu.memory_space<vmem>> -> memref<1x50xi32, #tpu.memory_space<vmem>>
      %dma_start3A_441 = tpu.memref_squeeze %dma_start3A_440 : memref<1x50xi32, #tpu.memory_space<vmem>> -> memref<50xi32, #tpu.memory_space<vmem>>
      %dma_start3A_442 = arith.constant 0 : i32
      %dma_start3A_443 = arith.constant 0 : i32
      %dma_start3A_444 = tpu.memref_slice %arg3[%dma_start3A_442, %dma_start3A_443] : memref<1000000x32xf32, #tpu.memory_space<hbm>> -> memref<1000000x32xf32, #tpu.memory_space<hbm>>
      tpu.enqueue_indirect_dma source(%dma_start3A_444 : memref<1000000x32xf32, #tpu.memory_space<hbm>>) target(%dma_start3A_438 : memref<50x32xf32, #tpu.memory_space<vmem>>) offsets(%dma_start3A_441 : memref<50xi32, #tpu.memory_space<vmem>>) semaphore(%arg8 : memref<!tpu.dma_semaphore, #tpu.memory_space<semaphore_mem>>)
      %mul3A_445 = arith.constant 32 : i32
      %mul3A_446 = arith.muli %mul3A_10, %mul3A_445 : i32
      %add3A_447 = arith.constant 29 : i32
      %add3A_448 = arith.addi %mul3A_446, %add3A_447 : i32
      %dma_start3A_449 = arith.constant 29 : i32
      %dma_start3A_450 = arith.constant 0 : i32
      %dma_start3A_451 = arith.constant 0 : i32
      %dma_start3A_452 = tpu.memref_slice %arg6[%dma_start3A_449, %dma_start3A_450, %dma_start3A_451] : memref<32x50x32xf32, #tpu.memory_space<vmem>> -> memref<1x50x32xf32, #tpu.memory_space<vmem>>
      %dma_start3A_453 = tpu.memref_squeeze %dma_start3A_452 : memref<1x50x32xf32, #tpu.memory_space<vmem>> -> memref<50x32xf32, #tpu.memory_space<vmem>>
      %dma_start3A_454 = arith.constant 0 : i32
      %dma_start3A_455 = tpu.memref_slice %arg5[%add3A_448, %dma_start3A_454] : memref<512x50xi32, #tpu.memory_space<vmem>> -> memref<1x50xi32, #tpu.memory_space<vmem>>
      %dma_start3A_456 = tpu.memref_squeeze %dma_start3A_455 : memref<1x50xi32, #tpu.memory_space<vmem>> -> memref<50xi32, #tpu.memory_space<vmem>>
      %dma_start3A_457 = arith.constant 0 : i32
      %dma_start3A_458 = arith.constant 0 : i32
      %dma_start3A_459 = tpu.memref_slice %arg3[%dma_start3A_457, %dma_start3A_458] : memref<1000000x32xf32, #tpu.memory_space<hbm>> -> memref<1000000x32xf32, #tpu.memory_space<hbm>>
      tpu.enqueue_indirect_dma source(%dma_start3A_459 : memref<1000000x32xf32, #tpu.memory_space<hbm>>) target(%dma_start3A_453 : memref<50x32xf32, #tpu.memory_space<vmem>>) offsets(%dma_start3A_456 : memref<50xi32, #tpu.memory_space<vmem>>) semaphore(%arg8 : memref<!tpu.dma_semaphore, #tpu.memory_space<semaphore_mem>>)
      %mul3A_460 = arith.constant 32 : i32
      %mul3A_461 = arith.muli %mul3A_10, %mul3A_460 : i32
      %add3A_462 = arith.constant 30 : i32
      %add3A_463 = arith.addi %mul3A_461, %add3A_462 : i32
      %dma_start3A_464 = arith.constant 30 : i32
      %dma_start3A_465 = arith.constant 0 : i32
      %dma_start3A_466 = arith.constant 0 : i32
      %dma_start3A_467 = tpu.memref_slice %arg6[%dma_start3A_464, %dma_start3A_465, %dma_start3A_466] : memref<32x50x32xf32, #tpu.memory_space<vmem>> -> memref<1x50x32xf32, #tpu.memory_space<vmem>>
      %dma_start3A_468 = tpu.memref_squeeze %dma_start3A_467 : memref<1x50x32xf32, #tpu.memory_space<vmem>> -> memref<50x32xf32, #tpu.memory_space<vmem>>
      %dma_start3A_469 = arith.constant 0 : i32
      %dma_start3A_470 = tpu.memref_slice %arg5[%add3A_463, %dma_start3A_469] : memref<512x50xi32, #tpu.memory_space<vmem>> -> memref<1x50xi32, #tpu.memory_space<vmem>>
      %dma_start3A_471 = tpu.memref_squeeze %dma_start3A_470 : memref<1x50xi32, #tpu.memory_space<vmem>> -> memref<50xi32, #tpu.memory_space<vmem>>
      %dma_start3A_472 = arith.constant 0 : i32
      %dma_start3A_473 = arith.constant 0 : i32
      %dma_start3A_474 = tpu.memref_slice %arg3[%dma_start3A_472, %dma_start3A_473] : memref<1000000x32xf32, #tpu.memory_space<hbm>> -> memref<1000000x32xf32, #tpu.memory_space<hbm>>
      tpu.enqueue_indirect_dma source(%dma_start3A_474 : memref<1000000x32xf32, #tpu.memory_space<hbm>>) target(%dma_start3A_468 : memref<50x32xf32, #tpu.memory_space<vmem>>) offsets(%dma_start3A_471 : memref<50xi32, #tpu.memory_space<vmem>>) semaphore(%arg8 : memref<!tpu.dma_semaphore, #tpu.memory_space<semaphore_mem>>)
      %mul3A_475 = arith.constant 32 : i32
      %mul3A_476 = arith.muli %mul3A_10, %mul3A_475 : i32
      %add3A_477 = arith.constant 31 : i32
      %add3A_478 = arith.addi %mul3A_476, %add3A_477 : i32
      %dma_start3A_479 = arith.constant 31 : i32
      %dma_start3A_480 = arith.constant 0 : i32
      %dma_start3A_481 = arith.constant 0 : i32
      %dma_start3A_482 = tpu.memref_slice %arg6[%dma_start3A_479, %dma_start3A_480, %dma_start3A_481] : memref<32x50x32xf32, #tpu.memory_space<vmem>> -> memref<1x50x32xf32, #tpu.memory_space<vmem>>
      %dma_start3A_483 = tpu.memref_squeeze %dma_start3A_482 : memref<1x50x32xf32, #tpu.memory_space<vmem>> -> memref<50x32xf32, #tpu.memory_space<vmem>>
      %dma_start3A_484 = arith.constant 0 : i32
      %dma_start3A_485 = tpu.memref_slice %arg5[%add3A_478, %dma_start3A_484] : memref<512x50xi32, #tpu.memory_space<vmem>> -> memref<1x50xi32, #tpu.memory_space<vmem>>
      %dma_start3A_486 = tpu.memref_squeeze %dma_start3A_485 : memref<1x50xi32, #tpu.memory_space<vmem>> -> memref<50xi32, #tpu.memory_space<vmem>>
      %dma_start3A_487 = arith.constant 0 : i32
      %dma_start3A_488 = arith.constant 0 : i32
      %dma_start3A_489 = tpu.memref_slice %arg3[%dma_start3A_487, %dma_start3A_488] : memref<1000000x32xf32, #tpu.memory_space<hbm>> -> memref<1000000x32xf32, #tpu.memory_space<hbm>>
      tpu.enqueue_indirect_dma source(%dma_start3A_489 : memref<1000000x32xf32, #tpu.memory_space<hbm>>) target(%dma_start3A_483 : memref<50x32xf32, #tpu.memory_space<vmem>>) offsets(%dma_start3A_486 : memref<50xi32, #tpu.memory_space<vmem>>) semaphore(%arg8 : memref<!tpu.dma_semaphore, #tpu.memory_space<semaphore_mem>>)
      %add3A_490 = arith.constant 1 : i32
      %add3A_491 = arith.addi %mul3A_10, %add3A_490 : i32
      %mul3A_492 = arith.constant 32 : i32
      %mul3A_493 = arith.muli %add3A_491, %mul3A_492 : i32
      %add3A_494 = arith.constant 0 : i32
      %add3A_495 = arith.addi %mul3A_493, %add3A_494 : i32
      %dma_start3A_496 = arith.constant 0 : i32
      %dma_start3A_497 = arith.constant 0 : i32
      %dma_start3A_498 = arith.constant 0 : i32
      %dma_start3A_499 = tpu.memref_slice %arg7[%dma_start3A_496, %dma_start3A_497, %dma_start3A_498] : memref<32x50x32xf32, #tpu.memory_space<vmem>> -> memref<1x50x32xf32, #tpu.memory_space<vmem>>
      %dma_start3A_500 = tpu.memref_squeeze %dma_start3A_499 : memref<1x50x32xf32, #tpu.memory_space<vmem>> -> memref<50x32xf32, #tpu.memory_space<vmem>>
      %dma_start3A_501 = arith.constant 0 : i32
      %dma_start3A_502 = tpu.memref_slice %arg5[%add3A_495, %dma_start3A_501] : memref<512x50xi32, #tpu.memory_space<vmem>> -> memref<1x50xi32, #tpu.memory_space<vmem>>
      %dma_start3A_503 = tpu.memref_squeeze %dma_start3A_502 : memref<1x50xi32, #tpu.memory_space<vmem>> -> memref<50xi32, #tpu.memory_space<vmem>>
      %dma_start3A_504 = arith.constant 0 : i32
      %dma_start3A_505 = arith.constant 0 : i32
      %dma_start3A_506 = tpu.memref_slice %arg3[%dma_start3A_504, %dma_start3A_505] : memref<1000000x32xf32, #tpu.memory_space<hbm>> -> memref<1000000x32xf32, #tpu.memory_space<hbm>>
      tpu.enqueue_indirect_dma source(%dma_start3A_506 : memref<1000000x32xf32, #tpu.memory_space<hbm>>) target(%dma_start3A_500 : memref<50x32xf32, #tpu.memory_space<vmem>>) offsets(%dma_start3A_503 : memref<50xi32, #tpu.memory_space<vmem>>) semaphore(%arg9 : memref<!tpu.dma_semaphore, #tpu.memory_space<semaphore_mem>>)
      %mul3A_507 = arith.constant 32 : i32
      %mul3A_508 = arith.muli %add3A_491, %mul3A_507 : i32
      %add3A_509 = arith.constant 1 : i32
      %add3A_510 = arith.addi %mul3A_508, %add3A_509 : i32
      %dma_start3A_511 = arith.constant 1 : i32
      %dma_start3A_512 = arith.constant 0 : i32
      %dma_start3A_513 = arith.constant 0 : i32
      %dma_start3A_514 = tpu.memref_slice %arg7[%dma_start3A_511, %dma_start3A_512, %dma_start3A_513] : memref<32x50x32xf32, #tpu.memory_space<vmem>> -> memref<1x50x32xf32, #tpu.memory_space<vmem>>
      %dma_start3A_515 = tpu.memref_squeeze %dma_start3A_514 : memref<1x50x32xf32, #tpu.memory_space<vmem>> -> memref<50x32xf32, #tpu.memory_space<vmem>>
      %dma_start3A_516 = arith.constant 0 : i32
      %dma_start3A_517 = tpu.memref_slice %arg5[%add3A_510, %dma_start3A_516] : memref<512x50xi32, #tpu.memory_space<vmem>> -> memref<1x50xi32, #tpu.memory_space<vmem>>
      %dma_start3A_518 = tpu.memref_squeeze %dma_start3A_517 : memref<1x50xi32, #tpu.memory_space<vmem>> -> memref<50xi32, #tpu.memory_space<vmem>>
      %dma_start3A_519 = arith.constant 0 : i32
      %dma_start3A_520 = arith.constant 0 : i32
      %dma_start3A_521 = tpu.memref_slice %arg3[%dma_start3A_519, %dma_start3A_520] : memref<1000000x32xf32, #tpu.memory_space<hbm>> -> memref<1000000x32xf32, #tpu.memory_space<hbm>>
      tpu.enqueue_indirect_dma source(%dma_start3A_521 : memref<1000000x32xf32, #tpu.memory_space<hbm>>) target(%dma_start3A_515 : memref<50x32xf32, #tpu.memory_space<vmem>>) offsets(%dma_start3A_518 : memref<50xi32, #tpu.memory_space<vmem>>) semaphore(%arg9 : memref<!tpu.dma_semaphore, #tpu.memory_space<semaphore_mem>>)
      %mul3A_522 = arith.constant 32 : i32
      %mul3A_523 = arith.muli %add3A_491, %mul3A_522 : i32
      %add3A_524 = arith.constant 2 : i32
      %add3A_525 = arith.addi %mul3A_523, %add3A_524 : i32
      %dma_start3A_526 = arith.constant 2 : i32
      %dma_start3A_527 = arith.constant 0 : i32
      %dma_start3A_528 = arith.constant 0 : i32
      %dma_start3A_529 = tpu.memref_slice %arg7[%dma_start3A_526, %dma_start3A_527, %dma_start3A_528] : memref<32x50x32xf32, #tpu.memory_space<vmem>> -> memref<1x50x32xf32, #tpu.memory_space<vmem>>
      %dma_start3A_530 = tpu.memref_squeeze %dma_start3A_529 : memref<1x50x32xf32, #tpu.memory_space<vmem>> -> memref<50x32xf32, #tpu.memory_space<vmem>>
      %dma_start3A_531 = arith.constant 0 : i32
      %dma_start3A_532 = tpu.memref_slice %arg5[%add3A_525, %dma_start3A_531] : memref<512x50xi32, #tpu.memory_space<vmem>> -> memref<1x50xi32, #tpu.memory_space<vmem>>
      %dma_start3A_533 = tpu.memref_squeeze %dma_start3A_532 : memref<1x50xi32, #tpu.memory_space<vmem>> -> memref<50xi32, #tpu.memory_space<vmem>>
      %dma_start3A_534 = arith.constant 0 : i32
      %dma_start3A_535 = arith.constant 0 : i32
      %dma_start3A_536 = tpu.memref_slice %arg3[%dma_start3A_534, %dma_start3A_535] : memref<1000000x32xf32, #tpu.memory_space<hbm>> -> memref<1000000x32xf32, #tpu.memory_space<hbm>>
      tpu.enqueue_indirect_dma source(%dma_start3A_536 : memref<1000000x32xf32, #tpu.memory_space<hbm>>) target(%dma_start3A_530 : memref<50x32xf32, #tpu.memory_space<vmem>>) offsets(%dma_start3A_533 : memref<50xi32, #tpu.memory_space<vmem>>) semaphore(%arg9 : memref<!tpu.dma_semaphore, #tpu.memory_space<semaphore_mem>>)
      %mul3A_537 = arith.constant 32 : i32
      %mul3A_538 = arith.muli %add3A_491, %mul3A_537 : i32
      %add3A_539 = arith.constant 3 : i32
      %add3A_540 = arith.addi %mul3A_538, %add3A_539 : i32
      %dma_start3A_541 = arith.constant 3 : i32
      %dma_start3A_542 = arith.constant 0 : i32
      %dma_start3A_543 = arith.constant 0 : i32
      %dma_start3A_544 = tpu.memref_slice %arg7[%dma_start3A_541, %dma_start3A_542, %dma_start3A_543] : memref<32x50x32xf32, #tpu.memory_space<vmem>> -> memref<1x50x32xf32, #tpu.memory_space<vmem>>
      %dma_start3A_545 = tpu.memref_squeeze %dma_start3A_544 : memref<1x50x32xf32, #tpu.memory_space<vmem>> -> memref<50x32xf32, #tpu.memory_space<vmem>>
      %dma_start3A_546 = arith.constant 0 : i32
      %dma_start3A_547 = tpu.memref_slice %arg5[%add3A_540, %dma_start3A_546] : memref<512x50xi32, #tpu.memory_space<vmem>> -> memref<1x50xi32, #tpu.memory_space<vmem>>
      %dma_start3A_548 = tpu.memref_squeeze %dma_start3A_547 : memref<1x50xi32, #tpu.memory_space<vmem>> -> memref<50xi32, #tpu.memory_space<vmem>>
      %dma_start3A_549 = arith.constant 0 : i32
      %dma_start3A_550 = arith.constant 0 : i32
      %dma_start3A_551 = tpu.memref_slice %arg3[%dma_start3A_549, %dma_start3A_550] : memref<1000000x32xf32, #tpu.memory_space<hbm>> -> memref<1000000x32xf32, #tpu.memory_space<hbm>>
      tpu.enqueue_indirect_dma source(%dma_start3A_551 : memref<1000000x32xf32, #tpu.memory_space<hbm>>) target(%dma_start3A_545 : memref<50x32xf32, #tpu.memory_space<vmem>>) offsets(%dma_start3A_548 : memref<50xi32, #tpu.memory_space<vmem>>) semaphore(%arg9 : memref<!tpu.dma_semaphore, #tpu.memory_space<semaphore_mem>>)
      %mul3A_552 = arith.constant 32 : i32
      %mul3A_553 = arith.muli %add3A_491, %mul3A_552 : i32
      %add3A_554 = arith.constant 4 : i32
      %add3A_555 = arith.addi %mul3A_553, %add3A_554 : i32
      %dma_start3A_556 = arith.constant 4 : i32
      %dma_start3A_557 = arith.constant 0 : i32
      %dma_start3A_558 = arith.constant 0 : i32
      %dma_start3A_559 = tpu.memref_slice %arg7[%dma_start3A_556, %dma_start3A_557, %dma_start3A_558] : memref<32x50x32xf32, #tpu.memory_space<vmem>> -> memref<1x50x32xf32, #tpu.memory_space<vmem>>
      %dma_start3A_560 = tpu.memref_squeeze %dma_start3A_559 : memref<1x50x32xf32, #tpu.memory_space<vmem>> -> memref<50x32xf32, #tpu.memory_space<vmem>>
      %dma_start3A_561 = arith.constant 0 : i32
      %dma_start3A_562 = tpu.memref_slice %arg5[%add3A_555, %dma_start3A_561] : memref<512x50xi32, #tpu.memory_space<vmem>> -> memref<1x50xi32, #tpu.memory_space<vmem>>
      %dma_start3A_563 = tpu.memref_squeeze %dma_start3A_562 : memref<1x50xi32, #tpu.memory_space<vmem>> -> memref<50xi32, #tpu.memory_space<vmem>>
      %dma_start3A_564 = arith.constant 0 : i32
      %dma_start3A_565 = arith.constant 0 : i32
      %dma_start3A_566 = tpu.memref_slice %arg3[%dma_start3A_564, %dma_start3A_565] : memref<1000000x32xf32, #tpu.memory_space<hbm>> -> memref<1000000x32xf32, #tpu.memory_space<hbm>>
      tpu.enqueue_indirect_dma source(%dma_start3A_566 : memref<1000000x32xf32, #tpu.memory_space<hbm>>) target(%dma_start3A_560 : memref<50x32xf32, #tpu.memory_space<vmem>>) offsets(%dma_start3A_563 : memref<50xi32, #tpu.memory_space<vmem>>) semaphore(%arg9 : memref<!tpu.dma_semaphore, #tpu.memory_space<semaphore_mem>>)
      %mul3A_567 = arith.constant 32 : i32
      %mul3A_568 = arith.muli %add3A_491, %mul3A_567 : i32
      %add3A_569 = arith.constant 5 : i32
      %add3A_570 = arith.addi %mul3A_568, %add3A_569 : i32
      %dma_start3A_571 = arith.constant 5 : i32
      %dma_start3A_572 = arith.constant 0 : i32
      %dma_start3A_573 = arith.constant 0 : i32
      %dma_start3A_574 = tpu.memref_slice %arg7[%dma_start3A_571, %dma_start3A_572, %dma_start3A_573] : memref<32x50x32xf32, #tpu.memory_space<vmem>> -> memref<1x50x32xf32, #tpu.memory_space<vmem>>
      %dma_start3A_575 = tpu.memref_squeeze %dma_start3A_574 : memref<1x50x32xf32, #tpu.memory_space<vmem>> -> memref<50x32xf32, #tpu.memory_space<vmem>>
      %dma_start3A_576 = arith.constant 0 : i32
      %dma_start3A_577 = tpu.memref_slice %arg5[%add3A_570, %dma_start3A_576] : memref<512x50xi32, #tpu.memory_space<vmem>> -> memref<1x50xi32, #tpu.memory_space<vmem>>
      %dma_start3A_578 = tpu.memref_squeeze %dma_start3A_577 : memref<1x50xi32, #tpu.memory_space<vmem>> -> memref<50xi32, #tpu.memory_space<vmem>>
      %dma_start3A_579 = arith.constant 0 : i32
      %dma_start3A_580 = arith.constant 0 : i32
      %dma_start3A_581 = tpu.memref_slice %arg3[%dma_start3A_579, %dma_start3A_580] : memref<1000000x32xf32, #tpu.memory_space<hbm>> -> memref<1000000x32xf32, #tpu.memory_space<hbm>>
      tpu.enqueue_indirect_dma source(%dma_start3A_581 : memref<1000000x32xf32, #tpu.memory_space<hbm>>) target(%dma_start3A_575 : memref<50x32xf32, #tpu.memory_space<vmem>>) offsets(%dma_start3A_578 : memref<50xi32, #tpu.memory_space<vmem>>) semaphore(%arg9 : memref<!tpu.dma_semaphore, #tpu.memory_space<semaphore_mem>>)
      %mul3A_582 = arith.constant 32 : i32
      %mul3A_583 = arith.muli %add3A_491, %mul3A_582 : i32
      %add3A_584 = arith.constant 6 : i32
      %add3A_585 = arith.addi %mul3A_583, %add3A_584 : i32
      %dma_start3A_586 = arith.constant 6 : i32
      %dma_start3A_587 = arith.constant 0 : i32
      %dma_start3A_588 = arith.constant 0 : i32
      %dma_start3A_589 = tpu.memref_slice %arg7[%dma_start3A_586, %dma_start3A_587, %dma_start3A_588] : memref<32x50x32xf32, #tpu.memory_space<vmem>> -> memref<1x50x32xf32, #tpu.memory_space<vmem>>
      %dma_start3A_590 = tpu.memref_squeeze %dma_start3A_589 : memref<1x50x32xf32, #tpu.memory_space<vmem>> -> memref<50x32xf32, #tpu.memory_space<vmem>>
      %dma_start3A_591 = arith.constant 0 : i32
      %dma_start3A_592 = tpu.memref_slice %arg5[%add3A_585, %dma_start3A_591] : memref<512x50xi32, #tpu.memory_space<vmem>> -> memref<1x50xi32, #tpu.memory_space<vmem>>
      %dma_start3A_593 = tpu.memref_squeeze %dma_start3A_592 : memref<1x50xi32, #tpu.memory_space<vmem>> -> memref<50xi32, #tpu.memory_space<vmem>>
      %dma_start3A_594 = arith.constant 0 : i32
      %dma_start3A_595 = arith.constant 0 : i32
      %dma_start3A_596 = tpu.memref_slice %arg3[%dma_start3A_594, %dma_start3A_595] : memref<1000000x32xf32, #tpu.memory_space<hbm>> -> memref<1000000x32xf32, #tpu.memory_space<hbm>>
      tpu.enqueue_indirect_dma source(%dma_start3A_596 : memref<1000000x32xf32, #tpu.memory_space<hbm>>) target(%dma_start3A_590 : memref<50x32xf32, #tpu.memory_space<vmem>>) offsets(%dma_start3A_593 : memref<50xi32, #tpu.memory_space<vmem>>) semaphore(%arg9 : memref<!tpu.dma_semaphore, #tpu.memory_space<semaphore_mem>>)
      %mul3A_597 = arith.constant 32 : i32
      %mul3A_598 = arith.muli %add3A_491, %mul3A_597 : i32
      %add3A_599 = arith.constant 7 : i32
      %add3A_600 = arith.addi %mul3A_598, %add3A_599 : i32
      %dma_start3A_601 = arith.constant 7 : i32
      %dma_start3A_602 = arith.constant 0 : i32
      %dma_start3A_603 = arith.constant 0 : i32
      %dma_start3A_604 = tpu.memref_slice %arg7[%dma_start3A_601, %dma_start3A_602, %dma_start3A_603] : memref<32x50x32xf32, #tpu.memory_space<vmem>> -> memref<1x50x32xf32, #tpu.memory_space<vmem>>
      %dma_start3A_605 = tpu.memref_squeeze %dma_start3A_604 : memref<1x50x32xf32, #tpu.memory_space<vmem>> -> memref<50x32xf32, #tpu.memory_space<vmem>>
      %dma_start3A_606 = arith.constant 0 : i32
      %dma_start3A_607 = tpu.memref_slice %arg5[%add3A_600, %dma_start3A_606] : memref<512x50xi32, #tpu.memory_space<vmem>> -> memref<1x50xi32, #tpu.memory_space<vmem>>
      %dma_start3A_608 = tpu.memref_squeeze %dma_start3A_607 : memref<1x50xi32, #tpu.memory_space<vmem>> -> memref<50xi32, #tpu.memory_space<vmem>>
      %dma_start3A_609 = arith.constant 0 : i32
      %dma_start3A_610 = arith.constant 0 : i32
      %dma_start3A_611 = tpu.memref_slice %arg3[%dma_start3A_609, %dma_start3A_610] : memref<1000000x32xf32, #tpu.memory_space<hbm>> -> memref<1000000x32xf32, #tpu.memory_space<hbm>>
      tpu.enqueue_indirect_dma source(%dma_start3A_611 : memref<1000000x32xf32, #tpu.memory_space<hbm>>) target(%dma_start3A_605 : memref<50x32xf32, #tpu.memory_space<vmem>>) offsets(%dma_start3A_608 : memref<50xi32, #tpu.memory_space<vmem>>) semaphore(%arg9 : memref<!tpu.dma_semaphore, #tpu.memory_space<semaphore_mem>>)
      %mul3A_612 = arith.constant 32 : i32
      %mul3A_613 = arith.muli %add3A_491, %mul3A_612 : i32
      %add3A_614 = arith.constant 8 : i32
      %add3A_615 = arith.addi %mul3A_613, %add3A_614 : i32
      %dma_start3A_616 = arith.constant 8 : i32
      %dma_start3A_617 = arith.constant 0 : i32
      %dma_start3A_618 = arith.constant 0 : i32
      %dma_start3A_619 = tpu.memref_slice %arg7[%dma_start3A_616, %dma_start3A_617, %dma_start3A_618] : memref<32x50x32xf32, #tpu.memory_space<vmem>> -> memref<1x50x32xf32, #tpu.memory_space<vmem>>
      %dma_start3A_620 = tpu.memref_squeeze %dma_start3A_619 : memref<1x50x32xf32, #tpu.memory_space<vmem>> -> memref<50x32xf32, #tpu.memory_space<vmem>>
      %dma_start3A_621 = arith.constant 0 : i32
      %dma_start3A_622 = tpu.memref_slice %arg5[%add3A_615, %dma_start3A_621] : memref<512x50xi32, #tpu.memory_space<vmem>> -> memref<1x50xi32, #tpu.memory_space<vmem>>
      %dma_start3A_623 = tpu.memref_squeeze %dma_start3A_622 : memref<1x50xi32, #tpu.memory_space<vmem>> -> memref<50xi32, #tpu.memory_space<vmem>>
      %dma_start3A_624 = arith.constant 0 : i32
      %dma_start3A_625 = arith.constant 0 : i32
      %dma_start3A_626 = tpu.memref_slice %arg3[%dma_start3A_624, %dma_start3A_625] : memref<1000000x32xf32, #tpu.memory_space<hbm>> -> memref<1000000x32xf32, #tpu.memory_space<hbm>>
      tpu.enqueue_indirect_dma source(%dma_start3A_626 : memref<1000000x32xf32, #tpu.memory_space<hbm>>) target(%dma_start3A_620 : memref<50x32xf32, #tpu.memory_space<vmem>>) offsets(%dma_start3A_623 : memref<50xi32, #tpu.memory_space<vmem>>) semaphore(%arg9 : memref<!tpu.dma_semaphore, #tpu.memory_space<semaphore_mem>>)
      %mul3A_627 = arith.constant 32 : i32
      %mul3A_628 = arith.muli %add3A_491, %mul3A_627 : i32
      %add3A_629 = arith.constant 9 : i32
      %add3A_630 = arith.addi %mul3A_628, %add3A_629 : i32
      %dma_start3A_631 = arith.constant 9 : i32
      %dma_start3A_632 = arith.constant 0 : i32
      %dma_start3A_633 = arith.constant 0 : i32
      %dma_start3A_634 = tpu.memref_slice %arg7[%dma_start3A_631, %dma_start3A_632, %dma_start3A_633] : memref<32x50x32xf32, #tpu.memory_space<vmem>> -> memref<1x50x32xf32, #tpu.memory_space<vmem>>
      %dma_start3A_635 = tpu.memref_squeeze %dma_start3A_634 : memref<1x50x32xf32, #tpu.memory_space<vmem>> -> memref<50x32xf32, #tpu.memory_space<vmem>>
      %dma_start3A_636 = arith.constant 0 : i32
      %dma_start3A_637 = tpu.memref_slice %arg5[%add3A_630, %dma_start3A_636] : memref<512x50xi32, #tpu.memory_space<vmem>> -> memref<1x50xi32, #tpu.memory_space<vmem>>
      %dma_start3A_638 = tpu.memref_squeeze %dma_start3A_637 : memref<1x50xi32, #tpu.memory_space<vmem>> -> memref<50xi32, #tpu.memory_space<vmem>>
      %dma_start3A_639 = arith.constant 0 : i32
      %dma_start3A_640 = arith.constant 0 : i32
      %dma_start3A_641 = tpu.memref_slice %arg3[%dma_start3A_639, %dma_start3A_640] : memref<1000000x32xf32, #tpu.memory_space<hbm>> -> memref<1000000x32xf32, #tpu.memory_space<hbm>>
      tpu.enqueue_indirect_dma source(%dma_start3A_641 : memref<1000000x32xf32, #tpu.memory_space<hbm>>) target(%dma_start3A_635 : memref<50x32xf32, #tpu.memory_space<vmem>>) offsets(%dma_start3A_638 : memref<50xi32, #tpu.memory_space<vmem>>) semaphore(%arg9 : memref<!tpu.dma_semaphore, #tpu.memory_space<semaphore_mem>>)
      %mul3A_642 = arith.constant 32 : i32
      %mul3A_643 = arith.muli %add3A_491, %mul3A_642 : i32
      %add3A_644 = arith.constant 10 : i32
      %add3A_645 = arith.addi %mul3A_643, %add3A_644 : i32
      %dma_start3A_646 = arith.constant 10 : i32
      %dma_start3A_647 = arith.constant 0 : i32
      %dma_start3A_648 = arith.constant 0 : i32
      %dma_start3A_649 = tpu.memref_slice %arg7[%dma_start3A_646, %dma_start3A_647, %dma_start3A_648] : memref<32x50x32xf32, #tpu.memory_space<vmem>> -> memref<1x50x32xf32, #tpu.memory_space<vmem>>
      %dma_start3A_650 = tpu.memref_squeeze %dma_start3A_649 : memref<1x50x32xf32, #tpu.memory_space<vmem>> -> memref<50x32xf32, #tpu.memory_space<vmem>>
      %dma_start3A_651 = arith.constant 0 : i32
      %dma_start3A_652 = tpu.memref_slice %arg5[%add3A_645, %dma_start3A_651] : memref<512x50xi32, #tpu.memory_space<vmem>> -> memref<1x50xi32, #tpu.memory_space<vmem>>
      %dma_start3A_653 = tpu.memref_squeeze %dma_start3A_652 : memref<1x50xi32, #tpu.memory_space<vmem>> -> memref<50xi32, #tpu.memory_space<vmem>>
      %dma_start3A_654 = arith.constant 0 : i32
      %dma_start3A_655 = arith.constant 0 : i32
      %dma_start3A_656 = tpu.memref_slice %arg3[%dma_start3A_654, %dma_start3A_655] : memref<1000000x32xf32, #tpu.memory_space<hbm>> -> memref<1000000x32xf32, #tpu.memory_space<hbm>>
      tpu.enqueue_indirect_dma source(%dma_start3A_656 : memref<1000000x32xf32, #tpu.memory_space<hbm>>) target(%dma_start3A_650 : memref<50x32xf32, #tpu.memory_space<vmem>>) offsets(%dma_start3A_653 : memref<50xi32, #tpu.memory_space<vmem>>) semaphore(%arg9 : memref<!tpu.dma_semaphore, #tpu.memory_space<semaphore_mem>>)
      %mul3A_657 = arith.constant 32 : i32
      %mul3A_658 = arith.muli %add3A_491, %mul3A_657 : i32
      %add3A_659 = arith.constant 11 : i32
      %add3A_660 = arith.addi %mul3A_658, %add3A_659 : i32
      %dma_start3A_661 = arith.constant 11 : i32
      %dma_start3A_662 = arith.constant 0 : i32
      %dma_start3A_663 = arith.constant 0 : i32
      %dma_start3A_664 = tpu.memref_slice %arg7[%dma_start3A_661, %dma_start3A_662, %dma_start3A_663] : memref<32x50x32xf32, #tpu.memory_space<vmem>> -> memref<1x50x32xf32, #tpu.memory_space<vmem>>
      %dma_start3A_665 = tpu.memref_squeeze %dma_start3A_664 : memref<1x50x32xf32, #tpu.memory_space<vmem>> -> memref<50x32xf32, #tpu.memory_space<vmem>>
      %dma_start3A_666 = arith.constant 0 : i32
      %dma_start3A_667 = tpu.memref_slice %arg5[%add3A_660, %dma_start3A_666] : memref<512x50xi32, #tpu.memory_space<vmem>> -> memref<1x50xi32, #tpu.memory_space<vmem>>
      %dma_start3A_668 = tpu.memref_squeeze %dma_start3A_667 : memref<1x50xi32, #tpu.memory_space<vmem>> -> memref<50xi32, #tpu.memory_space<vmem>>
      %dma_start3A_669 = arith.constant 0 : i32
      %dma_start3A_670 = arith.constant 0 : i32
      %dma_start3A_671 = tpu.memref_slice %arg3[%dma_start3A_669, %dma_start3A_670] : memref<1000000x32xf32, #tpu.memory_space<hbm>> -> memref<1000000x32xf32, #tpu.memory_space<hbm>>
      tpu.enqueue_indirect_dma source(%dma_start3A_671 : memref<1000000x32xf32, #tpu.memory_space<hbm>>) target(%dma_start3A_665 : memref<50x32xf32, #tpu.memory_space<vmem>>) offsets(%dma_start3A_668 : memref<50xi32, #tpu.memory_space<vmem>>) semaphore(%arg9 : memref<!tpu.dma_semaphore, #tpu.memory_space<semaphore_mem>>)
      %mul3A_672 = arith.constant 32 : i32
      %mul3A_673 = arith.muli %add3A_491, %mul3A_672 : i32
      %add3A_674 = arith.constant 12 : i32
      %add3A_675 = arith.addi %mul3A_673, %add3A_674 : i32
      %dma_start3A_676 = arith.constant 12 : i32
      %dma_start3A_677 = arith.constant 0 : i32
      %dma_start3A_678 = arith.constant 0 : i32
      %dma_start3A_679 = tpu.memref_slice %arg7[%dma_start3A_676, %dma_start3A_677, %dma_start3A_678] : memref<32x50x32xf32, #tpu.memory_space<vmem>> -> memref<1x50x32xf32, #tpu.memory_space<vmem>>
      %dma_start3A_680 = tpu.memref_squeeze %dma_start3A_679 : memref<1x50x32xf32, #tpu.memory_space<vmem>> -> memref<50x32xf32, #tpu.memory_space<vmem>>
      %dma_start3A_681 = arith.constant 0 : i32
      %dma_start3A_682 = tpu.memref_slice %arg5[%add3A_675, %dma_start3A_681] : memref<512x50xi32, #tpu.memory_space<vmem>> -> memref<1x50xi32, #tpu.memory_space<vmem>>
      %dma_start3A_683 = tpu.memref_squeeze %dma_start3A_682 : memref<1x50xi32, #tpu.memory_space<vmem>> -> memref<50xi32, #tpu.memory_space<vmem>>
      %dma_start3A_684 = arith.constant 0 : i32
      %dma_start3A_685 = arith.constant 0 : i32
      %dma_start3A_686 = tpu.memref_slice %arg3[%dma_start3A_684, %dma_start3A_685] : memref<1000000x32xf32, #tpu.memory_space<hbm>> -> memref<1000000x32xf32, #tpu.memory_space<hbm>>
      tpu.enqueue_indirect_dma source(%dma_start3A_686 : memref<1000000x32xf32, #tpu.memory_space<hbm>>) target(%dma_start3A_680 : memref<50x32xf32, #tpu.memory_space<vmem>>) offsets(%dma_start3A_683 : memref<50xi32, #tpu.memory_space<vmem>>) semaphore(%arg9 : memref<!tpu.dma_semaphore, #tpu.memory_space<semaphore_mem>>)
      %mul3A_687 = arith.constant 32 : i32
      %mul3A_688 = arith.muli %add3A_491, %mul3A_687 : i32
      %add3A_689 = arith.constant 13 : i32
      %add3A_690 = arith.addi %mul3A_688, %add3A_689 : i32
      %dma_start3A_691 = arith.constant 13 : i32
      %dma_start3A_692 = arith.constant 0 : i32
      %dma_start3A_693 = arith.constant 0 : i32
      %dma_start3A_694 = tpu.memref_slice %arg7[%dma_start3A_691, %dma_start3A_692, %dma_start3A_693] : memref<32x50x32xf32, #tpu.memory_space<vmem>> -> memref<1x50x32xf32, #tpu.memory_space<vmem>>
      %dma_start3A_695 = tpu.memref_squeeze %dma_start3A_694 : memref<1x50x32xf32, #tpu.memory_space<vmem>> -> memref<50x32xf32, #tpu.memory_space<vmem>>
      %dma_start3A_696 = arith.constant 0 : i32
      %dma_start3A_697 = tpu.memref_slice %arg5[%add3A_690, %dma_start3A_696] : memref<512x50xi32, #tpu.memory_space<vmem>> -> memref<1x50xi32, #tpu.memory_space<vmem>>
      %dma_start3A_698 = tpu.memref_squeeze %dma_start3A_697 : memref<1x50xi32, #tpu.memory_space<vmem>> -> memref<50xi32, #tpu.memory_space<vmem>>
      %dma_start3A_699 = arith.constant 0 : i32
      %dma_start3A_700 = arith.constant 0 : i32
      %dma_start3A_701 = tpu.memref_slice %arg3[%dma_start3A_699, %dma_start3A_700] : memref<1000000x32xf32, #tpu.memory_space<hbm>> -> memref<1000000x32xf32, #tpu.memory_space<hbm>>
      tpu.enqueue_indirect_dma source(%dma_start3A_701 : memref<1000000x32xf32, #tpu.memory_space<hbm>>) target(%dma_start3A_695 : memref<50x32xf32, #tpu.memory_space<vmem>>) offsets(%dma_start3A_698 : memref<50xi32, #tpu.memory_space<vmem>>) semaphore(%arg9 : memref<!tpu.dma_semaphore, #tpu.memory_space<semaphore_mem>>)
      %mul3A_702 = arith.constant 32 : i32
      %mul3A_703 = arith.muli %add3A_491, %mul3A_702 : i32
      %add3A_704 = arith.constant 14 : i32
      %add3A_705 = arith.addi %mul3A_703, %add3A_704 : i32
      %dma_start3A_706 = arith.constant 14 : i32
      %dma_start3A_707 = arith.constant 0 : i32
      %dma_start3A_708 = arith.constant 0 : i32
      %dma_start3A_709 = tpu.memref_slice %arg7[%dma_start3A_706, %dma_start3A_707, %dma_start3A_708] : memref<32x50x32xf32, #tpu.memory_space<vmem>> -> memref<1x50x32xf32, #tpu.memory_space<vmem>>
      %dma_start3A_710 = tpu.memref_squeeze %dma_start3A_709 : memref<1x50x32xf32, #tpu.memory_space<vmem>> -> memref<50x32xf32, #tpu.memory_space<vmem>>
      %dma_start3A_711 = arith.constant 0 : i32
      %dma_start3A_712 = tpu.memref_slice %arg5[%add3A_705, %dma_start3A_711] : memref<512x50xi32, #tpu.memory_space<vmem>> -> memref<1x50xi32, #tpu.memory_space<vmem>>
      %dma_start3A_713 = tpu.memref_squeeze %dma_start3A_712 : memref<1x50xi32, #tpu.memory_space<vmem>> -> memref<50xi32, #tpu.memory_space<vmem>>
      %dma_start3A_714 = arith.constant 0 : i32
      %dma_start3A_715 = arith.constant 0 : i32
      %dma_start3A_716 = tpu.memref_slice %arg3[%dma_start3A_714, %dma_start3A_715] : memref<1000000x32xf32, #tpu.memory_space<hbm>> -> memref<1000000x32xf32, #tpu.memory_space<hbm>>
      tpu.enqueue_indirect_dma source(%dma_start3A_716 : memref<1000000x32xf32, #tpu.memory_space<hbm>>) target(%dma_start3A_710 : memref<50x32xf32, #tpu.memory_space<vmem>>) offsets(%dma_start3A_713 : memref<50xi32, #tpu.memory_space<vmem>>) semaphore(%arg9 : memref<!tpu.dma_semaphore, #tpu.memory_space<semaphore_mem>>)
      %mul3A_717 = arith.constant 32 : i32
      %mul3A_718 = arith.muli %add3A_491, %mul3A_717 : i32
      %add3A_719 = arith.constant 15 : i32
      %add3A_720 = arith.addi %mul3A_718, %add3A_719 : i32
      %dma_start3A_721 = arith.constant 15 : i32
      %dma_start3A_722 = arith.constant 0 : i32
      %dma_start3A_723 = arith.constant 0 : i32
      %dma_start3A_724 = tpu.memref_slice %arg7[%dma_start3A_721, %dma_start3A_722, %dma_start3A_723] : memref<32x50x32xf32, #tpu.memory_space<vmem>> -> memref<1x50x32xf32, #tpu.memory_space<vmem>>
      %dma_start3A_725 = tpu.memref_squeeze %dma_start3A_724 : memref<1x50x32xf32, #tpu.memory_space<vmem>> -> memref<50x32xf32, #tpu.memory_space<vmem>>
      %dma_start3A_726 = arith.constant 0 : i32
      %dma_start3A_727 = tpu.memref_slice %arg5[%add3A_720, %dma_start3A_726] : memref<512x50xi32, #tpu.memory_space<vmem>> -> memref<1x50xi32, #tpu.memory_space<vmem>>
      %dma_start3A_728 = tpu.memref_squeeze %dma_start3A_727 : memref<1x50xi32, #tpu.memory_space<vmem>> -> memref<50xi32, #tpu.memory_space<vmem>>
      %dma_start3A_729 = arith.constant 0 : i32
      %dma_start3A_730 = arith.constant 0 : i32
      %dma_start3A_731 = tpu.memref_slice %arg3[%dma_start3A_729, %dma_start3A_730] : memref<1000000x32xf32, #tpu.memory_space<hbm>> -> memref<1000000x32xf32, #tpu.memory_space<hbm>>
      tpu.enqueue_indirect_dma source(%dma_start3A_731 : memref<1000000x32xf32, #tpu.memory_space<hbm>>) target(%dma_start3A_725 : memref<50x32xf32, #tpu.memory_space<vmem>>) offsets(%dma_start3A_728 : memref<50xi32, #tpu.memory_space<vmem>>) semaphore(%arg9 : memref<!tpu.dma_semaphore, #tpu.memory_space<semaphore_mem>>)
      %mul3A_732 = arith.constant 32 : i32
      %mul3A_733 = arith.muli %add3A_491, %mul3A_732 : i32
      %add3A_734 = arith.constant 16 : i32
      %add3A_735 = arith.addi %mul3A_733, %add3A_734 : i32
      %dma_start3A_736 = arith.constant 16 : i32
      %dma_start3A_737 = arith.constant 0 : i32
      %dma_start3A_738 = arith.constant 0 : i32
      %dma_start3A_739 = tpu.memref_slice %arg7[%dma_start3A_736, %dma_start3A_737, %dma_start3A_738] : memref<32x50x32xf32, #tpu.memory_space<vmem>> -> memref<1x50x32xf32, #tpu.memory_space<vmem>>
      %dma_start3A_740 = tpu.memref_squeeze %dma_start3A_739 : memref<1x50x32xf32, #tpu.memory_space<vmem>> -> memref<50x32xf32, #tpu.memory_space<vmem>>
      %dma_start3A_741 = arith.constant 0 : i32
      %dma_start3A_742 = tpu.memref_slice %arg5[%add3A_735, %dma_start3A_741] : memref<512x50xi32, #tpu.memory_space<vmem>> -> memref<1x50xi32, #tpu.memory_space<vmem>>
      %dma_start3A_743 = tpu.memref_squeeze %dma_start3A_742 : memref<1x50xi32, #tpu.memory_space<vmem>> -> memref<50xi32, #tpu.memory_space<vmem>>
      %dma_start3A_744 = arith.constant 0 : i32
      %dma_start3A_745 = arith.constant 0 : i32
      %dma_start3A_746 = tpu.memref_slice %arg3[%dma_start3A_744, %dma_start3A_745] : memref<1000000x32xf32, #tpu.memory_space<hbm>> -> memref<1000000x32xf32, #tpu.memory_space<hbm>>
      tpu.enqueue_indirect_dma source(%dma_start3A_746 : memref<1000000x32xf32, #tpu.memory_space<hbm>>) target(%dma_start3A_740 : memref<50x32xf32, #tpu.memory_space<vmem>>) offsets(%dma_start3A_743 : memref<50xi32, #tpu.memory_space<vmem>>) semaphore(%arg9 : memref<!tpu.dma_semaphore, #tpu.memory_space<semaphore_mem>>)
      %mul3A_747 = arith.constant 32 : i32
      %mul3A_748 = arith.muli %add3A_491, %mul3A_747 : i32
      %add3A_749 = arith.constant 17 : i32
      %add3A_750 = arith.addi %mul3A_748, %add3A_749 : i32
      %dma_start3A_751 = arith.constant 17 : i32
      %dma_start3A_752 = arith.constant 0 : i32
      %dma_start3A_753 = arith.constant 0 : i32
      %dma_start3A_754 = tpu.memref_slice %arg7[%dma_start3A_751, %dma_start3A_752, %dma_start3A_753] : memref<32x50x32xf32, #tpu.memory_space<vmem>> -> memref<1x50x32xf32, #tpu.memory_space<vmem>>
      %dma_start3A_755 = tpu.memref_squeeze %dma_start3A_754 : memref<1x50x32xf32, #tpu.memory_space<vmem>> -> memref<50x32xf32, #tpu.memory_space<vmem>>
      %dma_start3A_756 = arith.constant 0 : i32
      %dma_start3A_757 = tpu.memref_slice %arg5[%add3A_750, %dma_start3A_756] : memref<512x50xi32, #tpu.memory_space<vmem>> -> memref<1x50xi32, #tpu.memory_space<vmem>>
      %dma_start3A_758 = tpu.memref_squeeze %dma_start3A_757 : memref<1x50xi32, #tpu.memory_space<vmem>> -> memref<50xi32, #tpu.memory_space<vmem>>
      %dma_start3A_759 = arith.constant 0 : i32
      %dma_start3A_760 = arith.constant 0 : i32
      %dma_start3A_761 = tpu.memref_slice %arg3[%dma_start3A_759, %dma_start3A_760] : memref<1000000x32xf32, #tpu.memory_space<hbm>> -> memref<1000000x32xf32, #tpu.memory_space<hbm>>
      tpu.enqueue_indirect_dma source(%dma_start3A_761 : memref<1000000x32xf32, #tpu.memory_space<hbm>>) target(%dma_start3A_755 : memref<50x32xf32, #tpu.memory_space<vmem>>) offsets(%dma_start3A_758 : memref<50xi32, #tpu.memory_space<vmem>>) semaphore(%arg9 : memref<!tpu.dma_semaphore, #tpu.memory_space<semaphore_mem>>)
      %mul3A_762 = arith.constant 32 : i32
      %mul3A_763 = arith.muli %add3A_491, %mul3A_762 : i32
      %add3A_764 = arith.constant 18 : i32
      %add3A_765 = arith.addi %mul3A_763, %add3A_764 : i32
      %dma_start3A_766 = arith.constant 18 : i32
      %dma_start3A_767 = arith.constant 0 : i32
      %dma_start3A_768 = arith.constant 0 : i32
      %dma_start3A_769 = tpu.memref_slice %arg7[%dma_start3A_766, %dma_start3A_767, %dma_start3A_768] : memref<32x50x32xf32, #tpu.memory_space<vmem>> -> memref<1x50x32xf32, #tpu.memory_space<vmem>>
      %dma_start3A_770 = tpu.memref_squeeze %dma_start3A_769 : memref<1x50x32xf32, #tpu.memory_space<vmem>> -> memref<50x32xf32, #tpu.memory_space<vmem>>
      %dma_start3A_771 = arith.constant 0 : i32
      %dma_start3A_772 = tpu.memref_slice %arg5[%add3A_765, %dma_start3A_771] : memref<512x50xi32, #tpu.memory_space<vmem>> -> memref<1x50xi32, #tpu.memory_space<vmem>>
      %dma_start3A_773 = tpu.memref_squeeze %dma_start3A_772 : memref<1x50xi32, #tpu.memory_space<vmem>> -> memref<50xi32, #tpu.memory_space<vmem>>
      %dma_start3A_774 = arith.constant 0 : i32
      %dma_start3A_775 = arith.constant 0 : i32
      %dma_start3A_776 = tpu.memref_slice %arg3[%dma_start3A_774, %dma_start3A_775] : memref<1000000x32xf32, #tpu.memory_space<hbm>> -> memref<1000000x32xf32, #tpu.memory_space<hbm>>
      tpu.enqueue_indirect_dma source(%dma_start3A_776 : memref<1000000x32xf32, #tpu.memory_space<hbm>>) target(%dma_start3A_770 : memref<50x32xf32, #tpu.memory_space<vmem>>) offsets(%dma_start3A_773 : memref<50xi32, #tpu.memory_space<vmem>>) semaphore(%arg9 : memref<!tpu.dma_semaphore, #tpu.memory_space<semaphore_mem>>)
      %mul3A_777 = arith.constant 32 : i32
      %mul3A_778 = arith.muli %add3A_491, %mul3A_777 : i32
      %add3A_779 = arith.constant 19 : i32
      %add3A_780 = arith.addi %mul3A_778, %add3A_779 : i32
      %dma_start3A_781 = arith.constant 19 : i32
      %dma_start3A_782 = arith.constant 0 : i32
      %dma_start3A_783 = arith.constant 0 : i32
      %dma_start3A_784 = tpu.memref_slice %arg7[%dma_start3A_781, %dma_start3A_782, %dma_start3A_783] : memref<32x50x32xf32, #tpu.memory_space<vmem>> -> memref<1x50x32xf32, #tpu.memory_space<vmem>>
      %dma_start3A_785 = tpu.memref_squeeze %dma_start3A_784 : memref<1x50x32xf32, #tpu.memory_space<vmem>> -> memref<50x32xf32, #tpu.memory_space<vmem>>
      %dma_start3A_786 = arith.constant 0 : i32
      %dma_start3A_787 = tpu.memref_slice %arg5[%add3A_780, %dma_start3A_786] : memref<512x50xi32, #tpu.memory_space<vmem>> -> memref<1x50xi32, #tpu.memory_space<vmem>>
      %dma_start3A_788 = tpu.memref_squeeze %dma_start3A_787 : memref<1x50xi32, #tpu.memory_space<vmem>> -> memref<50xi32, #tpu.memory_space<vmem>>
      %dma_start3A_789 = arith.constant 0 : i32
      %dma_start3A_790 = arith.constant 0 : i32
      %dma_start3A_791 = tpu.memref_slice %arg3[%dma_start3A_789, %dma_start3A_790] : memref<1000000x32xf32, #tpu.memory_space<hbm>> -> memref<1000000x32xf32, #tpu.memory_space<hbm>>
      tpu.enqueue_indirect_dma source(%dma_start3A_791 : memref<1000000x32xf32, #tpu.memory_space<hbm>>) target(%dma_start3A_785 : memref<50x32xf32, #tpu.memory_space<vmem>>) offsets(%dma_start3A_788 : memref<50xi32, #tpu.memory_space<vmem>>) semaphore(%arg9 : memref<!tpu.dma_semaphore, #tpu.memory_space<semaphore_mem>>)
      %mul3A_792 = arith.constant 32 : i32
      %mul3A_793 = arith.muli %add3A_491, %mul3A_792 : i32
      %add3A_794 = arith.constant 20 : i32
      %add3A_795 = arith.addi %mul3A_793, %add3A_794 : i32
      %dma_start3A_796 = arith.constant 20 : i32
      %dma_start3A_797 = arith.constant 0 : i32
      %dma_start3A_798 = arith.constant 0 : i32
      %dma_start3A_799 = tpu.memref_slice %arg7[%dma_start3A_796, %dma_start3A_797, %dma_start3A_798] : memref<32x50x32xf32, #tpu.memory_space<vmem>> -> memref<1x50x32xf32, #tpu.memory_space<vmem>>
      %dma_start3A_800 = tpu.memref_squeeze %dma_start3A_799 : memref<1x50x32xf32, #tpu.memory_space<vmem>> -> memref<50x32xf32, #tpu.memory_space<vmem>>
      %dma_start3A_801 = arith.constant 0 : i32
      %dma_start3A_802 = tpu.memref_slice %arg5[%add3A_795, %dma_start3A_801] : memref<512x50xi32, #tpu.memory_space<vmem>> -> memref<1x50xi32, #tpu.memory_space<vmem>>
      %dma_start3A_803 = tpu.memref_squeeze %dma_start3A_802 : memref<1x50xi32, #tpu.memory_space<vmem>> -> memref<50xi32, #tpu.memory_space<vmem>>
      %dma_start3A_804 = arith.constant 0 : i32
      %dma_start3A_805 = arith.constant 0 : i32
      %dma_start3A_806 = tpu.memref_slice %arg3[%dma_start3A_804, %dma_start3A_805] : memref<1000000x32xf32, #tpu.memory_space<hbm>> -> memref<1000000x32xf32, #tpu.memory_space<hbm>>
      tpu.enqueue_indirect_dma source(%dma_start3A_806 : memref<1000000x32xf32, #tpu.memory_space<hbm>>) target(%dma_start3A_800 : memref<50x32xf32, #tpu.memory_space<vmem>>) offsets(%dma_start3A_803 : memref<50xi32, #tpu.memory_space<vmem>>) semaphore(%arg9 : memref<!tpu.dma_semaphore, #tpu.memory_space<semaphore_mem>>)
      %mul3A_807 = arith.constant 32 : i32
      %mul3A_808 = arith.muli %add3A_491, %mul3A_807 : i32
      %add3A_809 = arith.constant 21 : i32
      %add3A_810 = arith.addi %mul3A_808, %add3A_809 : i32
      %dma_start3A_811 = arith.constant 21 : i32
      %dma_start3A_812 = arith.constant 0 : i32
      %dma_start3A_813 = arith.constant 0 : i32
      %dma_start3A_814 = tpu.memref_slice %arg7[%dma_start3A_811, %dma_start3A_812, %dma_start3A_813] : memref<32x50x32xf32, #tpu.memory_space<vmem>> -> memref<1x50x32xf32, #tpu.memory_space<vmem>>
      %dma_start3A_815 = tpu.memref_squeeze %dma_start3A_814 : memref<1x50x32xf32, #tpu.memory_space<vmem>> -> memref<50x32xf32, #tpu.memory_space<vmem>>
      %dma_start3A_816 = arith.constant 0 : i32
      %dma_start3A_817 = tpu.memref_slice %arg5[%add3A_810, %dma_start3A_816] : memref<512x50xi32, #tpu.memory_space<vmem>> -> memref<1x50xi32, #tpu.memory_space<vmem>>
      %dma_start3A_818 = tpu.memref_squeeze %dma_start3A_817 : memref<1x50xi32, #tpu.memory_space<vmem>> -> memref<50xi32, #tpu.memory_space<vmem>>
      %dma_start3A_819 = arith.constant 0 : i32
      %dma_start3A_820 = arith.constant 0 : i32
      %dma_start3A_821 = tpu.memref_slice %arg3[%dma_start3A_819, %dma_start3A_820] : memref<1000000x32xf32, #tpu.memory_space<hbm>> -> memref<1000000x32xf32, #tpu.memory_space<hbm>>
      tpu.enqueue_indirect_dma source(%dma_start3A_821 : memref<1000000x32xf32, #tpu.memory_space<hbm>>) target(%dma_start3A_815 : memref<50x32xf32, #tpu.memory_space<vmem>>) offsets(%dma_start3A_818 : memref<50xi32, #tpu.memory_space<vmem>>) semaphore(%arg9 : memref<!tpu.dma_semaphore, #tpu.memory_space<semaphore_mem>>)
      %mul3A_822 = arith.constant 32 : i32
      %mul3A_823 = arith.muli %add3A_491, %mul3A_822 : i32
      %add3A_824 = arith.constant 22 : i32
      %add3A_825 = arith.addi %mul3A_823, %add3A_824 : i32
      %dma_start3A_826 = arith.constant 22 : i32
      %dma_start3A_827 = arith.constant 0 : i32
      %dma_start3A_828 = arith.constant 0 : i32
      %dma_start3A_829 = tpu.memref_slice %arg7[%dma_start3A_826, %dma_start3A_827, %dma_start3A_828] : memref<32x50x32xf32, #tpu.memory_space<vmem>> -> memref<1x50x32xf32, #tpu.memory_space<vmem>>
      %dma_start3A_830 = tpu.memref_squeeze %dma_start3A_829 : memref<1x50x32xf32, #tpu.memory_space<vmem>> -> memref<50x32xf32, #tpu.memory_space<vmem>>
      %dma_start3A_831 = arith.constant 0 : i32
      %dma_start3A_832 = tpu.memref_slice %arg5[%add3A_825, %dma_start3A_831] : memref<512x50xi32, #tpu.memory_space<vmem>> -> memref<1x50xi32, #tpu.memory_space<vmem>>
      %dma_start3A_833 = tpu.memref_squeeze %dma_start3A_832 : memref<1x50xi32, #tpu.memory_space<vmem>> -> memref<50xi32, #tpu.memory_space<vmem>>
      %dma_start3A_834 = arith.constant 0 : i32
      %dma_start3A_835 = arith.constant 0 : i32
      %dma_start3A_836 = tpu.memref_slice %arg3[%dma_start3A_834, %dma_start3A_835] : memref<1000000x32xf32, #tpu.memory_space<hbm>> -> memref<1000000x32xf32, #tpu.memory_space<hbm>>
      tpu.enqueue_indirect_dma source(%dma_start3A_836 : memref<1000000x32xf32, #tpu.memory_space<hbm>>) target(%dma_start3A_830 : memref<50x32xf32, #tpu.memory_space<vmem>>) offsets(%dma_start3A_833 : memref<50xi32, #tpu.memory_space<vmem>>) semaphore(%arg9 : memref<!tpu.dma_semaphore, #tpu.memory_space<semaphore_mem>>)
      %mul3A_837 = arith.constant 32 : i32
      %mul3A_838 = arith.muli %add3A_491, %mul3A_837 : i32
      %add3A_839 = arith.constant 23 : i32
      %add3A_840 = arith.addi %mul3A_838, %add3A_839 : i32
      %dma_start3A_841 = arith.constant 23 : i32
      %dma_start3A_842 = arith.constant 0 : i32
      %dma_start3A_843 = arith.constant 0 : i32
      %dma_start3A_844 = tpu.memref_slice %arg7[%dma_start3A_841, %dma_start3A_842, %dma_start3A_843] : memref<32x50x32xf32, #tpu.memory_space<vmem>> -> memref<1x50x32xf32, #tpu.memory_space<vmem>>
      %dma_start3A_845 = tpu.memref_squeeze %dma_start3A_844 : memref<1x50x32xf32, #tpu.memory_space<vmem>> -> memref<50x32xf32, #tpu.memory_space<vmem>>
      %dma_start3A_846 = arith.constant 0 : i32
      %dma_start3A_847 = tpu.memref_slice %arg5[%add3A_840, %dma_start3A_846] : memref<512x50xi32, #tpu.memory_space<vmem>> -> memref<1x50xi32, #tpu.memory_space<vmem>>
      %dma_start3A_848 = tpu.memref_squeeze %dma_start3A_847 : memref<1x50xi32, #tpu.memory_space<vmem>> -> memref<50xi32, #tpu.memory_space<vmem>>
      %dma_start3A_849 = arith.constant 0 : i32
      %dma_start3A_850 = arith.constant 0 : i32
      %dma_start3A_851 = tpu.memref_slice %arg3[%dma_start3A_849, %dma_start3A_850] : memref<1000000x32xf32, #tpu.memory_space<hbm>> -> memref<1000000x32xf32, #tpu.memory_space<hbm>>
      tpu.enqueue_indirect_dma source(%dma_start3A_851 : memref<1000000x32xf32, #tpu.memory_space<hbm>>) target(%dma_start3A_845 : memref<50x32xf32, #tpu.memory_space<vmem>>) offsets(%dma_start3A_848 : memref<50xi32, #tpu.memory_space<vmem>>) semaphore(%arg9 : memref<!tpu.dma_semaphore, #tpu.memory_space<semaphore_mem>>)
      %mul3A_852 = arith.constant 32 : i32
      %mul3A_853 = arith.muli %add3A_491, %mul3A_852 : i32
      %add3A_854 = arith.constant 24 : i32
      %add3A_855 = arith.addi %mul3A_853, %add3A_854 : i32
      %dma_start3A_856 = arith.constant 24 : i32
      %dma_start3A_857 = arith.constant 0 : i32
      %dma_start3A_858 = arith.constant 0 : i32
      %dma_start3A_859 = tpu.memref_slice %arg7[%dma_start3A_856, %dma_start3A_857, %dma_start3A_858] : memref<32x50x32xf32, #tpu.memory_space<vmem>> -> memref<1x50x32xf32, #tpu.memory_space<vmem>>
      %dma_start3A_860 = tpu.memref_squeeze %dma_start3A_859 : memref<1x50x32xf32, #tpu.memory_space<vmem>> -> memref<50x32xf32, #tpu.memory_space<vmem>>
      %dma_start3A_861 = arith.constant 0 : i32
      %dma_start3A_862 = tpu.memref_slice %arg5[%add3A_855, %dma_start3A_861] : memref<512x50xi32, #tpu.memory_space<vmem>> -> memref<1x50xi32, #tpu.memory_space<vmem>>
      %dma_start3A_863 = tpu.memref_squeeze %dma_start3A_862 : memref<1x50xi32, #tpu.memory_space<vmem>> -> memref<50xi32, #tpu.memory_space<vmem>>
      %dma_start3A_864 = arith.constant 0 : i32
      %dma_start3A_865 = arith.constant 0 : i32
      %dma_start3A_866 = tpu.memref_slice %arg3[%dma_start3A_864, %dma_start3A_865] : memref<1000000x32xf32, #tpu.memory_space<hbm>> -> memref<1000000x32xf32, #tpu.memory_space<hbm>>
      tpu.enqueue_indirect_dma source(%dma_start3A_866 : memref<1000000x32xf32, #tpu.memory_space<hbm>>) target(%dma_start3A_860 : memref<50x32xf32, #tpu.memory_space<vmem>>) offsets(%dma_start3A_863 : memref<50xi32, #tpu.memory_space<vmem>>) semaphore(%arg9 : memref<!tpu.dma_semaphore, #tpu.memory_space<semaphore_mem>>)
      %mul3A_867 = arith.constant 32 : i32
      %mul3A_868 = arith.muli %add3A_491, %mul3A_867 : i32
      %add3A_869 = arith.constant 25 : i32
      %add3A_870 = arith.addi %mul3A_868, %add3A_869 : i32
      %dma_start3A_871 = arith.constant 25 : i32
      %dma_start3A_872 = arith.constant 0 : i32
      %dma_start3A_873 = arith.constant 0 : i32
      %dma_start3A_874 = tpu.memref_slice %arg7[%dma_start3A_871, %dma_start3A_872, %dma_start3A_873] : memref<32x50x32xf32, #tpu.memory_space<vmem>> -> memref<1x50x32xf32, #tpu.memory_space<vmem>>
      %dma_start3A_875 = tpu.memref_squeeze %dma_start3A_874 : memref<1x50x32xf32, #tpu.memory_space<vmem>> -> memref<50x32xf32, #tpu.memory_space<vmem>>
      %dma_start3A_876 = arith.constant 0 : i32
      %dma_start3A_877 = tpu.memref_slice %arg5[%add3A_870, %dma_start3A_876] : memref<512x50xi32, #tpu.memory_space<vmem>> -> memref<1x50xi32, #tpu.memory_space<vmem>>
      %dma_start3A_878 = tpu.memref_squeeze %dma_start3A_877 : memref<1x50xi32, #tpu.memory_space<vmem>> -> memref<50xi32, #tpu.memory_space<vmem>>
      %dma_start3A_879 = arith.constant 0 : i32
      %dma_start3A_880 = arith.constant 0 : i32
      %dma_start3A_881 = tpu.memref_slice %arg3[%dma_start3A_879, %dma_start3A_880] : memref<1000000x32xf32, #tpu.memory_space<hbm>> -> memref<1000000x32xf32, #tpu.memory_space<hbm>>
      tpu.enqueue_indirect_dma source(%dma_start3A_881 : memref<1000000x32xf32, #tpu.memory_space<hbm>>) target(%dma_start3A_875 : memref<50x32xf32, #tpu.memory_space<vmem>>) offsets(%dma_start3A_878 : memref<50xi32, #tpu.memory_space<vmem>>) semaphore(%arg9 : memref<!tpu.dma_semaphore, #tpu.memory_space<semaphore_mem>>)
      %mul3A_882 = arith.constant 32 : i32
      %mul3A_883 = arith.muli %add3A_491, %mul3A_882 : i32
      %add3A_884 = arith.constant 26 : i32
      %add3A_885 = arith.addi %mul3A_883, %add3A_884 : i32
      %dma_start3A_886 = arith.constant 26 : i32
      %dma_start3A_887 = arith.constant 0 : i32
      %dma_start3A_888 = arith.constant 0 : i32
      %dma_start3A_889 = tpu.memref_slice %arg7[%dma_start3A_886, %dma_start3A_887, %dma_start3A_888] : memref<32x50x32xf32, #tpu.memory_space<vmem>> -> memref<1x50x32xf32, #tpu.memory_space<vmem>>
      %dma_start3A_890 = tpu.memref_squeeze %dma_start3A_889 : memref<1x50x32xf32, #tpu.memory_space<vmem>> -> memref<50x32xf32, #tpu.memory_space<vmem>>
      %dma_start3A_891 = arith.constant 0 : i32
      %dma_start3A_892 = tpu.memref_slice %arg5[%add3A_885, %dma_start3A_891] : memref<512x50xi32, #tpu.memory_space<vmem>> -> memref<1x50xi32, #tpu.memory_space<vmem>>
      %dma_start3A_893 = tpu.memref_squeeze %dma_start3A_892 : memref<1x50xi32, #tpu.memory_space<vmem>> -> memref<50xi32, #tpu.memory_space<vmem>>
      %dma_start3A_894 = arith.constant 0 : i32
      %dma_start3A_895 = arith.constant 0 : i32
      %dma_start3A_896 = tpu.memref_slice %arg3[%dma_start3A_894, %dma_start3A_895] : memref<1000000x32xf32, #tpu.memory_space<hbm>> -> memref<1000000x32xf32, #tpu.memory_space<hbm>>
      tpu.enqueue_indirect_dma source(%dma_start3A_896 : memref<1000000x32xf32, #tpu.memory_space<hbm>>) target(%dma_start3A_890 : memref<50x32xf32, #tpu.memory_space<vmem>>) offsets(%dma_start3A_893 : memref<50xi32, #tpu.memory_space<vmem>>) semaphore(%arg9 : memref<!tpu.dma_semaphore, #tpu.memory_space<semaphore_mem>>)
      %mul3A_897 = arith.constant 32 : i32
      %mul3A_898 = arith.muli %add3A_491, %mul3A_897 : i32
      %add3A_899 = arith.constant 27 : i32
      %add3A_900 = arith.addi %mul3A_898, %add3A_899 : i32
      %dma_start3A_901 = arith.constant 27 : i32
      %dma_start3A_902 = arith.constant 0 : i32
      %dma_start3A_903 = arith.constant 0 : i32
      %dma_start3A_904 = tpu.memref_slice %arg7[%dma_start3A_901, %dma_start3A_902, %dma_start3A_903] : memref<32x50x32xf32, #tpu.memory_space<vmem>> -> memref<1x50x32xf32, #tpu.memory_space<vmem>>
      %dma_start3A_905 = tpu.memref_squeeze %dma_start3A_904 : memref<1x50x32xf32, #tpu.memory_space<vmem>> -> memref<50x32xf32, #tpu.memory_space<vmem>>
      %dma_start3A_906 = arith.constant 0 : i32
      %dma_start3A_907 = tpu.memref_slice %arg5[%add3A_900, %dma_start3A_906] : memref<512x50xi32, #tpu.memory_space<vmem>> -> memref<1x50xi32, #tpu.memory_space<vmem>>
      %dma_start3A_908 = tpu.memref_squeeze %dma_start3A_907 : memref<1x50xi32, #tpu.memory_space<vmem>> -> memref<50xi32, #tpu.memory_space<vmem>>
      %dma_start3A_909 = arith.constant 0 : i32
      %dma_start3A_910 = arith.constant 0 : i32
      %dma_start3A_911 = tpu.memref_slice %arg3[%dma_start3A_909, %dma_start3A_910] : memref<1000000x32xf32, #tpu.memory_space<hbm>> -> memref<1000000x32xf32, #tpu.memory_space<hbm>>
      tpu.enqueue_indirect_dma source(%dma_start3A_911 : memref<1000000x32xf32, #tpu.memory_space<hbm>>) target(%dma_start3A_905 : memref<50x32xf32, #tpu.memory_space<vmem>>) offsets(%dma_start3A_908 : memref<50xi32, #tpu.memory_space<vmem>>) semaphore(%arg9 : memref<!tpu.dma_semaphore, #tpu.memory_space<semaphore_mem>>)
      %mul3A_912 = arith.constant 32 : i32
      %mul3A_913 = arith.muli %add3A_491, %mul3A_912 : i32
      %add3A_914 = arith.constant 28 : i32
      %add3A_915 = arith.addi %mul3A_913, %add3A_914 : i32
      %dma_start3A_916 = arith.constant 28 : i32
      %dma_start3A_917 = arith.constant 0 : i32
      %dma_start3A_918 = arith.constant 0 : i32
      %dma_start3A_919 = tpu.memref_slice %arg7[%dma_start3A_916, %dma_start3A_917, %dma_start3A_918] : memref<32x50x32xf32, #tpu.memory_space<vmem>> -> memref<1x50x32xf32, #tpu.memory_space<vmem>>
      %dma_start3A_920 = tpu.memref_squeeze %dma_start3A_919 : memref<1x50x32xf32, #tpu.memory_space<vmem>> -> memref<50x32xf32, #tpu.memory_space<vmem>>
      %dma_start3A_921 = arith.constant 0 : i32
      %dma_start3A_922 = tpu.memref_slice %arg5[%add3A_915, %dma_start3A_921] : memref<512x50xi32, #tpu.memory_space<vmem>> -> memref<1x50xi32, #tpu.memory_space<vmem>>
      %dma_start3A_923 = tpu.memref_squeeze %dma_start3A_922 : memref<1x50xi32, #tpu.memory_space<vmem>> -> memref<50xi32, #tpu.memory_space<vmem>>
      %dma_start3A_924 = arith.constant 0 : i32
      %dma_start3A_925 = arith.constant 0 : i32
      %dma_start3A_926 = tpu.memref_slice %arg3[%dma_start3A_924, %dma_start3A_925] : memref<1000000x32xf32, #tpu.memory_space<hbm>> -> memref<1000000x32xf32, #tpu.memory_space<hbm>>
      tpu.enqueue_indirect_dma source(%dma_start3A_926 : memref<1000000x32xf32, #tpu.memory_space<hbm>>) target(%dma_start3A_920 : memref<50x32xf32, #tpu.memory_space<vmem>>) offsets(%dma_start3A_923 : memref<50xi32, #tpu.memory_space<vmem>>) semaphore(%arg9 : memref<!tpu.dma_semaphore, #tpu.memory_space<semaphore_mem>>)
      %mul3A_927 = arith.constant 32 : i32
      %mul3A_928 = arith.muli %add3A_491, %mul3A_927 : i32
      %add3A_929 = arith.constant 29 : i32
      %add3A_930 = arith.addi %mul3A_928, %add3A_929 : i32
      %dma_start3A_931 = arith.constant 29 : i32
      %dma_start3A_932 = arith.constant 0 : i32
      %dma_start3A_933 = arith.constant 0 : i32
      %dma_start3A_934 = tpu.memref_slice %arg7[%dma_start3A_931, %dma_start3A_932, %dma_start3A_933] : memref<32x50x32xf32, #tpu.memory_space<vmem>> -> memref<1x50x32xf32, #tpu.memory_space<vmem>>
      %dma_start3A_935 = tpu.memref_squeeze %dma_start3A_934 : memref<1x50x32xf32, #tpu.memory_space<vmem>> -> memref<50x32xf32, #tpu.memory_space<vmem>>
      %dma_start3A_936 = arith.constant 0 : i32
      %dma_start3A_937 = tpu.memref_slice %arg5[%add3A_930, %dma_start3A_936] : memref<512x50xi32, #tpu.memory_space<vmem>> -> memref<1x50xi32, #tpu.memory_space<vmem>>
      %dma_start3A_938 = tpu.memref_squeeze %dma_start3A_937 : memref<1x50xi32, #tpu.memory_space<vmem>> -> memref<50xi32, #tpu.memory_space<vmem>>
      %dma_start3A_939 = arith.constant 0 : i32
      %dma_start3A_940 = arith.constant 0 : i32
      %dma_start3A_941 = tpu.memref_slice %arg3[%dma_start3A_939, %dma_start3A_940] : memref<1000000x32xf32, #tpu.memory_space<hbm>> -> memref<1000000x32xf32, #tpu.memory_space<hbm>>
      tpu.enqueue_indirect_dma source(%dma_start3A_941 : memref<1000000x32xf32, #tpu.memory_space<hbm>>) target(%dma_start3A_935 : memref<50x32xf32, #tpu.memory_space<vmem>>) offsets(%dma_start3A_938 : memref<50xi32, #tpu.memory_space<vmem>>) semaphore(%arg9 : memref<!tpu.dma_semaphore, #tpu.memory_space<semaphore_mem>>)
      %mul3A_942 = arith.constant 32 : i32
      %mul3A_943 = arith.muli %add3A_491, %mul3A_942 : i32
      %add3A_944 = arith.constant 30 : i32
      %add3A_945 = arith.addi %mul3A_943, %add3A_944 : i32
      %dma_start3A_946 = arith.constant 30 : i32
      %dma_start3A_947 = arith.constant 0 : i32
      %dma_start3A_948 = arith.constant 0 : i32
      %dma_start3A_949 = tpu.memref_slice %arg7[%dma_start3A_946, %dma_start3A_947, %dma_start3A_948] : memref<32x50x32xf32, #tpu.memory_space<vmem>> -> memref<1x50x32xf32, #tpu.memory_space<vmem>>
      %dma_start3A_950 = tpu.memref_squeeze %dma_start3A_949 : memref<1x50x32xf32, #tpu.memory_space<vmem>> -> memref<50x32xf32, #tpu.memory_space<vmem>>
      %dma_start3A_951 = arith.constant 0 : i32
      %dma_start3A_952 = tpu.memref_slice %arg5[%add3A_945, %dma_start3A_951] : memref<512x50xi32, #tpu.memory_space<vmem>> -> memref<1x50xi32, #tpu.memory_space<vmem>>
      %dma_start3A_953 = tpu.memref_squeeze %dma_start3A_952 : memref<1x50xi32, #tpu.memory_space<vmem>> -> memref<50xi32, #tpu.memory_space<vmem>>
      %dma_start3A_954 = arith.constant 0 : i32
      %dma_start3A_955 = arith.constant 0 : i32
      %dma_start3A_956 = tpu.memref_slice %arg3[%dma_start3A_954, %dma_start3A_955] : memref<1000000x32xf32, #tpu.memory_space<hbm>> -> memref<1000000x32xf32, #tpu.memory_space<hbm>>
      tpu.enqueue_indirect_dma source(%dma_start3A_956 : memref<1000000x32xf32, #tpu.memory_space<hbm>>) target(%dma_start3A_950 : memref<50x32xf32, #tpu.memory_space<vmem>>) offsets(%dma_start3A_953 : memref<50xi32, #tpu.memory_space<vmem>>) semaphore(%arg9 : memref<!tpu.dma_semaphore, #tpu.memory_space<semaphore_mem>>)
      %mul3A_957 = arith.constant 32 : i32
      %mul3A_958 = arith.muli %add3A_491, %mul3A_957 : i32
      %add3A_959 = arith.constant 31 : i32
      %add3A_960 = arith.addi %mul3A_958, %add3A_959 : i32
      %dma_start3A_961 = arith.constant 31 : i32
      %dma_start3A_962 = arith.constant 0 : i32
      %dma_start3A_963 = arith.constant 0 : i32
      %dma_start3A_964 = tpu.memref_slice %arg7[%dma_start3A_961, %dma_start3A_962, %dma_start3A_963] : memref<32x50x32xf32, #tpu.memory_space<vmem>> -> memref<1x50x32xf32, #tpu.memory_space<vmem>>
      %dma_start3A_965 = tpu.memref_squeeze %dma_start3A_964 : memref<1x50x32xf32, #tpu.memory_space<vmem>> -> memref<50x32xf32, #tpu.memory_space<vmem>>
      %dma_start3A_966 = arith.constant 0 : i32
      %dma_start3A_967 = tpu.memref_slice %arg5[%add3A_960, %dma_start3A_966] : memref<512x50xi32, #tpu.memory_space<vmem>> -> memref<1x50xi32, #tpu.memory_space<vmem>>
      %dma_start3A_968 = tpu.memref_squeeze %dma_start3A_967 : memref<1x50xi32, #tpu.memory_space<vmem>> -> memref<50xi32, #tpu.memory_space<vmem>>
      %dma_start3A_969 = arith.constant 0 : i32
      %dma_start3A_970 = arith.constant 0 : i32
      %dma_start3A_971 = tpu.memref_slice %arg3[%dma_start3A_969, %dma_start3A_970] : memref<1000000x32xf32, #tpu.memory_space<hbm>> -> memref<1000000x32xf32, #tpu.memory_space<hbm>>
      tpu.enqueue_indirect_dma source(%dma_start3A_971 : memref<1000000x32xf32, #tpu.memory_space<hbm>>) target(%dma_start3A_965 : memref<50x32xf32, #tpu.memory_space<vmem>>) offsets(%dma_start3A_968 : memref<50xi32, #tpu.memory_space<vmem>>) semaphore(%arg9 : memref<!tpu.dma_semaphore, #tpu.memory_space<semaphore_mem>>)
      %dma_wait3A = arith.constant 0 : i32
      %dma_wait3A_972 = arith.constant 0 : i32
      %dma_wait3A_973 = arith.constant 0 : i32
      %dma_wait3A_974 = tpu.memref_slice %arg6[%dma_wait3A, %dma_wait3A_972, %dma_wait3A_973] : memref<32x50x32xf32, #tpu.memory_space<vmem>> -> memref<1x50x32xf32, #tpu.memory_space<vmem>>
      %dma_wait3A_975 = tpu.memref_squeeze %dma_wait3A_974 : memref<1x50x32xf32, #tpu.memory_space<vmem>> -> memref<50x32xf32, #tpu.memory_space<vmem>>
      %dma_wait3A_976 = arith.constant 0 : i32
      %dma_wait3A_977 = tpu.memref_slice %arg5[%add3A_14, %dma_wait3A_976] : memref<512x50xi32, #tpu.memory_space<vmem>> -> memref<1x50xi32, #tpu.memory_space<vmem>>
      %dma_wait3A_978 = tpu.memref_squeeze %dma_wait3A_977 : memref<1x50xi32, #tpu.memory_space<vmem>> -> memref<50xi32, #tpu.memory_space<vmem>>
      %dma_wait3A_979 = arith.constant 0 : i32
      %dma_wait3A_980 = arith.constant 0 : i32
      %dma_wait3A_981 = tpu.memref_slice %arg3[%dma_wait3A_979, %dma_wait3A_980] : memref<1000000x32xf32, #tpu.memory_space<hbm>> -> memref<1000000x32xf32, #tpu.memory_space<hbm>>
      tpu.wait_indirect_dma semaphore(%arg8 : memref<!tpu.dma_semaphore, #tpu.memory_space<semaphore_mem>>) src(%dma_wait3A_981 : memref<1000000x32xf32, #tpu.memory_space<hbm>>) dst(%dma_wait3A_975 : memref<50x32xf32, #tpu.memory_space<vmem>>)
      %dma_wait3A_982 = arith.constant 1 : i32
      %dma_wait3A_983 = arith.constant 0 : i32
      %dma_wait3A_984 = arith.constant 0 : i32
      %dma_wait3A_985 = tpu.memref_slice %arg6[%dma_wait3A_982, %dma_wait3A_983, %dma_wait3A_984] : memref<32x50x32xf32, #tpu.memory_space<vmem>> -> memref<1x50x32xf32, #tpu.memory_space<vmem>>
      %dma_wait3A_986 = tpu.memref_squeeze %dma_wait3A_985 : memref<1x50x32xf32, #tpu.memory_space<vmem>> -> memref<50x32xf32, #tpu.memory_space<vmem>>
      %dma_wait3A_987 = arith.constant 0 : i32
      %dma_wait3A_988 = tpu.memref_slice %arg5[%add3A_28, %dma_wait3A_987] : memref<512x50xi32, #tpu.memory_space<vmem>> -> memref<1x50xi32, #tpu.memory_space<vmem>>
      %dma_wait3A_989 = tpu.memref_squeeze %dma_wait3A_988 : memref<1x50xi32, #tpu.memory_space<vmem>> -> memref<50xi32, #tpu.memory_space<vmem>>
      %dma_wait3A_990 = arith.constant 0 : i32
      %dma_wait3A_991 = arith.constant 0 : i32
      %dma_wait3A_992 = tpu.memref_slice %arg3[%dma_wait3A_990, %dma_wait3A_991] : memref<1000000x32xf32, #tpu.memory_space<hbm>> -> memref<1000000x32xf32, #tpu.memory_space<hbm>>
      tpu.wait_indirect_dma semaphore(%arg8 : memref<!tpu.dma_semaphore, #tpu.memory_space<semaphore_mem>>) src(%dma_wait3A_992 : memref<1000000x32xf32, #tpu.memory_space<hbm>>) dst(%dma_wait3A_986 : memref<50x32xf32, #tpu.memory_space<vmem>>)
      %dma_wait3A_993 = arith.constant 2 : i32
      %dma_wait3A_994 = arith.constant 0 : i32
      %dma_wait3A_995 = arith.constant 0 : i32
      %dma_wait3A_996 = tpu.memref_slice %arg6[%dma_wait3A_993, %dma_wait3A_994, %dma_wait3A_995] : memref<32x50x32xf32, #tpu.memory_space<vmem>> -> memref<1x50x32xf32, #tpu.memory_space<vmem>>
      %dma_wait3A_997 = tpu.memref_squeeze %dma_wait3A_996 : memref<1x50x32xf32, #tpu.memory_space<vmem>> -> memref<50x32xf32, #tpu.memory_space<vmem>>
      %dma_wait3A_998 = arith.constant 0 : i32
      %dma_wait3A_999 = tpu.memref_slice %arg5[%add3A_43, %dma_wait3A_998] : memref<512x50xi32, #tpu.memory_space<vmem>> -> memref<1x50xi32, #tpu.memory_space<vmem>>
      %dma_wait3A_1000 = tpu.memref_squeeze %dma_wait3A_999 : memref<1x50xi32, #tpu.memory_space<vmem>> -> memref<50xi32, #tpu.memory_space<vmem>>
      %dma_wait3A_1001 = arith.constant 0 : i32
      %dma_wait3A_1002 = arith.constant 0 : i32
      %dma_wait3A_1003 = tpu.memref_slice %arg3[%dma_wait3A_1001, %dma_wait3A_1002] : memref<1000000x32xf32, #tpu.memory_space<hbm>> -> memref<1000000x32xf32, #tpu.memory_space<hbm>>
      tpu.wait_indirect_dma semaphore(%arg8 : memref<!tpu.dma_semaphore, #tpu.memory_space<semaphore_mem>>) src(%dma_wait3A_1003 : memref<1000000x32xf32, #tpu.memory_space<hbm>>) dst(%dma_wait3A_997 : memref<50x32xf32, #tpu.memory_space<vmem>>)
      %dma_wait3A_1004 = arith.constant 3 : i32
      %dma_wait3A_1005 = arith.constant 0 : i32
      %dma_wait3A_1006 = arith.constant 0 : i32
      %dma_wait3A_1007 = tpu.memref_slice %arg6[%dma_wait3A_1004, %dma_wait3A_1005, %dma_wait3A_1006] : memref<32x50x32xf32, #tpu.memory_space<vmem>> -> memref<1x50x32xf32, #tpu.memory_space<vmem>>
      %dma_wait3A_1008 = tpu.memref_squeeze %dma_wait3A_1007 : memref<1x50x32xf32, #tpu.memory_space<vmem>> -> memref<50x32xf32, #tpu.memory_space<vmem>>
      %dma_wait3A_1009 = arith.constant 0 : i32
      %dma_wait3A_1010 = tpu.memref_slice %arg5[%add3A_58, %dma_wait3A_1009] : memref<512x50xi32, #tpu.memory_space<vmem>> -> memref<1x50xi32, #tpu.memory_space<vmem>>
      %dma_wait3A_1011 = tpu.memref_squeeze %dma_wait3A_1010 : memref<1x50xi32, #tpu.memory_space<vmem>> -> memref<50xi32, #tpu.memory_space<vmem>>
      %dma_wait3A_1012 = arith.constant 0 : i32
      %dma_wait3A_1013 = arith.constant 0 : i32
      %dma_wait3A_1014 = tpu.memref_slice %arg3[%dma_wait3A_1012, %dma_wait3A_1013] : memref<1000000x32xf32, #tpu.memory_space<hbm>> -> memref<1000000x32xf32, #tpu.memory_space<hbm>>
      tpu.wait_indirect_dma semaphore(%arg8 : memref<!tpu.dma_semaphore, #tpu.memory_space<semaphore_mem>>) src(%dma_wait3A_1014 : memref<1000000x32xf32, #tpu.memory_space<hbm>>) dst(%dma_wait3A_1008 : memref<50x32xf32, #tpu.memory_space<vmem>>)
      %dma_wait3A_1015 = arith.constant 4 : i32
      %dma_wait3A_1016 = arith.constant 0 : i32
      %dma_wait3A_1017 = arith.constant 0 : i32
      %dma_wait3A_1018 = tpu.memref_slice %arg6[%dma_wait3A_1015, %dma_wait3A_1016, %dma_wait3A_1017] : memref<32x50x32xf32, #tpu.memory_space<vmem>> -> memref<1x50x32xf32, #tpu.memory_space<vmem>>
      %dma_wait3A_1019 = tpu.memref_squeeze %dma_wait3A_1018 : memref<1x50x32xf32, #tpu.memory_space<vmem>> -> memref<50x32xf32, #tpu.memory_space<vmem>>
      %dma_wait3A_1020 = arith.constant 0 : i32
      %dma_wait3A_1021 = tpu.memref_slice %arg5[%add3A_73, %dma_wait3A_1020] : memref<512x50xi32, #tpu.memory_space<vmem>> -> memref<1x50xi32, #tpu.memory_space<vmem>>
      %dma_wait3A_1022 = tpu.memref_squeeze %dma_wait3A_1021 : memref<1x50xi32, #tpu.memory_space<vmem>> -> memref<50xi32, #tpu.memory_space<vmem>>
      %dma_wait3A_1023 = arith.constant 0 : i32
      %dma_wait3A_1024 = arith.constant 0 : i32
      %dma_wait3A_1025 = tpu.memref_slice %arg3[%dma_wait3A_1023, %dma_wait3A_1024] : memref<1000000x32xf32, #tpu.memory_space<hbm>> -> memref<1000000x32xf32, #tpu.memory_space<hbm>>
      tpu.wait_indirect_dma semaphore(%arg8 : memref<!tpu.dma_semaphore, #tpu.memory_space<semaphore_mem>>) src(%dma_wait3A_1025 : memref<1000000x32xf32, #tpu.memory_space<hbm>>) dst(%dma_wait3A_1019 : memref<50x32xf32, #tpu.memory_space<vmem>>)
      %dma_wait3A_1026 = arith.constant 5 : i32
      %dma_wait3A_1027 = arith.constant 0 : i32
      %dma_wait3A_1028 = arith.constant 0 : i32
      %dma_wait3A_1029 = tpu.memref_slice %arg6[%dma_wait3A_1026, %dma_wait3A_1027, %dma_wait3A_1028] : memref<32x50x32xf32, #tpu.memory_space<vmem>> -> memref<1x50x32xf32, #tpu.memory_space<vmem>>
      %dma_wait3A_1030 = tpu.memref_squeeze %dma_wait3A_1029 : memref<1x50x32xf32, #tpu.memory_space<vmem>> -> memref<50x32xf32, #tpu.memory_space<vmem>>
      %dma_wait3A_1031 = arith.constant 0 : i32
      %dma_wait3A_1032 = tpu.memref_slice %arg5[%add3A_88, %dma_wait3A_1031] : memref<512x50xi32, #tpu.memory_space<vmem>> -> memref<1x50xi32, #tpu.memory_space<vmem>>
      %dma_wait3A_1033 = tpu.memref_squeeze %dma_wait3A_1032 : memref<1x50xi32, #tpu.memory_space<vmem>> -> memref<50xi32, #tpu.memory_space<vmem>>
      %dma_wait3A_1034 = arith.constant 0 : i32
      %dma_wait3A_1035 = arith.constant 0 : i32
      %dma_wait3A_1036 = tpu.memref_slice %arg3[%dma_wait3A_1034, %dma_wait3A_1035] : memref<1000000x32xf32, #tpu.memory_space<hbm>> -> memref<1000000x32xf32, #tpu.memory_space<hbm>>
      tpu.wait_indirect_dma semaphore(%arg8 : memref<!tpu.dma_semaphore, #tpu.memory_space<semaphore_mem>>) src(%dma_wait3A_1036 : memref<1000000x32xf32, #tpu.memory_space<hbm>>) dst(%dma_wait3A_1030 : memref<50x32xf32, #tpu.memory_space<vmem>>)
      %dma_wait3A_1037 = arith.constant 6 : i32
      %dma_wait3A_1038 = arith.constant 0 : i32
      %dma_wait3A_1039 = arith.constant 0 : i32
      %dma_wait3A_1040 = tpu.memref_slice %arg6[%dma_wait3A_1037, %dma_wait3A_1038, %dma_wait3A_1039] : memref<32x50x32xf32, #tpu.memory_space<vmem>> -> memref<1x50x32xf32, #tpu.memory_space<vmem>>
      %dma_wait3A_1041 = tpu.memref_squeeze %dma_wait3A_1040 : memref<1x50x32xf32, #tpu.memory_space<vmem>> -> memref<50x32xf32, #tpu.memory_space<vmem>>
      %dma_wait3A_1042 = arith.constant 0 : i32
      %dma_wait3A_1043 = tpu.memref_slice %arg5[%add3A_103, %dma_wait3A_1042] : memref<512x50xi32, #tpu.memory_space<vmem>> -> memref<1x50xi32, #tpu.memory_space<vmem>>
      %dma_wait3A_1044 = tpu.memref_squeeze %dma_wait3A_1043 : memref<1x50xi32, #tpu.memory_space<vmem>> -> memref<50xi32, #tpu.memory_space<vmem>>
      %dma_wait3A_1045 = arith.constant 0 : i32
      %dma_wait3A_1046 = arith.constant 0 : i32
      %dma_wait3A_1047 = tpu.memref_slice %arg3[%dma_wait3A_1045, %dma_wait3A_1046] : memref<1000000x32xf32, #tpu.memory_space<hbm>> -> memref<1000000x32xf32, #tpu.memory_space<hbm>>
      tpu.wait_indirect_dma semaphore(%arg8 : memref<!tpu.dma_semaphore, #tpu.memory_space<semaphore_mem>>) src(%dma_wait3A_1047 : memref<1000000x32xf32, #tpu.memory_space<hbm>>) dst(%dma_wait3A_1041 : memref<50x32xf32, #tpu.memory_space<vmem>>)
      %dma_wait3A_1048 = arith.constant 7 : i32
      %dma_wait3A_1049 = arith.constant 0 : i32
      %dma_wait3A_1050 = arith.constant 0 : i32
      %dma_wait3A_1051 = tpu.memref_slice %arg6[%dma_wait3A_1048, %dma_wait3A_1049, %dma_wait3A_1050] : memref<32x50x32xf32, #tpu.memory_space<vmem>> -> memref<1x50x32xf32, #tpu.memory_space<vmem>>
      %dma_wait3A_1052 = tpu.memref_squeeze %dma_wait3A_1051 : memref<1x50x32xf32, #tpu.memory_space<vmem>> -> memref<50x32xf32, #tpu.memory_space<vmem>>
      %dma_wait3A_1053 = arith.constant 0 : i32
      %dma_wait3A_1054 = tpu.memref_slice %arg5[%add3A_118, %dma_wait3A_1053] : memref<512x50xi32, #tpu.memory_space<vmem>> -> memref<1x50xi32, #tpu.memory_space<vmem>>
      %dma_wait3A_1055 = tpu.memref_squeeze %dma_wait3A_1054 : memref<1x50xi32, #tpu.memory_space<vmem>> -> memref<50xi32, #tpu.memory_space<vmem>>
      %dma_wait3A_1056 = arith.constant 0 : i32
      %dma_wait3A_1057 = arith.constant 0 : i32
      %dma_wait3A_1058 = tpu.memref_slice %arg3[%dma_wait3A_1056, %dma_wait3A_1057] : memref<1000000x32xf32, #tpu.memory_space<hbm>> -> memref<1000000x32xf32, #tpu.memory_space<hbm>>
      tpu.wait_indirect_dma semaphore(%arg8 : memref<!tpu.dma_semaphore, #tpu.memory_space<semaphore_mem>>) src(%dma_wait3A_1058 : memref<1000000x32xf32, #tpu.memory_space<hbm>>) dst(%dma_wait3A_1052 : memref<50x32xf32, #tpu.memory_space<vmem>>)
      %dma_wait3A_1059 = arith.constant 8 : i32
      %dma_wait3A_1060 = arith.constant 0 : i32
      %dma_wait3A_1061 = arith.constant 0 : i32
      %dma_wait3A_1062 = tpu.memref_slice %arg6[%dma_wait3A_1059, %dma_wait3A_1060, %dma_wait3A_1061] : memref<32x50x32xf32, #tpu.memory_space<vmem>> -> memref<1x50x32xf32, #tpu.memory_space<vmem>>
      %dma_wait3A_1063 = tpu.memref_squeeze %dma_wait3A_1062 : memref<1x50x32xf32, #tpu.memory_space<vmem>> -> memref<50x32xf32, #tpu.memory_space<vmem>>
      %dma_wait3A_1064 = arith.constant 0 : i32
      %dma_wait3A_1065 = tpu.memref_slice %arg5[%add3A_133, %dma_wait3A_1064] : memref<512x50xi32, #tpu.memory_space<vmem>> -> memref<1x50xi32, #tpu.memory_space<vmem>>
      %dma_wait3A_1066 = tpu.memref_squeeze %dma_wait3A_1065 : memref<1x50xi32, #tpu.memory_space<vmem>> -> memref<50xi32, #tpu.memory_space<vmem>>
      %dma_wait3A_1067 = arith.constant 0 : i32
      %dma_wait3A_1068 = arith.constant 0 : i32
      %dma_wait3A_1069 = tpu.memref_slice %arg3[%dma_wait3A_1067, %dma_wait3A_1068] : memref<1000000x32xf32, #tpu.memory_space<hbm>> -> memref<1000000x32xf32, #tpu.memory_space<hbm>>
      tpu.wait_indirect_dma semaphore(%arg8 : memref<!tpu.dma_semaphore, #tpu.memory_space<semaphore_mem>>) src(%dma_wait3A_1069 : memref<1000000x32xf32, #tpu.memory_space<hbm>>) dst(%dma_wait3A_1063 : memref<50x32xf32, #tpu.memory_space<vmem>>)
      %dma_wait3A_1070 = arith.constant 9 : i32
      %dma_wait3A_1071 = arith.constant 0 : i32
      %dma_wait3A_1072 = arith.constant 0 : i32
      %dma_wait3A_1073 = tpu.memref_slice %arg6[%dma_wait3A_1070, %dma_wait3A_1071, %dma_wait3A_1072] : memref<32x50x32xf32, #tpu.memory_space<vmem>> -> memref<1x50x32xf32, #tpu.memory_space<vmem>>
      %dma_wait3A_1074 = tpu.memref_squeeze %dma_wait3A_1073 : memref<1x50x32xf32, #tpu.memory_space<vmem>> -> memref<50x32xf32, #tpu.memory_space<vmem>>
      %dma_wait3A_1075 = arith.constant 0 : i32
      %dma_wait3A_1076 = tpu.memref_slice %arg5[%add3A_148, %dma_wait3A_1075] : memref<512x50xi32, #tpu.memory_space<vmem>> -> memref<1x50xi32, #tpu.memory_space<vmem>>
      %dma_wait3A_1077 = tpu.memref_squeeze %dma_wait3A_1076 : memref<1x50xi32, #tpu.memory_space<vmem>> -> memref<50xi32, #tpu.memory_space<vmem>>
      %dma_wait3A_1078 = arith.constant 0 : i32
      %dma_wait3A_1079 = arith.constant 0 : i32
      %dma_wait3A_1080 = tpu.memref_slice %arg3[%dma_wait3A_1078, %dma_wait3A_1079] : memref<1000000x32xf32, #tpu.memory_space<hbm>> -> memref<1000000x32xf32, #tpu.memory_space<hbm>>
      tpu.wait_indirect_dma semaphore(%arg8 : memref<!tpu.dma_semaphore, #tpu.memory_space<semaphore_mem>>) src(%dma_wait3A_1080 : memref<1000000x32xf32, #tpu.memory_space<hbm>>) dst(%dma_wait3A_1074 : memref<50x32xf32, #tpu.memory_space<vmem>>)
      %dma_wait3A_1081 = arith.constant 10 : i32
      %dma_wait3A_1082 = arith.constant 0 : i32
      %dma_wait3A_1083 = arith.constant 0 : i32
      %dma_wait3A_1084 = tpu.memref_slice %arg6[%dma_wait3A_1081, %dma_wait3A_1082, %dma_wait3A_1083] : memref<32x50x32xf32, #tpu.memory_space<vmem>> -> memref<1x50x32xf32, #tpu.memory_space<vmem>>
      %dma_wait3A_1085 = tpu.memref_squeeze %dma_wait3A_1084 : memref<1x50x32xf32, #tpu.memory_space<vmem>> -> memref<50x32xf32, #tpu.memory_space<vmem>>
      %dma_wait3A_1086 = arith.constant 0 : i32
      %dma_wait3A_1087 = tpu.memref_slice %arg5[%add3A_163, %dma_wait3A_1086] : memref<512x50xi32, #tpu.memory_space<vmem>> -> memref<1x50xi32, #tpu.memory_space<vmem>>
      %dma_wait3A_1088 = tpu.memref_squeeze %dma_wait3A_1087 : memref<1x50xi32, #tpu.memory_space<vmem>> -> memref<50xi32, #tpu.memory_space<vmem>>
      %dma_wait3A_1089 = arith.constant 0 : i32
      %dma_wait3A_1090 = arith.constant 0 : i32
      %dma_wait3A_1091 = tpu.memref_slice %arg3[%dma_wait3A_1089, %dma_wait3A_1090] : memref<1000000x32xf32, #tpu.memory_space<hbm>> -> memref<1000000x32xf32, #tpu.memory_space<hbm>>
      tpu.wait_indirect_dma semaphore(%arg8 : memref<!tpu.dma_semaphore, #tpu.memory_space<semaphore_mem>>) src(%dma_wait3A_1091 : memref<1000000x32xf32, #tpu.memory_space<hbm>>) dst(%dma_wait3A_1085 : memref<50x32xf32, #tpu.memory_space<vmem>>)
      %dma_wait3A_1092 = arith.constant 11 : i32
      %dma_wait3A_1093 = arith.constant 0 : i32
      %dma_wait3A_1094 = arith.constant 0 : i32
      %dma_wait3A_1095 = tpu.memref_slice %arg6[%dma_wait3A_1092, %dma_wait3A_1093, %dma_wait3A_1094] : memref<32x50x32xf32, #tpu.memory_space<vmem>> -> memref<1x50x32xf32, #tpu.memory_space<vmem>>
      %dma_wait3A_1096 = tpu.memref_squeeze %dma_wait3A_1095 : memref<1x50x32xf32, #tpu.memory_space<vmem>> -> memref<50x32xf32, #tpu.memory_space<vmem>>
      %dma_wait3A_1097 = arith.constant 0 : i32
      %dma_wait3A_1098 = tpu.memref_slice %arg5[%add3A_178, %dma_wait3A_1097] : memref<512x50xi32, #tpu.memory_space<vmem>> -> memref<1x50xi32, #tpu.memory_space<vmem>>
      %dma_wait3A_1099 = tpu.memref_squeeze %dma_wait3A_1098 : memref<1x50xi32, #tpu.memory_space<vmem>> -> memref<50xi32, #tpu.memory_space<vmem>>
      %dma_wait3A_1100 = arith.constant 0 : i32
      %dma_wait3A_1101 = arith.constant 0 : i32
      %dma_wait3A_1102 = tpu.memref_slice %arg3[%dma_wait3A_1100, %dma_wait3A_1101] : memref<1000000x32xf32, #tpu.memory_space<hbm>> -> memref<1000000x32xf32, #tpu.memory_space<hbm>>
      tpu.wait_indirect_dma semaphore(%arg8 : memref<!tpu.dma_semaphore, #tpu.memory_space<semaphore_mem>>) src(%dma_wait3A_1102 : memref<1000000x32xf32, #tpu.memory_space<hbm>>) dst(%dma_wait3A_1096 : memref<50x32xf32, #tpu.memory_space<vmem>>)
      %dma_wait3A_1103 = arith.constant 12 : i32
      %dma_wait3A_1104 = arith.constant 0 : i32
      %dma_wait3A_1105 = arith.constant 0 : i32
      %dma_wait3A_1106 = tpu.memref_slice %arg6[%dma_wait3A_1103, %dma_wait3A_1104, %dma_wait3A_1105] : memref<32x50x32xf32, #tpu.memory_space<vmem>> -> memref<1x50x32xf32, #tpu.memory_space<vmem>>
      %dma_wait3A_1107 = tpu.memref_squeeze %dma_wait3A_1106 : memref<1x50x32xf32, #tpu.memory_space<vmem>> -> memref<50x32xf32, #tpu.memory_space<vmem>>
      %dma_wait3A_1108 = arith.constant 0 : i32
      %dma_wait3A_1109 = tpu.memref_slice %arg5[%add3A_193, %dma_wait3A_1108] : memref<512x50xi32, #tpu.memory_space<vmem>> -> memref<1x50xi32, #tpu.memory_space<vmem>>
      %dma_wait3A_1110 = tpu.memref_squeeze %dma_wait3A_1109 : memref<1x50xi32, #tpu.memory_space<vmem>> -> memref<50xi32, #tpu.memory_space<vmem>>
      %dma_wait3A_1111 = arith.constant 0 : i32
      %dma_wait3A_1112 = arith.constant 0 : i32
      %dma_wait3A_1113 = tpu.memref_slice %arg3[%dma_wait3A_1111, %dma_wait3A_1112] : memref<1000000x32xf32, #tpu.memory_space<hbm>> -> memref<1000000x32xf32, #tpu.memory_space<hbm>>
      tpu.wait_indirect_dma semaphore(%arg8 : memref<!tpu.dma_semaphore, #tpu.memory_space<semaphore_mem>>) src(%dma_wait3A_1113 : memref<1000000x32xf32, #tpu.memory_space<hbm>>) dst(%dma_wait3A_1107 : memref<50x32xf32, #tpu.memory_space<vmem>>)
      %dma_wait3A_1114 = arith.constant 13 : i32
      %dma_wait3A_1115 = arith.constant 0 : i32
      %dma_wait3A_1116 = arith.constant 0 : i32
      %dma_wait3A_1117 = tpu.memref_slice %arg6[%dma_wait3A_1114, %dma_wait3A_1115, %dma_wait3A_1116] : memref<32x50x32xf32, #tpu.memory_space<vmem>> -> memref<1x50x32xf32, #tpu.memory_space<vmem>>
      %dma_wait3A_1118 = tpu.memref_squeeze %dma_wait3A_1117 : memref<1x50x32xf32, #tpu.memory_space<vmem>> -> memref<50x32xf32, #tpu.memory_space<vmem>>
      %dma_wait3A_1119 = arith.constant 0 : i32
      %dma_wait3A_1120 = tpu.memref_slice %arg5[%add3A_208, %dma_wait3A_1119] : memref<512x50xi32, #tpu.memory_space<vmem>> -> memref<1x50xi32, #tpu.memory_space<vmem>>
      %dma_wait3A_1121 = tpu.memref_squeeze %dma_wait3A_1120 : memref<1x50xi32, #tpu.memory_space<vmem>> -> memref<50xi32, #tpu.memory_space<vmem>>
      %dma_wait3A_1122 = arith.constant 0 : i32
      %dma_wait3A_1123 = arith.constant 0 : i32
      %dma_wait3A_1124 = tpu.memref_slice %arg3[%dma_wait3A_1122, %dma_wait3A_1123] : memref<1000000x32xf32, #tpu.memory_space<hbm>> -> memref<1000000x32xf32, #tpu.memory_space<hbm>>
      tpu.wait_indirect_dma semaphore(%arg8 : memref<!tpu.dma_semaphore, #tpu.memory_space<semaphore_mem>>) src(%dma_wait3A_1124 : memref<1000000x32xf32, #tpu.memory_space<hbm>>) dst(%dma_wait3A_1118 : memref<50x32xf32, #tpu.memory_space<vmem>>)
      %dma_wait3A_1125 = arith.constant 14 : i32
      %dma_wait3A_1126 = arith.constant 0 : i32
      %dma_wait3A_1127 = arith.constant 0 : i32
      %dma_wait3A_1128 = tpu.memref_slice %arg6[%dma_wait3A_1125, %dma_wait3A_1126, %dma_wait3A_1127] : memref<32x50x32xf32, #tpu.memory_space<vmem>> -> memref<1x50x32xf32, #tpu.memory_space<vmem>>
      %dma_wait3A_1129 = tpu.memref_squeeze %dma_wait3A_1128 : memref<1x50x32xf32, #tpu.memory_space<vmem>> -> memref<50x32xf32, #tpu.memory_space<vmem>>
      %dma_wait3A_1130 = arith.constant 0 : i32
      %dma_wait3A_1131 = tpu.memref_slice %arg5[%add3A_223, %dma_wait3A_1130] : memref<512x50xi32, #tpu.memory_space<vmem>> -> memref<1x50xi32, #tpu.memory_space<vmem>>
      %dma_wait3A_1132 = tpu.memref_squeeze %dma_wait3A_1131 : memref<1x50xi32, #tpu.memory_space<vmem>> -> memref<50xi32, #tpu.memory_space<vmem>>
      %dma_wait3A_1133 = arith.constant 0 : i32
      %dma_wait3A_1134 = arith.constant 0 : i32
      %dma_wait3A_1135 = tpu.memref_slice %arg3[%dma_wait3A_1133, %dma_wait3A_1134] : memref<1000000x32xf32, #tpu.memory_space<hbm>> -> memref<1000000x32xf32, #tpu.memory_space<hbm>>
      tpu.wait_indirect_dma semaphore(%arg8 : memref<!tpu.dma_semaphore, #tpu.memory_space<semaphore_mem>>) src(%dma_wait3A_1135 : memref<1000000x32xf32, #tpu.memory_space<hbm>>) dst(%dma_wait3A_1129 : memref<50x32xf32, #tpu.memory_space<vmem>>)
      %dma_wait3A_1136 = arith.constant 15 : i32
      %dma_wait3A_1137 = arith.constant 0 : i32
      %dma_wait3A_1138 = arith.constant 0 : i32
      %dma_wait3A_1139 = tpu.memref_slice %arg6[%dma_wait3A_1136, %dma_wait3A_1137, %dma_wait3A_1138] : memref<32x50x32xf32, #tpu.memory_space<vmem>> -> memref<1x50x32xf32, #tpu.memory_space<vmem>>
      %dma_wait3A_1140 = tpu.memref_squeeze %dma_wait3A_1139 : memref<1x50x32xf32, #tpu.memory_space<vmem>> -> memref<50x32xf32, #tpu.memory_space<vmem>>
      %dma_wait3A_1141 = arith.constant 0 : i32
      %dma_wait3A_1142 = tpu.memref_slice %arg5[%add3A_238, %dma_wait3A_1141] : memref<512x50xi32, #tpu.memory_space<vmem>> -> memref<1x50xi32, #tpu.memory_space<vmem>>
      %dma_wait3A_1143 = tpu.memref_squeeze %dma_wait3A_1142 : memref<1x50xi32, #tpu.memory_space<vmem>> -> memref<50xi32, #tpu.memory_space<vmem>>
      %dma_wait3A_1144 = arith.constant 0 : i32
      %dma_wait3A_1145 = arith.constant 0 : i32
      %dma_wait3A_1146 = tpu.memref_slice %arg3[%dma_wait3A_1144, %dma_wait3A_1145] : memref<1000000x32xf32, #tpu.memory_space<hbm>> -> memref<1000000x32xf32, #tpu.memory_space<hbm>>
      tpu.wait_indirect_dma semaphore(%arg8 : memref<!tpu.dma_semaphore, #tpu.memory_space<semaphore_mem>>) src(%dma_wait3A_1146 : memref<1000000x32xf32, #tpu.memory_space<hbm>>) dst(%dma_wait3A_1140 : memref<50x32xf32, #tpu.memory_space<vmem>>)
      %dma_wait3A_1147 = arith.constant 16 : i32
      %dma_wait3A_1148 = arith.constant 0 : i32
      %dma_wait3A_1149 = arith.constant 0 : i32
      %dma_wait3A_1150 = tpu.memref_slice %arg6[%dma_wait3A_1147, %dma_wait3A_1148, %dma_wait3A_1149] : memref<32x50x32xf32, #tpu.memory_space<vmem>> -> memref<1x50x32xf32, #tpu.memory_space<vmem>>
      %dma_wait3A_1151 = tpu.memref_squeeze %dma_wait3A_1150 : memref<1x50x32xf32, #tpu.memory_space<vmem>> -> memref<50x32xf32, #tpu.memory_space<vmem>>
      %dma_wait3A_1152 = arith.constant 0 : i32
      %dma_wait3A_1153 = tpu.memref_slice %arg5[%add3A_253, %dma_wait3A_1152] : memref<512x50xi32, #tpu.memory_space<vmem>> -> memref<1x50xi32, #tpu.memory_space<vmem>>
      %dma_wait3A_1154 = tpu.memref_squeeze %dma_wait3A_1153 : memref<1x50xi32, #tpu.memory_space<vmem>> -> memref<50xi32, #tpu.memory_space<vmem>>
      %dma_wait3A_1155 = arith.constant 0 : i32
      %dma_wait3A_1156 = arith.constant 0 : i32
      %dma_wait3A_1157 = tpu.memref_slice %arg3[%dma_wait3A_1155, %dma_wait3A_1156] : memref<1000000x32xf32, #tpu.memory_space<hbm>> -> memref<1000000x32xf32, #tpu.memory_space<hbm>>
      tpu.wait_indirect_dma semaphore(%arg8 : memref<!tpu.dma_semaphore, #tpu.memory_space<semaphore_mem>>) src(%dma_wait3A_1157 : memref<1000000x32xf32, #tpu.memory_space<hbm>>) dst(%dma_wait3A_1151 : memref<50x32xf32, #tpu.memory_space<vmem>>)
      %dma_wait3A_1158 = arith.constant 17 : i32
      %dma_wait3A_1159 = arith.constant 0 : i32
      %dma_wait3A_1160 = arith.constant 0 : i32
      %dma_wait3A_1161 = tpu.memref_slice %arg6[%dma_wait3A_1158, %dma_wait3A_1159, %dma_wait3A_1160] : memref<32x50x32xf32, #tpu.memory_space<vmem>> -> memref<1x50x32xf32, #tpu.memory_space<vmem>>
      %dma_wait3A_1162 = tpu.memref_squeeze %dma_wait3A_1161 : memref<1x50x32xf32, #tpu.memory_space<vmem>> -> memref<50x32xf32, #tpu.memory_space<vmem>>
      %dma_wait3A_1163 = arith.constant 0 : i32
      %dma_wait3A_1164 = tpu.memref_slice %arg5[%add3A_268, %dma_wait3A_1163] : memref<512x50xi32, #tpu.memory_space<vmem>> -> memref<1x50xi32, #tpu.memory_space<vmem>>
      %dma_wait3A_1165 = tpu.memref_squeeze %dma_wait3A_1164 : memref<1x50xi32, #tpu.memory_space<vmem>> -> memref<50xi32, #tpu.memory_space<vmem>>
      %dma_wait3A_1166 = arith.constant 0 : i32
      %dma_wait3A_1167 = arith.constant 0 : i32
      %dma_wait3A_1168 = tpu.memref_slice %arg3[%dma_wait3A_1166, %dma_wait3A_1167] : memref<1000000x32xf32, #tpu.memory_space<hbm>> -> memref<1000000x32xf32, #tpu.memory_space<hbm>>
      tpu.wait_indirect_dma semaphore(%arg8 : memref<!tpu.dma_semaphore, #tpu.memory_space<semaphore_mem>>) src(%dma_wait3A_1168 : memref<1000000x32xf32, #tpu.memory_space<hbm>>) dst(%dma_wait3A_1162 : memref<50x32xf32, #tpu.memory_space<vmem>>)
      %dma_wait3A_1169 = arith.constant 18 : i32
      %dma_wait3A_1170 = arith.constant 0 : i32
      %dma_wait3A_1171 = arith.constant 0 : i32
      %dma_wait3A_1172 = tpu.memref_slice %arg6[%dma_wait3A_1169, %dma_wait3A_1170, %dma_wait3A_1171] : memref<32x50x32xf32, #tpu.memory_space<vmem>> -> memref<1x50x32xf32, #tpu.memory_space<vmem>>
      %dma_wait3A_1173 = tpu.memref_squeeze %dma_wait3A_1172 : memref<1x50x32xf32, #tpu.memory_space<vmem>> -> memref<50x32xf32, #tpu.memory_space<vmem>>
      %dma_wait3A_1174 = arith.constant 0 : i32
      %dma_wait3A_1175 = tpu.memref_slice %arg5[%add3A_283, %dma_wait3A_1174] : memref<512x50xi32, #tpu.memory_space<vmem>> -> memref<1x50xi32, #tpu.memory_space<vmem>>
      %dma_wait3A_1176 = tpu.memref_squeeze %dma_wait3A_1175 : memref<1x50xi32, #tpu.memory_space<vmem>> -> memref<50xi32, #tpu.memory_space<vmem>>
      %dma_wait3A_1177 = arith.constant 0 : i32
      %dma_wait3A_1178 = arith.constant 0 : i32
      %dma_wait3A_1179 = tpu.memref_slice %arg3[%dma_wait3A_1177, %dma_wait3A_1178] : memref<1000000x32xf32, #tpu.memory_space<hbm>> -> memref<1000000x32xf32, #tpu.memory_space<hbm>>
      tpu.wait_indirect_dma semaphore(%arg8 : memref<!tpu.dma_semaphore, #tpu.memory_space<semaphore_mem>>) src(%dma_wait3A_1179 : memref<1000000x32xf32, #tpu.memory_space<hbm>>) dst(%dma_wait3A_1173 : memref<50x32xf32, #tpu.memory_space<vmem>>)
      %dma_wait3A_1180 = arith.constant 19 : i32
      %dma_wait3A_1181 = arith.constant 0 : i32
      %dma_wait3A_1182 = arith.constant 0 : i32
      %dma_wait3A_1183 = tpu.memref_slice %arg6[%dma_wait3A_1180, %dma_wait3A_1181, %dma_wait3A_1182] : memref<32x50x32xf32, #tpu.memory_space<vmem>> -> memref<1x50x32xf32, #tpu.memory_space<vmem>>
      %dma_wait3A_1184 = tpu.memref_squeeze %dma_wait3A_1183 : memref<1x50x32xf32, #tpu.memory_space<vmem>> -> memref<50x32xf32, #tpu.memory_space<vmem>>
      %dma_wait3A_1185 = arith.constant 0 : i32
      %dma_wait3A_1186 = tpu.memref_slice %arg5[%add3A_298, %dma_wait3A_1185] : memref<512x50xi32, #tpu.memory_space<vmem>> -> memref<1x50xi32, #tpu.memory_space<vmem>>
      %dma_wait3A_1187 = tpu.memref_squeeze %dma_wait3A_1186 : memref<1x50xi32, #tpu.memory_space<vmem>> -> memref<50xi32, #tpu.memory_space<vmem>>
      %dma_wait3A_1188 = arith.constant 0 : i32
      %dma_wait3A_1189 = arith.constant 0 : i32
      %dma_wait3A_1190 = tpu.memref_slice %arg3[%dma_wait3A_1188, %dma_wait3A_1189] : memref<1000000x32xf32, #tpu.memory_space<hbm>> -> memref<1000000x32xf32, #tpu.memory_space<hbm>>
      tpu.wait_indirect_dma semaphore(%arg8 : memref<!tpu.dma_semaphore, #tpu.memory_space<semaphore_mem>>) src(%dma_wait3A_1190 : memref<1000000x32xf32, #tpu.memory_space<hbm>>) dst(%dma_wait3A_1184 : memref<50x32xf32, #tpu.memory_space<vmem>>)
      %dma_wait3A_1191 = arith.constant 20 : i32
      %dma_wait3A_1192 = arith.constant 0 : i32
      %dma_wait3A_1193 = arith.constant 0 : i32
      %dma_wait3A_1194 = tpu.memref_slice %arg6[%dma_wait3A_1191, %dma_wait3A_1192, %dma_wait3A_1193] : memref<32x50x32xf32, #tpu.memory_space<vmem>> -> memref<1x50x32xf32, #tpu.memory_space<vmem>>
      %dma_wait3A_1195 = tpu.memref_squeeze %dma_wait3A_1194 : memref<1x50x32xf32, #tpu.memory_space<vmem>> -> memref<50x32xf32, #tpu.memory_space<vmem>>
      %dma_wait3A_1196 = arith.constant 0 : i32
      %dma_wait3A_1197 = tpu.memref_slice %arg5[%add3A_313, %dma_wait3A_1196] : memref<512x50xi32, #tpu.memory_space<vmem>> -> memref<1x50xi32, #tpu.memory_space<vmem>>
      %dma_wait3A_1198 = tpu.memref_squeeze %dma_wait3A_1197 : memref<1x50xi32, #tpu.memory_space<vmem>> -> memref<50xi32, #tpu.memory_space<vmem>>
      %dma_wait3A_1199 = arith.constant 0 : i32
      %dma_wait3A_1200 = arith.constant 0 : i32
      %dma_wait3A_1201 = tpu.memref_slice %arg3[%dma_wait3A_1199, %dma_wait3A_1200] : memref<1000000x32xf32, #tpu.memory_space<hbm>> -> memref<1000000x32xf32, #tpu.memory_space<hbm>>
      tpu.wait_indirect_dma semaphore(%arg8 : memref<!tpu.dma_semaphore, #tpu.memory_space<semaphore_mem>>) src(%dma_wait3A_1201 : memref<1000000x32xf32, #tpu.memory_space<hbm>>) dst(%dma_wait3A_1195 : memref<50x32xf32, #tpu.memory_space<vmem>>)
      %dma_wait3A_1202 = arith.constant 21 : i32
      %dma_wait3A_1203 = arith.constant 0 : i32
      %dma_wait3A_1204 = arith.constant 0 : i32
      %dma_wait3A_1205 = tpu.memref_slice %arg6[%dma_wait3A_1202, %dma_wait3A_1203, %dma_wait3A_1204] : memref<32x50x32xf32, #tpu.memory_space<vmem>> -> memref<1x50x32xf32, #tpu.memory_space<vmem>>
      %dma_wait3A_1206 = tpu.memref_squeeze %dma_wait3A_1205 : memref<1x50x32xf32, #tpu.memory_space<vmem>> -> memref<50x32xf32, #tpu.memory_space<vmem>>
      %dma_wait3A_1207 = arith.constant 0 : i32
      %dma_wait3A_1208 = tpu.memref_slice %arg5[%add3A_328, %dma_wait3A_1207] : memref<512x50xi32, #tpu.memory_space<vmem>> -> memref<1x50xi32, #tpu.memory_space<vmem>>
      %dma_wait3A_1209 = tpu.memref_squeeze %dma_wait3A_1208 : memref<1x50xi32, #tpu.memory_space<vmem>> -> memref<50xi32, #tpu.memory_space<vmem>>
      %dma_wait3A_1210 = arith.constant 0 : i32
      %dma_wait3A_1211 = arith.constant 0 : i32
      %dma_wait3A_1212 = tpu.memref_slice %arg3[%dma_wait3A_1210, %dma_wait3A_1211] : memref<1000000x32xf32, #tpu.memory_space<hbm>> -> memref<1000000x32xf32, #tpu.memory_space<hbm>>
      tpu.wait_indirect_dma semaphore(%arg8 : memref<!tpu.dma_semaphore, #tpu.memory_space<semaphore_mem>>) src(%dma_wait3A_1212 : memref<1000000x32xf32, #tpu.memory_space<hbm>>) dst(%dma_wait3A_1206 : memref<50x32xf32, #tpu.memory_space<vmem>>)
      %dma_wait3A_1213 = arith.constant 22 : i32
      %dma_wait3A_1214 = arith.constant 0 : i32
      %dma_wait3A_1215 = arith.constant 0 : i32
      %dma_wait3A_1216 = tpu.memref_slice %arg6[%dma_wait3A_1213, %dma_wait3A_1214, %dma_wait3A_1215] : memref<32x50x32xf32, #tpu.memory_space<vmem>> -> memref<1x50x32xf32, #tpu.memory_space<vmem>>
      %dma_wait3A_1217 = tpu.memref_squeeze %dma_wait3A_1216 : memref<1x50x32xf32, #tpu.memory_space<vmem>> -> memref<50x32xf32, #tpu.memory_space<vmem>>
      %dma_wait3A_1218 = arith.constant 0 : i32
      %dma_wait3A_1219 = tpu.memref_slice %arg5[%add3A_343, %dma_wait3A_1218] : memref<512x50xi32, #tpu.memory_space<vmem>> -> memref<1x50xi32, #tpu.memory_space<vmem>>
      %dma_wait3A_1220 = tpu.memref_squeeze %dma_wait3A_1219 : memref<1x50xi32, #tpu.memory_space<vmem>> -> memref<50xi32, #tpu.memory_space<vmem>>
      %dma_wait3A_1221 = arith.constant 0 : i32
      %dma_wait3A_1222 = arith.constant 0 : i32
      %dma_wait3A_1223 = tpu.memref_slice %arg3[%dma_wait3A_1221, %dma_wait3A_1222] : memref<1000000x32xf32, #tpu.memory_space<hbm>> -> memref<1000000x32xf32, #tpu.memory_space<hbm>>
      tpu.wait_indirect_dma semaphore(%arg8 : memref<!tpu.dma_semaphore, #tpu.memory_space<semaphore_mem>>) src(%dma_wait3A_1223 : memref<1000000x32xf32, #tpu.memory_space<hbm>>) dst(%dma_wait3A_1217 : memref<50x32xf32, #tpu.memory_space<vmem>>)
      %dma_wait3A_1224 = arith.constant 23 : i32
      %dma_wait3A_1225 = arith.constant 0 : i32
      %dma_wait3A_1226 = arith.constant 0 : i32
      %dma_wait3A_1227 = tpu.memref_slice %arg6[%dma_wait3A_1224, %dma_wait3A_1225, %dma_wait3A_1226] : memref<32x50x32xf32, #tpu.memory_space<vmem>> -> memref<1x50x32xf32, #tpu.memory_space<vmem>>
      %dma_wait3A_1228 = tpu.memref_squeeze %dma_wait3A_1227 : memref<1x50x32xf32, #tpu.memory_space<vmem>> -> memref<50x32xf32, #tpu.memory_space<vmem>>
      %dma_wait3A_1229 = arith.constant 0 : i32
      %dma_wait3A_1230 = tpu.memref_slice %arg5[%add3A_358, %dma_wait3A_1229] : memref<512x50xi32, #tpu.memory_space<vmem>> -> memref<1x50xi32, #tpu.memory_space<vmem>>
      %dma_wait3A_1231 = tpu.memref_squeeze %dma_wait3A_1230 : memref<1x50xi32, #tpu.memory_space<vmem>> -> memref<50xi32, #tpu.memory_space<vmem>>
      %dma_wait3A_1232 = arith.constant 0 : i32
      %dma_wait3A_1233 = arith.constant 0 : i32
      %dma_wait3A_1234 = tpu.memref_slice %arg3[%dma_wait3A_1232, %dma_wait3A_1233] : memref<1000000x32xf32, #tpu.memory_space<hbm>> -> memref<1000000x32xf32, #tpu.memory_space<hbm>>
      tpu.wait_indirect_dma semaphore(%arg8 : memref<!tpu.dma_semaphore, #tpu.memory_space<semaphore_mem>>) src(%dma_wait3A_1234 : memref<1000000x32xf32, #tpu.memory_space<hbm>>) dst(%dma_wait3A_1228 : memref<50x32xf32, #tpu.memory_space<vmem>>)
      %dma_wait3A_1235 = arith.constant 24 : i32
      %dma_wait3A_1236 = arith.constant 0 : i32
      %dma_wait3A_1237 = arith.constant 0 : i32
      %dma_wait3A_1238 = tpu.memref_slice %arg6[%dma_wait3A_1235, %dma_wait3A_1236, %dma_wait3A_1237] : memref<32x50x32xf32, #tpu.memory_space<vmem>> -> memref<1x50x32xf32, #tpu.memory_space<vmem>>
      %dma_wait3A_1239 = tpu.memref_squeeze %dma_wait3A_1238 : memref<1x50x32xf32, #tpu.memory_space<vmem>> -> memref<50x32xf32, #tpu.memory_space<vmem>>
      %dma_wait3A_1240 = arith.constant 0 : i32
      %dma_wait3A_1241 = tpu.memref_slice %arg5[%add3A_373, %dma_wait3A_1240] : memref<512x50xi32, #tpu.memory_space<vmem>> -> memref<1x50xi32, #tpu.memory_space<vmem>>
      %dma_wait3A_1242 = tpu.memref_squeeze %dma_wait3A_1241 : memref<1x50xi32, #tpu.memory_space<vmem>> -> memref<50xi32, #tpu.memory_space<vmem>>
      %dma_wait3A_1243 = arith.constant 0 : i32
      %dma_wait3A_1244 = arith.constant 0 : i32
      %dma_wait3A_1245 = tpu.memref_slice %arg3[%dma_wait3A_1243, %dma_wait3A_1244] : memref<1000000x32xf32, #tpu.memory_space<hbm>> -> memref<1000000x32xf32, #tpu.memory_space<hbm>>
      tpu.wait_indirect_dma semaphore(%arg8 : memref<!tpu.dma_semaphore, #tpu.memory_space<semaphore_mem>>) src(%dma_wait3A_1245 : memref<1000000x32xf32, #tpu.memory_space<hbm>>) dst(%dma_wait3A_1239 : memref<50x32xf32, #tpu.memory_space<vmem>>)
      %dma_wait3A_1246 = arith.constant 25 : i32
      %dma_wait3A_1247 = arith.constant 0 : i32
      %dma_wait3A_1248 = arith.constant 0 : i32
      %dma_wait3A_1249 = tpu.memref_slice %arg6[%dma_wait3A_1246, %dma_wait3A_1247, %dma_wait3A_1248] : memref<32x50x32xf32, #tpu.memory_space<vmem>> -> memref<1x50x32xf32, #tpu.memory_space<vmem>>
      %dma_wait3A_1250 = tpu.memref_squeeze %dma_wait3A_1249 : memref<1x50x32xf32, #tpu.memory_space<vmem>> -> memref<50x32xf32, #tpu.memory_space<vmem>>
      %dma_wait3A_1251 = arith.constant 0 : i32
      %dma_wait3A_1252 = tpu.memref_slice %arg5[%add3A_388, %dma_wait3A_1251] : memref<512x50xi32, #tpu.memory_space<vmem>> -> memref<1x50xi32, #tpu.memory_space<vmem>>
      %dma_wait3A_1253 = tpu.memref_squeeze %dma_wait3A_1252 : memref<1x50xi32, #tpu.memory_space<vmem>> -> memref<50xi32, #tpu.memory_space<vmem>>
      %dma_wait3A_1254 = arith.constant 0 : i32
      %dma_wait3A_1255 = arith.constant 0 : i32
      %dma_wait3A_1256 = tpu.memref_slice %arg3[%dma_wait3A_1254, %dma_wait3A_1255] : memref<1000000x32xf32, #tpu.memory_space<hbm>> -> memref<1000000x32xf32, #tpu.memory_space<hbm>>
      tpu.wait_indirect_dma semaphore(%arg8 : memref<!tpu.dma_semaphore, #tpu.memory_space<semaphore_mem>>) src(%dma_wait3A_1256 : memref<1000000x32xf32, #tpu.memory_space<hbm>>) dst(%dma_wait3A_1250 : memref<50x32xf32, #tpu.memory_space<vmem>>)
      %dma_wait3A_1257 = arith.constant 26 : i32
      %dma_wait3A_1258 = arith.constant 0 : i32
      %dma_wait3A_1259 = arith.constant 0 : i32
      %dma_wait3A_1260 = tpu.memref_slice %arg6[%dma_wait3A_1257, %dma_wait3A_1258, %dma_wait3A_1259] : memref<32x50x32xf32, #tpu.memory_space<vmem>> -> memref<1x50x32xf32, #tpu.memory_space<vmem>>
      %dma_wait3A_1261 = tpu.memref_squeeze %dma_wait3A_1260 : memref<1x50x32xf32, #tpu.memory_space<vmem>> -> memref<50x32xf32, #tpu.memory_space<vmem>>
      %dma_wait3A_1262 = arith.constant 0 : i32
      %dma_wait3A_1263 = tpu.memref_slice %arg5[%add3A_403, %dma_wait3A_1262] : memref<512x50xi32, #tpu.memory_space<vmem>> -> memref<1x50xi32, #tpu.memory_space<vmem>>
      %dma_wait3A_1264 = tpu.memref_squeeze %dma_wait3A_1263 : memref<1x50xi32, #tpu.memory_space<vmem>> -> memref<50xi32, #tpu.memory_space<vmem>>
      %dma_wait3A_1265 = arith.constant 0 : i32
      %dma_wait3A_1266 = arith.constant 0 : i32
      %dma_wait3A_1267 = tpu.memref_slice %arg3[%dma_wait3A_1265, %dma_wait3A_1266] : memref<1000000x32xf32, #tpu.memory_space<hbm>> -> memref<1000000x32xf32, #tpu.memory_space<hbm>>
      tpu.wait_indirect_dma semaphore(%arg8 : memref<!tpu.dma_semaphore, #tpu.memory_space<semaphore_mem>>) src(%dma_wait3A_1267 : memref<1000000x32xf32, #tpu.memory_space<hbm>>) dst(%dma_wait3A_1261 : memref<50x32xf32, #tpu.memory_space<vmem>>)
      %dma_wait3A_1268 = arith.constant 27 : i32
      %dma_wait3A_1269 = arith.constant 0 : i32
      %dma_wait3A_1270 = arith.constant 0 : i32
      %dma_wait3A_1271 = tpu.memref_slice %arg6[%dma_wait3A_1268, %dma_wait3A_1269, %dma_wait3A_1270] : memref<32x50x32xf32, #tpu.memory_space<vmem>> -> memref<1x50x32xf32, #tpu.memory_space<vmem>>
      %dma_wait3A_1272 = tpu.memref_squeeze %dma_wait3A_1271 : memref<1x50x32xf32, #tpu.memory_space<vmem>> -> memref<50x32xf32, #tpu.memory_space<vmem>>
      %dma_wait3A_1273 = arith.constant 0 : i32
      %dma_wait3A_1274 = tpu.memref_slice %arg5[%add3A_418, %dma_wait3A_1273] : memref<512x50xi32, #tpu.memory_space<vmem>> -> memref<1x50xi32, #tpu.memory_space<vmem>>
      %dma_wait3A_1275 = tpu.memref_squeeze %dma_wait3A_1274 : memref<1x50xi32, #tpu.memory_space<vmem>> -> memref<50xi32, #tpu.memory_space<vmem>>
      %dma_wait3A_1276 = arith.constant 0 : i32
      %dma_wait3A_1277 = arith.constant 0 : i32
      %dma_wait3A_1278 = tpu.memref_slice %arg3[%dma_wait3A_1276, %dma_wait3A_1277] : memref<1000000x32xf32, #tpu.memory_space<hbm>> -> memref<1000000x32xf32, #tpu.memory_space<hbm>>
      tpu.wait_indirect_dma semaphore(%arg8 : memref<!tpu.dma_semaphore, #tpu.memory_space<semaphore_mem>>) src(%dma_wait3A_1278 : memref<1000000x32xf32, #tpu.memory_space<hbm>>) dst(%dma_wait3A_1272 : memref<50x32xf32, #tpu.memory_space<vmem>>)
      %dma_wait3A_1279 = arith.constant 28 : i32
      %dma_wait3A_1280 = arith.constant 0 : i32
      %dma_wait3A_1281 = arith.constant 0 : i32
      %dma_wait3A_1282 = tpu.memref_slice %arg6[%dma_wait3A_1279, %dma_wait3A_1280, %dma_wait3A_1281] : memref<32x50x32xf32, #tpu.memory_space<vmem>> -> memref<1x50x32xf32, #tpu.memory_space<vmem>>
      %dma_wait3A_1283 = tpu.memref_squeeze %dma_wait3A_1282 : memref<1x50x32xf32, #tpu.memory_space<vmem>> -> memref<50x32xf32, #tpu.memory_space<vmem>>
      %dma_wait3A_1284 = arith.constant 0 : i32
      %dma_wait3A_1285 = tpu.memref_slice %arg5[%add3A_433, %dma_wait3A_1284] : memref<512x50xi32, #tpu.memory_space<vmem>> -> memref<1x50xi32, #tpu.memory_space<vmem>>
      %dma_wait3A_1286 = tpu.memref_squeeze %dma_wait3A_1285 : memref<1x50xi32, #tpu.memory_space<vmem>> -> memref<50xi32, #tpu.memory_space<vmem>>
      %dma_wait3A_1287 = arith.constant 0 : i32
      %dma_wait3A_1288 = arith.constant 0 : i32
      %dma_wait3A_1289 = tpu.memref_slice %arg3[%dma_wait3A_1287, %dma_wait3A_1288] : memref<1000000x32xf32, #tpu.memory_space<hbm>> -> memref<1000000x32xf32, #tpu.memory_space<hbm>>
      tpu.wait_indirect_dma semaphore(%arg8 : memref<!tpu.dma_semaphore, #tpu.memory_space<semaphore_mem>>) src(%dma_wait3A_1289 : memref<1000000x32xf32, #tpu.memory_space<hbm>>) dst(%dma_wait3A_1283 : memref<50x32xf32, #tpu.memory_space<vmem>>)
      %dma_wait3A_1290 = arith.constant 29 : i32
      %dma_wait3A_1291 = arith.constant 0 : i32
      %dma_wait3A_1292 = arith.constant 0 : i32
      %dma_wait3A_1293 = tpu.memref_slice %arg6[%dma_wait3A_1290, %dma_wait3A_1291, %dma_wait3A_1292] : memref<32x50x32xf32, #tpu.memory_space<vmem>> -> memref<1x50x32xf32, #tpu.memory_space<vmem>>
      %dma_wait3A_1294 = tpu.memref_squeeze %dma_wait3A_1293 : memref<1x50x32xf32, #tpu.memory_space<vmem>> -> memref<50x32xf32, #tpu.memory_space<vmem>>
      %dma_wait3A_1295 = arith.constant 0 : i32
      %dma_wait3A_1296 = tpu.memref_slice %arg5[%add3A_448, %dma_wait3A_1295] : memref<512x50xi32, #tpu.memory_space<vmem>> -> memref<1x50xi32, #tpu.memory_space<vmem>>
      %dma_wait3A_1297 = tpu.memref_squeeze %dma_wait3A_1296 : memref<1x50xi32, #tpu.memory_space<vmem>> -> memref<50xi32, #tpu.memory_space<vmem>>
      %dma_wait3A_1298 = arith.constant 0 : i32
      %dma_wait3A_1299 = arith.constant 0 : i32
      %dma_wait3A_1300 = tpu.memref_slice %arg3[%dma_wait3A_1298, %dma_wait3A_1299] : memref<1000000x32xf32, #tpu.memory_space<hbm>> -> memref<1000000x32xf32, #tpu.memory_space<hbm>>
      tpu.wait_indirect_dma semaphore(%arg8 : memref<!tpu.dma_semaphore, #tpu.memory_space<semaphore_mem>>) src(%dma_wait3A_1300 : memref<1000000x32xf32, #tpu.memory_space<hbm>>) dst(%dma_wait3A_1294 : memref<50x32xf32, #tpu.memory_space<vmem>>)
      %dma_wait3A_1301 = arith.constant 30 : i32
      %dma_wait3A_1302 = arith.constant 0 : i32
      %dma_wait3A_1303 = arith.constant 0 : i32
      %dma_wait3A_1304 = tpu.memref_slice %arg6[%dma_wait3A_1301, %dma_wait3A_1302, %dma_wait3A_1303] : memref<32x50x32xf32, #tpu.memory_space<vmem>> -> memref<1x50x32xf32, #tpu.memory_space<vmem>>
      %dma_wait3A_1305 = tpu.memref_squeeze %dma_wait3A_1304 : memref<1x50x32xf32, #tpu.memory_space<vmem>> -> memref<50x32xf32, #tpu.memory_space<vmem>>
      %dma_wait3A_1306 = arith.constant 0 : i32
      %dma_wait3A_1307 = tpu.memref_slice %arg5[%add3A_463, %dma_wait3A_1306] : memref<512x50xi32, #tpu.memory_space<vmem>> -> memref<1x50xi32, #tpu.memory_space<vmem>>
      %dma_wait3A_1308 = tpu.memref_squeeze %dma_wait3A_1307 : memref<1x50xi32, #tpu.memory_space<vmem>> -> memref<50xi32, #tpu.memory_space<vmem>>
      %dma_wait3A_1309 = arith.constant 0 : i32
      %dma_wait3A_1310 = arith.constant 0 : i32
      %dma_wait3A_1311 = tpu.memref_slice %arg3[%dma_wait3A_1309, %dma_wait3A_1310] : memref<1000000x32xf32, #tpu.memory_space<hbm>> -> memref<1000000x32xf32, #tpu.memory_space<hbm>>
      tpu.wait_indirect_dma semaphore(%arg8 : memref<!tpu.dma_semaphore, #tpu.memory_space<semaphore_mem>>) src(%dma_wait3A_1311 : memref<1000000x32xf32, #tpu.memory_space<hbm>>) dst(%dma_wait3A_1305 : memref<50x32xf32, #tpu.memory_space<vmem>>)
      %dma_wait3A_1312 = arith.constant 31 : i32
      %dma_wait3A_1313 = arith.constant 0 : i32
      %dma_wait3A_1314 = arith.constant 0 : i32
      %dma_wait3A_1315 = tpu.memref_slice %arg6[%dma_wait3A_1312, %dma_wait3A_1313, %dma_wait3A_1314] : memref<32x50x32xf32, #tpu.memory_space<vmem>> -> memref<1x50x32xf32, #tpu.memory_space<vmem>>
      %dma_wait3A_1316 = tpu.memref_squeeze %dma_wait3A_1315 : memref<1x50x32xf32, #tpu.memory_space<vmem>> -> memref<50x32xf32, #tpu.memory_space<vmem>>
      %dma_wait3A_1317 = arith.constant 0 : i32
      %dma_wait3A_1318 = tpu.memref_slice %arg5[%add3A_478, %dma_wait3A_1317] : memref<512x50xi32, #tpu.memory_space<vmem>> -> memref<1x50xi32, #tpu.memory_space<vmem>>
      %dma_wait3A_1319 = tpu.memref_squeeze %dma_wait3A_1318 : memref<1x50xi32, #tpu.memory_space<vmem>> -> memref<50xi32, #tpu.memory_space<vmem>>
      %dma_wait3A_1320 = arith.constant 0 : i32
      %dma_wait3A_1321 = arith.constant 0 : i32
      %dma_wait3A_1322 = tpu.memref_slice %arg3[%dma_wait3A_1320, %dma_wait3A_1321] : memref<1000000x32xf32, #tpu.memory_space<hbm>> -> memref<1000000x32xf32, #tpu.memory_space<hbm>>
      tpu.wait_indirect_dma semaphore(%arg8 : memref<!tpu.dma_semaphore, #tpu.memory_space<semaphore_mem>>) src(%dma_wait3A_1322 : memref<1000000x32xf32, #tpu.memory_space<hbm>>) dst(%dma_wait3A_1316 : memref<50x32xf32, #tpu.memory_space<vmem>>)
      %mul3A_1323 = arith.constant 32 : i32
      %mul3A_1324 = arith.muli %mul3A_10, %mul3A_1323 : i32
      %add3A_1325 = arith.addi %mul3A_2, %mul3A_1324 : i32
      %dma_start3A_1326 = arith.constant 0 : i32
      %dma_start3A_1327 = arith.constant 0 : i32
      %dma_start3A_1328 = tpu.memref_slice %arg4[%add3A_1325, %dma_start3A_1326, %dma_start3A_1327] : memref<16384x56x128xf32, #tpu.memory_space<hbm>> -> memref<32x50x32xf32, #tpu.memory_space<hbm>>
      %dma_start3A_1329 = arith.constant 0 : i32
      %dma_start3A_1330 = arith.constant 0 : i32
      %dma_start3A_1331 = tpu.memref_slice %arg4[%add3A_1325, %dma_start3A_1329, %dma_start3A_1330] : memref<16384x56x128xf32, #tpu.memory_space<hbm>> -> memref<32x50x32xf32, #tpu.memory_space<hbm>>
      tpu.enqueue_dma source(%arg6 : memref<32x50x32xf32, #tpu.memory_space<vmem>>) target(%dma_start3A_1331 : memref<32x50x32xf32, #tpu.memory_space<hbm>>) target_semaphore(%arg10 : memref<!tpu.dma_semaphore, #tpu.memory_space<semaphore_mem>>)
      %dma_wait3A_1332 = arith.constant 0 : i32
      %dma_wait3A_1333 = arith.constant 0 : i32
      %dma_wait3A_1334 = arith.constant 0 : i32
      %dma_wait3A_1335 = tpu.memref_slice %arg7[%dma_wait3A_1332, %dma_wait3A_1333, %dma_wait3A_1334] : memref<32x50x32xf32, #tpu.memory_space<vmem>> -> memref<1x50x32xf32, #tpu.memory_space<vmem>>
      %dma_wait3A_1336 = tpu.memref_squeeze %dma_wait3A_1335 : memref<1x50x32xf32, #tpu.memory_space<vmem>> -> memref<50x32xf32, #tpu.memory_space<vmem>>
      %dma_wait3A_1337 = arith.constant 0 : i32
      %dma_wait3A_1338 = tpu.memref_slice %arg5[%add3A_495, %dma_wait3A_1337] : memref<512x50xi32, #tpu.memory_space<vmem>> -> memref<1x50xi32, #tpu.memory_space<vmem>>
      %dma_wait3A_1339 = tpu.memref_squeeze %dma_wait3A_1338 : memref<1x50xi32, #tpu.memory_space<vmem>> -> memref<50xi32, #tpu.memory_space<vmem>>
      %dma_wait3A_1340 = arith.constant 0 : i32
      %dma_wait3A_1341 = arith.constant 0 : i32
      %dma_wait3A_1342 = tpu.memref_slice %arg3[%dma_wait3A_1340, %dma_wait3A_1341] : memref<1000000x32xf32, #tpu.memory_space<hbm>> -> memref<1000000x32xf32, #tpu.memory_space<hbm>>
      tpu.wait_indirect_dma semaphore(%arg9 : memref<!tpu.dma_semaphore, #tpu.memory_space<semaphore_mem>>) src(%dma_wait3A_1342 : memref<1000000x32xf32, #tpu.memory_space<hbm>>) dst(%dma_wait3A_1336 : memref<50x32xf32, #tpu.memory_space<vmem>>)
      %dma_wait3A_1343 = arith.constant 1 : i32
      %dma_wait3A_1344 = arith.constant 0 : i32
      %dma_wait3A_1345 = arith.constant 0 : i32
      %dma_wait3A_1346 = tpu.memref_slice %arg7[%dma_wait3A_1343, %dma_wait3A_1344, %dma_wait3A_1345] : memref<32x50x32xf32, #tpu.memory_space<vmem>> -> memref<1x50x32xf32, #tpu.memory_space<vmem>>
      %dma_wait3A_1347 = tpu.memref_squeeze %dma_wait3A_1346 : memref<1x50x32xf32, #tpu.memory_space<vmem>> -> memref<50x32xf32, #tpu.memory_space<vmem>>
      %dma_wait3A_1348 = arith.constant 0 : i32
      %dma_wait3A_1349 = tpu.memref_slice %arg5[%add3A_510, %dma_wait3A_1348] : memref<512x50xi32, #tpu.memory_space<vmem>> -> memref<1x50xi32, #tpu.memory_space<vmem>>
      %dma_wait3A_1350 = tpu.memref_squeeze %dma_wait3A_1349 : memref<1x50xi32, #tpu.memory_space<vmem>> -> memref<50xi32, #tpu.memory_space<vmem>>
      %dma_wait3A_1351 = arith.constant 0 : i32
      %dma_wait3A_1352 = arith.constant 0 : i32
      %dma_wait3A_1353 = tpu.memref_slice %arg3[%dma_wait3A_1351, %dma_wait3A_1352] : memref<1000000x32xf32, #tpu.memory_space<hbm>> -> memref<1000000x32xf32, #tpu.memory_space<hbm>>
      tpu.wait_indirect_dma semaphore(%arg9 : memref<!tpu.dma_semaphore, #tpu.memory_space<semaphore_mem>>) src(%dma_wait3A_1353 : memref<1000000x32xf32, #tpu.memory_space<hbm>>) dst(%dma_wait3A_1347 : memref<50x32xf32, #tpu.memory_space<vmem>>)
      %dma_wait3A_1354 = arith.constant 2 : i32
      %dma_wait3A_1355 = arith.constant 0 : i32
      %dma_wait3A_1356 = arith.constant 0 : i32
      %dma_wait3A_1357 = tpu.memref_slice %arg7[%dma_wait3A_1354, %dma_wait3A_1355, %dma_wait3A_1356] : memref<32x50x32xf32, #tpu.memory_space<vmem>> -> memref<1x50x32xf32, #tpu.memory_space<vmem>>
      %dma_wait3A_1358 = tpu.memref_squeeze %dma_wait3A_1357 : memref<1x50x32xf32, #tpu.memory_space<vmem>> -> memref<50x32xf32, #tpu.memory_space<vmem>>
      %dma_wait3A_1359 = arith.constant 0 : i32
      %dma_wait3A_1360 = tpu.memref_slice %arg5[%add3A_525, %dma_wait3A_1359] : memref<512x50xi32, #tpu.memory_space<vmem>> -> memref<1x50xi32, #tpu.memory_space<vmem>>
      %dma_wait3A_1361 = tpu.memref_squeeze %dma_wait3A_1360 : memref<1x50xi32, #tpu.memory_space<vmem>> -> memref<50xi32, #tpu.memory_space<vmem>>
      %dma_wait3A_1362 = arith.constant 0 : i32
      %dma_wait3A_1363 = arith.constant 0 : i32
      %dma_wait3A_1364 = tpu.memref_slice %arg3[%dma_wait3A_1362, %dma_wait3A_1363] : memref<1000000x32xf32, #tpu.memory_space<hbm>> -> memref<1000000x32xf32, #tpu.memory_space<hbm>>
      tpu.wait_indirect_dma semaphore(%arg9 : memref<!tpu.dma_semaphore, #tpu.memory_space<semaphore_mem>>) src(%dma_wait3A_1364 : memref<1000000x32xf32, #tpu.memory_space<hbm>>) dst(%dma_wait3A_1358 : memref<50x32xf32, #tpu.memory_space<vmem>>)
      %dma_wait3A_1365 = arith.constant 3 : i32
      %dma_wait3A_1366 = arith.constant 0 : i32
      %dma_wait3A_1367 = arith.constant 0 : i32
      %dma_wait3A_1368 = tpu.memref_slice %arg7[%dma_wait3A_1365, %dma_wait3A_1366, %dma_wait3A_1367] : memref<32x50x32xf32, #tpu.memory_space<vmem>> -> memref<1x50x32xf32, #tpu.memory_space<vmem>>
      %dma_wait3A_1369 = tpu.memref_squeeze %dma_wait3A_1368 : memref<1x50x32xf32, #tpu.memory_space<vmem>> -> memref<50x32xf32, #tpu.memory_space<vmem>>
      %dma_wait3A_1370 = arith.constant 0 : i32
      %dma_wait3A_1371 = tpu.memref_slice %arg5[%add3A_540, %dma_wait3A_1370] : memref<512x50xi32, #tpu.memory_space<vmem>> -> memref<1x50xi32, #tpu.memory_space<vmem>>
      %dma_wait3A_1372 = tpu.memref_squeeze %dma_wait3A_1371 : memref<1x50xi32, #tpu.memory_space<vmem>> -> memref<50xi32, #tpu.memory_space<vmem>>
      %dma_wait3A_1373 = arith.constant 0 : i32
      %dma_wait3A_1374 = arith.constant 0 : i32
      %dma_wait3A_1375 = tpu.memref_slice %arg3[%dma_wait3A_1373, %dma_wait3A_1374] : memref<1000000x32xf32, #tpu.memory_space<hbm>> -> memref<1000000x32xf32, #tpu.memory_space<hbm>>
      tpu.wait_indirect_dma semaphore(%arg9 : memref<!tpu.dma_semaphore, #tpu.memory_space<semaphore_mem>>) src(%dma_wait3A_1375 : memref<1000000x32xf32, #tpu.memory_space<hbm>>) dst(%dma_wait3A_1369 : memref<50x32xf32, #tpu.memory_space<vmem>>)
      %dma_wait3A_1376 = arith.constant 4 : i32
      %dma_wait3A_1377 = arith.constant 0 : i32
      %dma_wait3A_1378 = arith.constant 0 : i32
      %dma_wait3A_1379 = tpu.memref_slice %arg7[%dma_wait3A_1376, %dma_wait3A_1377, %dma_wait3A_1378] : memref<32x50x32xf32, #tpu.memory_space<vmem>> -> memref<1x50x32xf32, #tpu.memory_space<vmem>>
      %dma_wait3A_1380 = tpu.memref_squeeze %dma_wait3A_1379 : memref<1x50x32xf32, #tpu.memory_space<vmem>> -> memref<50x32xf32, #tpu.memory_space<vmem>>
      %dma_wait3A_1381 = arith.constant 0 : i32
      %dma_wait3A_1382 = tpu.memref_slice %arg5[%add3A_555, %dma_wait3A_1381] : memref<512x50xi32, #tpu.memory_space<vmem>> -> memref<1x50xi32, #tpu.memory_space<vmem>>
      %dma_wait3A_1383 = tpu.memref_squeeze %dma_wait3A_1382 : memref<1x50xi32, #tpu.memory_space<vmem>> -> memref<50xi32, #tpu.memory_space<vmem>>
      %dma_wait3A_1384 = arith.constant 0 : i32
      %dma_wait3A_1385 = arith.constant 0 : i32
      %dma_wait3A_1386 = tpu.memref_slice %arg3[%dma_wait3A_1384, %dma_wait3A_1385] : memref<1000000x32xf32, #tpu.memory_space<hbm>> -> memref<1000000x32xf32, #tpu.memory_space<hbm>>
      tpu.wait_indirect_dma semaphore(%arg9 : memref<!tpu.dma_semaphore, #tpu.memory_space<semaphore_mem>>) src(%dma_wait3A_1386 : memref<1000000x32xf32, #tpu.memory_space<hbm>>) dst(%dma_wait3A_1380 : memref<50x32xf32, #tpu.memory_space<vmem>>)
      %dma_wait3A_1387 = arith.constant 5 : i32
      %dma_wait3A_1388 = arith.constant 0 : i32
      %dma_wait3A_1389 = arith.constant 0 : i32
      %dma_wait3A_1390 = tpu.memref_slice %arg7[%dma_wait3A_1387, %dma_wait3A_1388, %dma_wait3A_1389] : memref<32x50x32xf32, #tpu.memory_space<vmem>> -> memref<1x50x32xf32, #tpu.memory_space<vmem>>
      %dma_wait3A_1391 = tpu.memref_squeeze %dma_wait3A_1390 : memref<1x50x32xf32, #tpu.memory_space<vmem>> -> memref<50x32xf32, #tpu.memory_space<vmem>>
      %dma_wait3A_1392 = arith.constant 0 : i32
      %dma_wait3A_1393 = tpu.memref_slice %arg5[%add3A_570, %dma_wait3A_1392] : memref<512x50xi32, #tpu.memory_space<vmem>> -> memref<1x50xi32, #tpu.memory_space<vmem>>
      %dma_wait3A_1394 = tpu.memref_squeeze %dma_wait3A_1393 : memref<1x50xi32, #tpu.memory_space<vmem>> -> memref<50xi32, #tpu.memory_space<vmem>>
      %dma_wait3A_1395 = arith.constant 0 : i32
      %dma_wait3A_1396 = arith.constant 0 : i32
      %dma_wait3A_1397 = tpu.memref_slice %arg3[%dma_wait3A_1395, %dma_wait3A_1396] : memref<1000000x32xf32, #tpu.memory_space<hbm>> -> memref<1000000x32xf32, #tpu.memory_space<hbm>>
      tpu.wait_indirect_dma semaphore(%arg9 : memref<!tpu.dma_semaphore, #tpu.memory_space<semaphore_mem>>) src(%dma_wait3A_1397 : memref<1000000x32xf32, #tpu.memory_space<hbm>>) dst(%dma_wait3A_1391 : memref<50x32xf32, #tpu.memory_space<vmem>>)
      %dma_wait3A_1398 = arith.constant 6 : i32
      %dma_wait3A_1399 = arith.constant 0 : i32
      %dma_wait3A_1400 = arith.constant 0 : i32
      %dma_wait3A_1401 = tpu.memref_slice %arg7[%dma_wait3A_1398, %dma_wait3A_1399, %dma_wait3A_1400] : memref<32x50x32xf32, #tpu.memory_space<vmem>> -> memref<1x50x32xf32, #tpu.memory_space<vmem>>
      %dma_wait3A_1402 = tpu.memref_squeeze %dma_wait3A_1401 : memref<1x50x32xf32, #tpu.memory_space<vmem>> -> memref<50x32xf32, #tpu.memory_space<vmem>>
      %dma_wait3A_1403 = arith.constant 0 : i32
      %dma_wait3A_1404 = tpu.memref_slice %arg5[%add3A_585, %dma_wait3A_1403] : memref<512x50xi32, #tpu.memory_space<vmem>> -> memref<1x50xi32, #tpu.memory_space<vmem>>
      %dma_wait3A_1405 = tpu.memref_squeeze %dma_wait3A_1404 : memref<1x50xi32, #tpu.memory_space<vmem>> -> memref<50xi32, #tpu.memory_space<vmem>>
      %dma_wait3A_1406 = arith.constant 0 : i32
      %dma_wait3A_1407 = arith.constant 0 : i32
      %dma_wait3A_1408 = tpu.memref_slice %arg3[%dma_wait3A_1406, %dma_wait3A_1407] : memref<1000000x32xf32, #tpu.memory_space<hbm>> -> memref<1000000x32xf32, #tpu.memory_space<hbm>>
      tpu.wait_indirect_dma semaphore(%arg9 : memref<!tpu.dma_semaphore, #tpu.memory_space<semaphore_mem>>) src(%dma_wait3A_1408 : memref<1000000x32xf32, #tpu.memory_space<hbm>>) dst(%dma_wait3A_1402 : memref<50x32xf32, #tpu.memory_space<vmem>>)
      %dma_wait3A_1409 = arith.constant 7 : i32
      %dma_wait3A_1410 = arith.constant 0 : i32
      %dma_wait3A_1411 = arith.constant 0 : i32
      %dma_wait3A_1412 = tpu.memref_slice %arg7[%dma_wait3A_1409, %dma_wait3A_1410, %dma_wait3A_1411] : memref<32x50x32xf32, #tpu.memory_space<vmem>> -> memref<1x50x32xf32, #tpu.memory_space<vmem>>
      %dma_wait3A_1413 = tpu.memref_squeeze %dma_wait3A_1412 : memref<1x50x32xf32, #tpu.memory_space<vmem>> -> memref<50x32xf32, #tpu.memory_space<vmem>>
      %dma_wait3A_1414 = arith.constant 0 : i32
      %dma_wait3A_1415 = tpu.memref_slice %arg5[%add3A_600, %dma_wait3A_1414] : memref<512x50xi32, #tpu.memory_space<vmem>> -> memref<1x50xi32, #tpu.memory_space<vmem>>
      %dma_wait3A_1416 = tpu.memref_squeeze %dma_wait3A_1415 : memref<1x50xi32, #tpu.memory_space<vmem>> -> memref<50xi32, #tpu.memory_space<vmem>>
      %dma_wait3A_1417 = arith.constant 0 : i32
      %dma_wait3A_1418 = arith.constant 0 : i32
      %dma_wait3A_1419 = tpu.memref_slice %arg3[%dma_wait3A_1417, %dma_wait3A_1418] : memref<1000000x32xf32, #tpu.memory_space<hbm>> -> memref<1000000x32xf32, #tpu.memory_space<hbm>>
      tpu.wait_indirect_dma semaphore(%arg9 : memref<!tpu.dma_semaphore, #tpu.memory_space<semaphore_mem>>) src(%dma_wait3A_1419 : memref<1000000x32xf32, #tpu.memory_space<hbm>>) dst(%dma_wait3A_1413 : memref<50x32xf32, #tpu.memory_space<vmem>>)
      %dma_wait3A_1420 = arith.constant 8 : i32
      %dma_wait3A_1421 = arith.constant 0 : i32
      %dma_wait3A_1422 = arith.constant 0 : i32
      %dma_wait3A_1423 = tpu.memref_slice %arg7[%dma_wait3A_1420, %dma_wait3A_1421, %dma_wait3A_1422] : memref<32x50x32xf32, #tpu.memory_space<vmem>> -> memref<1x50x32xf32, #tpu.memory_space<vmem>>
      %dma_wait3A_1424 = tpu.memref_squeeze %dma_wait3A_1423 : memref<1x50x32xf32, #tpu.memory_space<vmem>> -> memref<50x32xf32, #tpu.memory_space<vmem>>
      %dma_wait3A_1425 = arith.constant 0 : i32
      %dma_wait3A_1426 = tpu.memref_slice %arg5[%add3A_615, %dma_wait3A_1425] : memref<512x50xi32, #tpu.memory_space<vmem>> -> memref<1x50xi32, #tpu.memory_space<vmem>>
      %dma_wait3A_1427 = tpu.memref_squeeze %dma_wait3A_1426 : memref<1x50xi32, #tpu.memory_space<vmem>> -> memref<50xi32, #tpu.memory_space<vmem>>
      %dma_wait3A_1428 = arith.constant 0 : i32
      %dma_wait3A_1429 = arith.constant 0 : i32
      %dma_wait3A_1430 = tpu.memref_slice %arg3[%dma_wait3A_1428, %dma_wait3A_1429] : memref<1000000x32xf32, #tpu.memory_space<hbm>> -> memref<1000000x32xf32, #tpu.memory_space<hbm>>
      tpu.wait_indirect_dma semaphore(%arg9 : memref<!tpu.dma_semaphore, #tpu.memory_space<semaphore_mem>>) src(%dma_wait3A_1430 : memref<1000000x32xf32, #tpu.memory_space<hbm>>) dst(%dma_wait3A_1424 : memref<50x32xf32, #tpu.memory_space<vmem>>)
      %dma_wait3A_1431 = arith.constant 9 : i32
      %dma_wait3A_1432 = arith.constant 0 : i32
      %dma_wait3A_1433 = arith.constant 0 : i32
      %dma_wait3A_1434 = tpu.memref_slice %arg7[%dma_wait3A_1431, %dma_wait3A_1432, %dma_wait3A_1433] : memref<32x50x32xf32, #tpu.memory_space<vmem>> -> memref<1x50x32xf32, #tpu.memory_space<vmem>>
      %dma_wait3A_1435 = tpu.memref_squeeze %dma_wait3A_1434 : memref<1x50x32xf32, #tpu.memory_space<vmem>> -> memref<50x32xf32, #tpu.memory_space<vmem>>
      %dma_wait3A_1436 = arith.constant 0 : i32
      %dma_wait3A_1437 = tpu.memref_slice %arg5[%add3A_630, %dma_wait3A_1436] : memref<512x50xi32, #tpu.memory_space<vmem>> -> memref<1x50xi32, #tpu.memory_space<vmem>>
      %dma_wait3A_1438 = tpu.memref_squeeze %dma_wait3A_1437 : memref<1x50xi32, #tpu.memory_space<vmem>> -> memref<50xi32, #tpu.memory_space<vmem>>
      %dma_wait3A_1439 = arith.constant 0 : i32
      %dma_wait3A_1440 = arith.constant 0 : i32
      %dma_wait3A_1441 = tpu.memref_slice %arg3[%dma_wait3A_1439, %dma_wait3A_1440] : memref<1000000x32xf32, #tpu.memory_space<hbm>> -> memref<1000000x32xf32, #tpu.memory_space<hbm>>
      tpu.wait_indirect_dma semaphore(%arg9 : memref<!tpu.dma_semaphore, #tpu.memory_space<semaphore_mem>>) src(%dma_wait3A_1441 : memref<1000000x32xf32, #tpu.memory_space<hbm>>) dst(%dma_wait3A_1435 : memref<50x32xf32, #tpu.memory_space<vmem>>)
      %dma_wait3A_1442 = arith.constant 10 : i32
      %dma_wait3A_1443 = arith.constant 0 : i32
      %dma_wait3A_1444 = arith.constant 0 : i32
      %dma_wait3A_1445 = tpu.memref_slice %arg7[%dma_wait3A_1442, %dma_wait3A_1443, %dma_wait3A_1444] : memref<32x50x32xf32, #tpu.memory_space<vmem>> -> memref<1x50x32xf32, #tpu.memory_space<vmem>>
      %dma_wait3A_1446 = tpu.memref_squeeze %dma_wait3A_1445 : memref<1x50x32xf32, #tpu.memory_space<vmem>> -> memref<50x32xf32, #tpu.memory_space<vmem>>
      %dma_wait3A_1447 = arith.constant 0 : i32
      %dma_wait3A_1448 = tpu.memref_slice %arg5[%add3A_645, %dma_wait3A_1447] : memref<512x50xi32, #tpu.memory_space<vmem>> -> memref<1x50xi32, #tpu.memory_space<vmem>>
      %dma_wait3A_1449 = tpu.memref_squeeze %dma_wait3A_1448 : memref<1x50xi32, #tpu.memory_space<vmem>> -> memref<50xi32, #tpu.memory_space<vmem>>
      %dma_wait3A_1450 = arith.constant 0 : i32
      %dma_wait3A_1451 = arith.constant 0 : i32
      %dma_wait3A_1452 = tpu.memref_slice %arg3[%dma_wait3A_1450, %dma_wait3A_1451] : memref<1000000x32xf32, #tpu.memory_space<hbm>> -> memref<1000000x32xf32, #tpu.memory_space<hbm>>
      tpu.wait_indirect_dma semaphore(%arg9 : memref<!tpu.dma_semaphore, #tpu.memory_space<semaphore_mem>>) src(%dma_wait3A_1452 : memref<1000000x32xf32, #tpu.memory_space<hbm>>) dst(%dma_wait3A_1446 : memref<50x32xf32, #tpu.memory_space<vmem>>)
      %dma_wait3A_1453 = arith.constant 11 : i32
      %dma_wait3A_1454 = arith.constant 0 : i32
      %dma_wait3A_1455 = arith.constant 0 : i32
      %dma_wait3A_1456 = tpu.memref_slice %arg7[%dma_wait3A_1453, %dma_wait3A_1454, %dma_wait3A_1455] : memref<32x50x32xf32, #tpu.memory_space<vmem>> -> memref<1x50x32xf32, #tpu.memory_space<vmem>>
      %dma_wait3A_1457 = tpu.memref_squeeze %dma_wait3A_1456 : memref<1x50x32xf32, #tpu.memory_space<vmem>> -> memref<50x32xf32, #tpu.memory_space<vmem>>
      %dma_wait3A_1458 = arith.constant 0 : i32
      %dma_wait3A_1459 = tpu.memref_slice %arg5[%add3A_660, %dma_wait3A_1458] : memref<512x50xi32, #tpu.memory_space<vmem>> -> memref<1x50xi32, #tpu.memory_space<vmem>>
      %dma_wait3A_1460 = tpu.memref_squeeze %dma_wait3A_1459 : memref<1x50xi32, #tpu.memory_space<vmem>> -> memref<50xi32, #tpu.memory_space<vmem>>
      %dma_wait3A_1461 = arith.constant 0 : i32
      %dma_wait3A_1462 = arith.constant 0 : i32
      %dma_wait3A_1463 = tpu.memref_slice %arg3[%dma_wait3A_1461, %dma_wait3A_1462] : memref<1000000x32xf32, #tpu.memory_space<hbm>> -> memref<1000000x32xf32, #tpu.memory_space<hbm>>
      tpu.wait_indirect_dma semaphore(%arg9 : memref<!tpu.dma_semaphore, #tpu.memory_space<semaphore_mem>>) src(%dma_wait3A_1463 : memref<1000000x32xf32, #tpu.memory_space<hbm>>) dst(%dma_wait3A_1457 : memref<50x32xf32, #tpu.memory_space<vmem>>)
      %dma_wait3A_1464 = arith.constant 12 : i32
      %dma_wait3A_1465 = arith.constant 0 : i32
      %dma_wait3A_1466 = arith.constant 0 : i32
      %dma_wait3A_1467 = tpu.memref_slice %arg7[%dma_wait3A_1464, %dma_wait3A_1465, %dma_wait3A_1466] : memref<32x50x32xf32, #tpu.memory_space<vmem>> -> memref<1x50x32xf32, #tpu.memory_space<vmem>>
      %dma_wait3A_1468 = tpu.memref_squeeze %dma_wait3A_1467 : memref<1x50x32xf32, #tpu.memory_space<vmem>> -> memref<50x32xf32, #tpu.memory_space<vmem>>
      %dma_wait3A_1469 = arith.constant 0 : i32
      %dma_wait3A_1470 = tpu.memref_slice %arg5[%add3A_675, %dma_wait3A_1469] : memref<512x50xi32, #tpu.memory_space<vmem>> -> memref<1x50xi32, #tpu.memory_space<vmem>>
      %dma_wait3A_1471 = tpu.memref_squeeze %dma_wait3A_1470 : memref<1x50xi32, #tpu.memory_space<vmem>> -> memref<50xi32, #tpu.memory_space<vmem>>
      %dma_wait3A_1472 = arith.constant 0 : i32
      %dma_wait3A_1473 = arith.constant 0 : i32
      %dma_wait3A_1474 = tpu.memref_slice %arg3[%dma_wait3A_1472, %dma_wait3A_1473] : memref<1000000x32xf32, #tpu.memory_space<hbm>> -> memref<1000000x32xf32, #tpu.memory_space<hbm>>
      tpu.wait_indirect_dma semaphore(%arg9 : memref<!tpu.dma_semaphore, #tpu.memory_space<semaphore_mem>>) src(%dma_wait3A_1474 : memref<1000000x32xf32, #tpu.memory_space<hbm>>) dst(%dma_wait3A_1468 : memref<50x32xf32, #tpu.memory_space<vmem>>)
      %dma_wait3A_1475 = arith.constant 13 : i32
      %dma_wait3A_1476 = arith.constant 0 : i32
      %dma_wait3A_1477 = arith.constant 0 : i32
      %dma_wait3A_1478 = tpu.memref_slice %arg7[%dma_wait3A_1475, %dma_wait3A_1476, %dma_wait3A_1477] : memref<32x50x32xf32, #tpu.memory_space<vmem>> -> memref<1x50x32xf32, #tpu.memory_space<vmem>>
      %dma_wait3A_1479 = tpu.memref_squeeze %dma_wait3A_1478 : memref<1x50x32xf32, #tpu.memory_space<vmem>> -> memref<50x32xf32, #tpu.memory_space<vmem>>
      %dma_wait3A_1480 = arith.constant 0 : i32
      %dma_wait3A_1481 = tpu.memref_slice %arg5[%add3A_690, %dma_wait3A_1480] : memref<512x50xi32, #tpu.memory_space<vmem>> -> memref<1x50xi32, #tpu.memory_space<vmem>>
      %dma_wait3A_1482 = tpu.memref_squeeze %dma_wait3A_1481 : memref<1x50xi32, #tpu.memory_space<vmem>> -> memref<50xi32, #tpu.memory_space<vmem>>
      %dma_wait3A_1483 = arith.constant 0 : i32
      %dma_wait3A_1484 = arith.constant 0 : i32
      %dma_wait3A_1485 = tpu.memref_slice %arg3[%dma_wait3A_1483, %dma_wait3A_1484] : memref<1000000x32xf32, #tpu.memory_space<hbm>> -> memref<1000000x32xf32, #tpu.memory_space<hbm>>
      tpu.wait_indirect_dma semaphore(%arg9 : memref<!tpu.dma_semaphore, #tpu.memory_space<semaphore_mem>>) src(%dma_wait3A_1485 : memref<1000000x32xf32, #tpu.memory_space<hbm>>) dst(%dma_wait3A_1479 : memref<50x32xf32, #tpu.memory_space<vmem>>)
      %dma_wait3A_1486 = arith.constant 14 : i32
      %dma_wait3A_1487 = arith.constant 0 : i32
      %dma_wait3A_1488 = arith.constant 0 : i32
      %dma_wait3A_1489 = tpu.memref_slice %arg7[%dma_wait3A_1486, %dma_wait3A_1487, %dma_wait3A_1488] : memref<32x50x32xf32, #tpu.memory_space<vmem>> -> memref<1x50x32xf32, #tpu.memory_space<vmem>>
      %dma_wait3A_1490 = tpu.memref_squeeze %dma_wait3A_1489 : memref<1x50x32xf32, #tpu.memory_space<vmem>> -> memref<50x32xf32, #tpu.memory_space<vmem>>
      %dma_wait3A_1491 = arith.constant 0 : i32
      %dma_wait3A_1492 = tpu.memref_slice %arg5[%add3A_705, %dma_wait3A_1491] : memref<512x50xi32, #tpu.memory_space<vmem>> -> memref<1x50xi32, #tpu.memory_space<vmem>>
      %dma_wait3A_1493 = tpu.memref_squeeze %dma_wait3A_1492 : memref<1x50xi32, #tpu.memory_space<vmem>> -> memref<50xi32, #tpu.memory_space<vmem>>
      %dma_wait3A_1494 = arith.constant 0 : i32
      %dma_wait3A_1495 = arith.constant 0 : i32
      %dma_wait3A_1496 = tpu.memref_slice %arg3[%dma_wait3A_1494, %dma_wait3A_1495] : memref<1000000x32xf32, #tpu.memory_space<hbm>> -> memref<1000000x32xf32, #tpu.memory_space<hbm>>
      tpu.wait_indirect_dma semaphore(%arg9 : memref<!tpu.dma_semaphore, #tpu.memory_space<semaphore_mem>>) src(%dma_wait3A_1496 : memref<1000000x32xf32, #tpu.memory_space<hbm>>) dst(%dma_wait3A_1490 : memref<50x32xf32, #tpu.memory_space<vmem>>)
      %dma_wait3A_1497 = arith.constant 15 : i32
      %dma_wait3A_1498 = arith.constant 0 : i32
      %dma_wait3A_1499 = arith.constant 0 : i32
      %dma_wait3A_1500 = tpu.memref_slice %arg7[%dma_wait3A_1497, %dma_wait3A_1498, %dma_wait3A_1499] : memref<32x50x32xf32, #tpu.memory_space<vmem>> -> memref<1x50x32xf32, #tpu.memory_space<vmem>>
      %dma_wait3A_1501 = tpu.memref_squeeze %dma_wait3A_1500 : memref<1x50x32xf32, #tpu.memory_space<vmem>> -> memref<50x32xf32, #tpu.memory_space<vmem>>
      %dma_wait3A_1502 = arith.constant 0 : i32
      %dma_wait3A_1503 = tpu.memref_slice %arg5[%add3A_720, %dma_wait3A_1502] : memref<512x50xi32, #tpu.memory_space<vmem>> -> memref<1x50xi32, #tpu.memory_space<vmem>>
      %dma_wait3A_1504 = tpu.memref_squeeze %dma_wait3A_1503 : memref<1x50xi32, #tpu.memory_space<vmem>> -> memref<50xi32, #tpu.memory_space<vmem>>
      %dma_wait3A_1505 = arith.constant 0 : i32
      %dma_wait3A_1506 = arith.constant 0 : i32
      %dma_wait3A_1507 = tpu.memref_slice %arg3[%dma_wait3A_1505, %dma_wait3A_1506] : memref<1000000x32xf32, #tpu.memory_space<hbm>> -> memref<1000000x32xf32, #tpu.memory_space<hbm>>
      tpu.wait_indirect_dma semaphore(%arg9 : memref<!tpu.dma_semaphore, #tpu.memory_space<semaphore_mem>>) src(%dma_wait3A_1507 : memref<1000000x32xf32, #tpu.memory_space<hbm>>) dst(%dma_wait3A_1501 : memref<50x32xf32, #tpu.memory_space<vmem>>)
      %dma_wait3A_1508 = arith.constant 16 : i32
      %dma_wait3A_1509 = arith.constant 0 : i32
      %dma_wait3A_1510 = arith.constant 0 : i32
      %dma_wait3A_1511 = tpu.memref_slice %arg7[%dma_wait3A_1508, %dma_wait3A_1509, %dma_wait3A_1510] : memref<32x50x32xf32, #tpu.memory_space<vmem>> -> memref<1x50x32xf32, #tpu.memory_space<vmem>>
      %dma_wait3A_1512 = tpu.memref_squeeze %dma_wait3A_1511 : memref<1x50x32xf32, #tpu.memory_space<vmem>> -> memref<50x32xf32, #tpu.memory_space<vmem>>
      %dma_wait3A_1513 = arith.constant 0 : i32
      %dma_wait3A_1514 = tpu.memref_slice %arg5[%add3A_735, %dma_wait3A_1513] : memref<512x50xi32, #tpu.memory_space<vmem>> -> memref<1x50xi32, #tpu.memory_space<vmem>>
      %dma_wait3A_1515 = tpu.memref_squeeze %dma_wait3A_1514 : memref<1x50xi32, #tpu.memory_space<vmem>> -> memref<50xi32, #tpu.memory_space<vmem>>
      %dma_wait3A_1516 = arith.constant 0 : i32
      %dma_wait3A_1517 = arith.constant 0 : i32
      %dma_wait3A_1518 = tpu.memref_slice %arg3[%dma_wait3A_1516, %dma_wait3A_1517] : memref<1000000x32xf32, #tpu.memory_space<hbm>> -> memref<1000000x32xf32, #tpu.memory_space<hbm>>
      tpu.wait_indirect_dma semaphore(%arg9 : memref<!tpu.dma_semaphore, #tpu.memory_space<semaphore_mem>>) src(%dma_wait3A_1518 : memref<1000000x32xf32, #tpu.memory_space<hbm>>) dst(%dma_wait3A_1512 : memref<50x32xf32, #tpu.memory_space<vmem>>)
      %dma_wait3A_1519 = arith.constant 17 : i32
      %dma_wait3A_1520 = arith.constant 0 : i32
      %dma_wait3A_1521 = arith.constant 0 : i32
      %dma_wait3A_1522 = tpu.memref_slice %arg7[%dma_wait3A_1519, %dma_wait3A_1520, %dma_wait3A_1521] : memref<32x50x32xf32, #tpu.memory_space<vmem>> -> memref<1x50x32xf32, #tpu.memory_space<vmem>>
      %dma_wait3A_1523 = tpu.memref_squeeze %dma_wait3A_1522 : memref<1x50x32xf32, #tpu.memory_space<vmem>> -> memref<50x32xf32, #tpu.memory_space<vmem>>
      %dma_wait3A_1524 = arith.constant 0 : i32
      %dma_wait3A_1525 = tpu.memref_slice %arg5[%add3A_750, %dma_wait3A_1524] : memref<512x50xi32, #tpu.memory_space<vmem>> -> memref<1x50xi32, #tpu.memory_space<vmem>>
      %dma_wait3A_1526 = tpu.memref_squeeze %dma_wait3A_1525 : memref<1x50xi32, #tpu.memory_space<vmem>> -> memref<50xi32, #tpu.memory_space<vmem>>
      %dma_wait3A_1527 = arith.constant 0 : i32
      %dma_wait3A_1528 = arith.constant 0 : i32
      %dma_wait3A_1529 = tpu.memref_slice %arg3[%dma_wait3A_1527, %dma_wait3A_1528] : memref<1000000x32xf32, #tpu.memory_space<hbm>> -> memref<1000000x32xf32, #tpu.memory_space<hbm>>
      tpu.wait_indirect_dma semaphore(%arg9 : memref<!tpu.dma_semaphore, #tpu.memory_space<semaphore_mem>>) src(%dma_wait3A_1529 : memref<1000000x32xf32, #tpu.memory_space<hbm>>) dst(%dma_wait3A_1523 : memref<50x32xf32, #tpu.memory_space<vmem>>)
      %dma_wait3A_1530 = arith.constant 18 : i32
      %dma_wait3A_1531 = arith.constant 0 : i32
      %dma_wait3A_1532 = arith.constant 0 : i32
      %dma_wait3A_1533 = tpu.memref_slice %arg7[%dma_wait3A_1530, %dma_wait3A_1531, %dma_wait3A_1532] : memref<32x50x32xf32, #tpu.memory_space<vmem>> -> memref<1x50x32xf32, #tpu.memory_space<vmem>>
      %dma_wait3A_1534 = tpu.memref_squeeze %dma_wait3A_1533 : memref<1x50x32xf32, #tpu.memory_space<vmem>> -> memref<50x32xf32, #tpu.memory_space<vmem>>
      %dma_wait3A_1535 = arith.constant 0 : i32
      %dma_wait3A_1536 = tpu.memref_slice %arg5[%add3A_765, %dma_wait3A_1535] : memref<512x50xi32, #tpu.memory_space<vmem>> -> memref<1x50xi32, #tpu.memory_space<vmem>>
      %dma_wait3A_1537 = tpu.memref_squeeze %dma_wait3A_1536 : memref<1x50xi32, #tpu.memory_space<vmem>> -> memref<50xi32, #tpu.memory_space<vmem>>
      %dma_wait3A_1538 = arith.constant 0 : i32
      %dma_wait3A_1539 = arith.constant 0 : i32
      %dma_wait3A_1540 = tpu.memref_slice %arg3[%dma_wait3A_1538, %dma_wait3A_1539] : memref<1000000x32xf32, #tpu.memory_space<hbm>> -> memref<1000000x32xf32, #tpu.memory_space<hbm>>
      tpu.wait_indirect_dma semaphore(%arg9 : memref<!tpu.dma_semaphore, #tpu.memory_space<semaphore_mem>>) src(%dma_wait3A_1540 : memref<1000000x32xf32, #tpu.memory_space<hbm>>) dst(%dma_wait3A_1534 : memref<50x32xf32, #tpu.memory_space<vmem>>)
      %dma_wait3A_1541 = arith.constant 19 : i32
      %dma_wait3A_1542 = arith.constant 0 : i32
      %dma_wait3A_1543 = arith.constant 0 : i32
      %dma_wait3A_1544 = tpu.memref_slice %arg7[%dma_wait3A_1541, %dma_wait3A_1542, %dma_wait3A_1543] : memref<32x50x32xf32, #tpu.memory_space<vmem>> -> memref<1x50x32xf32, #tpu.memory_space<vmem>>
      %dma_wait3A_1545 = tpu.memref_squeeze %dma_wait3A_1544 : memref<1x50x32xf32, #tpu.memory_space<vmem>> -> memref<50x32xf32, #tpu.memory_space<vmem>>
      %dma_wait3A_1546 = arith.constant 0 : i32
      %dma_wait3A_1547 = tpu.memref_slice %arg5[%add3A_780, %dma_wait3A_1546] : memref<512x50xi32, #tpu.memory_space<vmem>> -> memref<1x50xi32, #tpu.memory_space<vmem>>
      %dma_wait3A_1548 = tpu.memref_squeeze %dma_wait3A_1547 : memref<1x50xi32, #tpu.memory_space<vmem>> -> memref<50xi32, #tpu.memory_space<vmem>>
      %dma_wait3A_1549 = arith.constant 0 : i32
      %dma_wait3A_1550 = arith.constant 0 : i32
      %dma_wait3A_1551 = tpu.memref_slice %arg3[%dma_wait3A_1549, %dma_wait3A_1550] : memref<1000000x32xf32, #tpu.memory_space<hbm>> -> memref<1000000x32xf32, #tpu.memory_space<hbm>>
      tpu.wait_indirect_dma semaphore(%arg9 : memref<!tpu.dma_semaphore, #tpu.memory_space<semaphore_mem>>) src(%dma_wait3A_1551 : memref<1000000x32xf32, #tpu.memory_space<hbm>>) dst(%dma_wait3A_1545 : memref<50x32xf32, #tpu.memory_space<vmem>>)
      %dma_wait3A_1552 = arith.constant 20 : i32
      %dma_wait3A_1553 = arith.constant 0 : i32
      %dma_wait3A_1554 = arith.constant 0 : i32
      %dma_wait3A_1555 = tpu.memref_slice %arg7[%dma_wait3A_1552, %dma_wait3A_1553, %dma_wait3A_1554] : memref<32x50x32xf32, #tpu.memory_space<vmem>> -> memref<1x50x32xf32, #tpu.memory_space<vmem>>
      %dma_wait3A_1556 = tpu.memref_squeeze %dma_wait3A_1555 : memref<1x50x32xf32, #tpu.memory_space<vmem>> -> memref<50x32xf32, #tpu.memory_space<vmem>>
      %dma_wait3A_1557 = arith.constant 0 : i32
      %dma_wait3A_1558 = tpu.memref_slice %arg5[%add3A_795, %dma_wait3A_1557] : memref<512x50xi32, #tpu.memory_space<vmem>> -> memref<1x50xi32, #tpu.memory_space<vmem>>
      %dma_wait3A_1559 = tpu.memref_squeeze %dma_wait3A_1558 : memref<1x50xi32, #tpu.memory_space<vmem>> -> memref<50xi32, #tpu.memory_space<vmem>>
      %dma_wait3A_1560 = arith.constant 0 : i32
      %dma_wait3A_1561 = arith.constant 0 : i32
      %dma_wait3A_1562 = tpu.memref_slice %arg3[%dma_wait3A_1560, %dma_wait3A_1561] : memref<1000000x32xf32, #tpu.memory_space<hbm>> -> memref<1000000x32xf32, #tpu.memory_space<hbm>>
      tpu.wait_indirect_dma semaphore(%arg9 : memref<!tpu.dma_semaphore, #tpu.memory_space<semaphore_mem>>) src(%dma_wait3A_1562 : memref<1000000x32xf32, #tpu.memory_space<hbm>>) dst(%dma_wait3A_1556 : memref<50x32xf32, #tpu.memory_space<vmem>>)
      %dma_wait3A_1563 = arith.constant 21 : i32
      %dma_wait3A_1564 = arith.constant 0 : i32
      %dma_wait3A_1565 = arith.constant 0 : i32
      %dma_wait3A_1566 = tpu.memref_slice %arg7[%dma_wait3A_1563, %dma_wait3A_1564, %dma_wait3A_1565] : memref<32x50x32xf32, #tpu.memory_space<vmem>> -> memref<1x50x32xf32, #tpu.memory_space<vmem>>
      %dma_wait3A_1567 = tpu.memref_squeeze %dma_wait3A_1566 : memref<1x50x32xf32, #tpu.memory_space<vmem>> -> memref<50x32xf32, #tpu.memory_space<vmem>>
      %dma_wait3A_1568 = arith.constant 0 : i32
      %dma_wait3A_1569 = tpu.memref_slice %arg5[%add3A_810, %dma_wait3A_1568] : memref<512x50xi32, #tpu.memory_space<vmem>> -> memref<1x50xi32, #tpu.memory_space<vmem>>
      %dma_wait3A_1570 = tpu.memref_squeeze %dma_wait3A_1569 : memref<1x50xi32, #tpu.memory_space<vmem>> -> memref<50xi32, #tpu.memory_space<vmem>>
      %dma_wait3A_1571 = arith.constant 0 : i32
      %dma_wait3A_1572 = arith.constant 0 : i32
      %dma_wait3A_1573 = tpu.memref_slice %arg3[%dma_wait3A_1571, %dma_wait3A_1572] : memref<1000000x32xf32, #tpu.memory_space<hbm>> -> memref<1000000x32xf32, #tpu.memory_space<hbm>>
      tpu.wait_indirect_dma semaphore(%arg9 : memref<!tpu.dma_semaphore, #tpu.memory_space<semaphore_mem>>) src(%dma_wait3A_1573 : memref<1000000x32xf32, #tpu.memory_space<hbm>>) dst(%dma_wait3A_1567 : memref<50x32xf32, #tpu.memory_space<vmem>>)
      %dma_wait3A_1574 = arith.constant 22 : i32
      %dma_wait3A_1575 = arith.constant 0 : i32
      %dma_wait3A_1576 = arith.constant 0 : i32
      %dma_wait3A_1577 = tpu.memref_slice %arg7[%dma_wait3A_1574, %dma_wait3A_1575, %dma_wait3A_1576] : memref<32x50x32xf32, #tpu.memory_space<vmem>> -> memref<1x50x32xf32, #tpu.memory_space<vmem>>
      %dma_wait3A_1578 = tpu.memref_squeeze %dma_wait3A_1577 : memref<1x50x32xf32, #tpu.memory_space<vmem>> -> memref<50x32xf32, #tpu.memory_space<vmem>>
      %dma_wait3A_1579 = arith.constant 0 : i32
      %dma_wait3A_1580 = tpu.memref_slice %arg5[%add3A_825, %dma_wait3A_1579] : memref<512x50xi32, #tpu.memory_space<vmem>> -> memref<1x50xi32, #tpu.memory_space<vmem>>
      %dma_wait3A_1581 = tpu.memref_squeeze %dma_wait3A_1580 : memref<1x50xi32, #tpu.memory_space<vmem>> -> memref<50xi32, #tpu.memory_space<vmem>>
      %dma_wait3A_1582 = arith.constant 0 : i32
      %dma_wait3A_1583 = arith.constant 0 : i32
      %dma_wait3A_1584 = tpu.memref_slice %arg3[%dma_wait3A_1582, %dma_wait3A_1583] : memref<1000000x32xf32, #tpu.memory_space<hbm>> -> memref<1000000x32xf32, #tpu.memory_space<hbm>>
      tpu.wait_indirect_dma semaphore(%arg9 : memref<!tpu.dma_semaphore, #tpu.memory_space<semaphore_mem>>) src(%dma_wait3A_1584 : memref<1000000x32xf32, #tpu.memory_space<hbm>>) dst(%dma_wait3A_1578 : memref<50x32xf32, #tpu.memory_space<vmem>>)
      %dma_wait3A_1585 = arith.constant 23 : i32
      %dma_wait3A_1586 = arith.constant 0 : i32
      %dma_wait3A_1587 = arith.constant 0 : i32
      %dma_wait3A_1588 = tpu.memref_slice %arg7[%dma_wait3A_1585, %dma_wait3A_1586, %dma_wait3A_1587] : memref<32x50x32xf32, #tpu.memory_space<vmem>> -> memref<1x50x32xf32, #tpu.memory_space<vmem>>
      %dma_wait3A_1589 = tpu.memref_squeeze %dma_wait3A_1588 : memref<1x50x32xf32, #tpu.memory_space<vmem>> -> memref<50x32xf32, #tpu.memory_space<vmem>>
      %dma_wait3A_1590 = arith.constant 0 : i32
      %dma_wait3A_1591 = tpu.memref_slice %arg5[%add3A_840, %dma_wait3A_1590] : memref<512x50xi32, #tpu.memory_space<vmem>> -> memref<1x50xi32, #tpu.memory_space<vmem>>
      %dma_wait3A_1592 = tpu.memref_squeeze %dma_wait3A_1591 : memref<1x50xi32, #tpu.memory_space<vmem>> -> memref<50xi32, #tpu.memory_space<vmem>>
      %dma_wait3A_1593 = arith.constant 0 : i32
      %dma_wait3A_1594 = arith.constant 0 : i32
      %dma_wait3A_1595 = tpu.memref_slice %arg3[%dma_wait3A_1593, %dma_wait3A_1594] : memref<1000000x32xf32, #tpu.memory_space<hbm>> -> memref<1000000x32xf32, #tpu.memory_space<hbm>>
      tpu.wait_indirect_dma semaphore(%arg9 : memref<!tpu.dma_semaphore, #tpu.memory_space<semaphore_mem>>) src(%dma_wait3A_1595 : memref<1000000x32xf32, #tpu.memory_space<hbm>>) dst(%dma_wait3A_1589 : memref<50x32xf32, #tpu.memory_space<vmem>>)
      %dma_wait3A_1596 = arith.constant 24 : i32
      %dma_wait3A_1597 = arith.constant 0 : i32
      %dma_wait3A_1598 = arith.constant 0 : i32
      %dma_wait3A_1599 = tpu.memref_slice %arg7[%dma_wait3A_1596, %dma_wait3A_1597, %dma_wait3A_1598] : memref<32x50x32xf32, #tpu.memory_space<vmem>> -> memref<1x50x32xf32, #tpu.memory_space<vmem>>
      %dma_wait3A_1600 = tpu.memref_squeeze %dma_wait3A_1599 : memref<1x50x32xf32, #tpu.memory_space<vmem>> -> memref<50x32xf32, #tpu.memory_space<vmem>>
      %dma_wait3A_1601 = arith.constant 0 : i32
      %dma_wait3A_1602 = tpu.memref_slice %arg5[%add3A_855, %dma_wait3A_1601] : memref<512x50xi32, #tpu.memory_space<vmem>> -> memref<1x50xi32, #tpu.memory_space<vmem>>
      %dma_wait3A_1603 = tpu.memref_squeeze %dma_wait3A_1602 : memref<1x50xi32, #tpu.memory_space<vmem>> -> memref<50xi32, #tpu.memory_space<vmem>>
      %dma_wait3A_1604 = arith.constant 0 : i32
      %dma_wait3A_1605 = arith.constant 0 : i32
      %dma_wait3A_1606 = tpu.memref_slice %arg3[%dma_wait3A_1604, %dma_wait3A_1605] : memref<1000000x32xf32, #tpu.memory_space<hbm>> -> memref<1000000x32xf32, #tpu.memory_space<hbm>>
      tpu.wait_indirect_dma semaphore(%arg9 : memref<!tpu.dma_semaphore, #tpu.memory_space<semaphore_mem>>) src(%dma_wait3A_1606 : memref<1000000x32xf32, #tpu.memory_space<hbm>>) dst(%dma_wait3A_1600 : memref<50x32xf32, #tpu.memory_space<vmem>>)
      %dma_wait3A_1607 = arith.constant 25 : i32
      %dma_wait3A_1608 = arith.constant 0 : i32
      %dma_wait3A_1609 = arith.constant 0 : i32
      %dma_wait3A_1610 = tpu.memref_slice %arg7[%dma_wait3A_1607, %dma_wait3A_1608, %dma_wait3A_1609] : memref<32x50x32xf32, #tpu.memory_space<vmem>> -> memref<1x50x32xf32, #tpu.memory_space<vmem>>
      %dma_wait3A_1611 = tpu.memref_squeeze %dma_wait3A_1610 : memref<1x50x32xf32, #tpu.memory_space<vmem>> -> memref<50x32xf32, #tpu.memory_space<vmem>>
      %dma_wait3A_1612 = arith.constant 0 : i32
      %dma_wait3A_1613 = tpu.memref_slice %arg5[%add3A_870, %dma_wait3A_1612] : memref<512x50xi32, #tpu.memory_space<vmem>> -> memref<1x50xi32, #tpu.memory_space<vmem>>
      %dma_wait3A_1614 = tpu.memref_squeeze %dma_wait3A_1613 : memref<1x50xi32, #tpu.memory_space<vmem>> -> memref<50xi32, #tpu.memory_space<vmem>>
      %dma_wait3A_1615 = arith.constant 0 : i32
      %dma_wait3A_1616 = arith.constant 0 : i32
      %dma_wait3A_1617 = tpu.memref_slice %arg3[%dma_wait3A_1615, %dma_wait3A_1616] : memref<1000000x32xf32, #tpu.memory_space<hbm>> -> memref<1000000x32xf32, #tpu.memory_space<hbm>>
      tpu.wait_indirect_dma semaphore(%arg9 : memref<!tpu.dma_semaphore, #tpu.memory_space<semaphore_mem>>) src(%dma_wait3A_1617 : memref<1000000x32xf32, #tpu.memory_space<hbm>>) dst(%dma_wait3A_1611 : memref<50x32xf32, #tpu.memory_space<vmem>>)
      %dma_wait3A_1618 = arith.constant 26 : i32
      %dma_wait3A_1619 = arith.constant 0 : i32
      %dma_wait3A_1620 = arith.constant 0 : i32
      %dma_wait3A_1621 = tpu.memref_slice %arg7[%dma_wait3A_1618, %dma_wait3A_1619, %dma_wait3A_1620] : memref<32x50x32xf32, #tpu.memory_space<vmem>> -> memref<1x50x32xf32, #tpu.memory_space<vmem>>
      %dma_wait3A_1622 = tpu.memref_squeeze %dma_wait3A_1621 : memref<1x50x32xf32, #tpu.memory_space<vmem>> -> memref<50x32xf32, #tpu.memory_space<vmem>>
      %dma_wait3A_1623 = arith.constant 0 : i32
      %dma_wait3A_1624 = tpu.memref_slice %arg5[%add3A_885, %dma_wait3A_1623] : memref<512x50xi32, #tpu.memory_space<vmem>> -> memref<1x50xi32, #tpu.memory_space<vmem>>
      %dma_wait3A_1625 = tpu.memref_squeeze %dma_wait3A_1624 : memref<1x50xi32, #tpu.memory_space<vmem>> -> memref<50xi32, #tpu.memory_space<vmem>>
      %dma_wait3A_1626 = arith.constant 0 : i32
      %dma_wait3A_1627 = arith.constant 0 : i32
      %dma_wait3A_1628 = tpu.memref_slice %arg3[%dma_wait3A_1626, %dma_wait3A_1627] : memref<1000000x32xf32, #tpu.memory_space<hbm>> -> memref<1000000x32xf32, #tpu.memory_space<hbm>>
      tpu.wait_indirect_dma semaphore(%arg9 : memref<!tpu.dma_semaphore, #tpu.memory_space<semaphore_mem>>) src(%dma_wait3A_1628 : memref<1000000x32xf32, #tpu.memory_space<hbm>>) dst(%dma_wait3A_1622 : memref<50x32xf32, #tpu.memory_space<vmem>>)
      %dma_wait3A_1629 = arith.constant 27 : i32
      %dma_wait3A_1630 = arith.constant 0 : i32
      %dma_wait3A_1631 = arith.constant 0 : i32
      %dma_wait3A_1632 = tpu.memref_slice %arg7[%dma_wait3A_1629, %dma_wait3A_1630, %dma_wait3A_1631] : memref<32x50x32xf32, #tpu.memory_space<vmem>> -> memref<1x50x32xf32, #tpu.memory_space<vmem>>
      %dma_wait3A_1633 = tpu.memref_squeeze %dma_wait3A_1632 : memref<1x50x32xf32, #tpu.memory_space<vmem>> -> memref<50x32xf32, #tpu.memory_space<vmem>>
      %dma_wait3A_1634 = arith.constant 0 : i32
      %dma_wait3A_1635 = tpu.memref_slice %arg5[%add3A_900, %dma_wait3A_1634] : memref<512x50xi32, #tpu.memory_space<vmem>> -> memref<1x50xi32, #tpu.memory_space<vmem>>
      %dma_wait3A_1636 = tpu.memref_squeeze %dma_wait3A_1635 : memref<1x50xi32, #tpu.memory_space<vmem>> -> memref<50xi32, #tpu.memory_space<vmem>>
      %dma_wait3A_1637 = arith.constant 0 : i32
      %dma_wait3A_1638 = arith.constant 0 : i32
      %dma_wait3A_1639 = tpu.memref_slice %arg3[%dma_wait3A_1637, %dma_wait3A_1638] : memref<1000000x32xf32, #tpu.memory_space<hbm>> -> memref<1000000x32xf32, #tpu.memory_space<hbm>>
      tpu.wait_indirect_dma semaphore(%arg9 : memref<!tpu.dma_semaphore, #tpu.memory_space<semaphore_mem>>) src(%dma_wait3A_1639 : memref<1000000x32xf32, #tpu.memory_space<hbm>>) dst(%dma_wait3A_1633 : memref<50x32xf32, #tpu.memory_space<vmem>>)
      %dma_wait3A_1640 = arith.constant 28 : i32
      %dma_wait3A_1641 = arith.constant 0 : i32
      %dma_wait3A_1642 = arith.constant 0 : i32
      %dma_wait3A_1643 = tpu.memref_slice %arg7[%dma_wait3A_1640, %dma_wait3A_1641, %dma_wait3A_1642] : memref<32x50x32xf32, #tpu.memory_space<vmem>> -> memref<1x50x32xf32, #tpu.memory_space<vmem>>
      %dma_wait3A_1644 = tpu.memref_squeeze %dma_wait3A_1643 : memref<1x50x32xf32, #tpu.memory_space<vmem>> -> memref<50x32xf32, #tpu.memory_space<vmem>>
      %dma_wait3A_1645 = arith.constant 0 : i32
      %dma_wait3A_1646 = tpu.memref_slice %arg5[%add3A_915, %dma_wait3A_1645] : memref<512x50xi32, #tpu.memory_space<vmem>> -> memref<1x50xi32, #tpu.memory_space<vmem>>
      %dma_wait3A_1647 = tpu.memref_squeeze %dma_wait3A_1646 : memref<1x50xi32, #tpu.memory_space<vmem>> -> memref<50xi32, #tpu.memory_space<vmem>>
      %dma_wait3A_1648 = arith.constant 0 : i32
      %dma_wait3A_1649 = arith.constant 0 : i32
      %dma_wait3A_1650 = tpu.memref_slice %arg3[%dma_wait3A_1648, %dma_wait3A_1649] : memref<1000000x32xf32, #tpu.memory_space<hbm>> -> memref<1000000x32xf32, #tpu.memory_space<hbm>>
      tpu.wait_indirect_dma semaphore(%arg9 : memref<!tpu.dma_semaphore, #tpu.memory_space<semaphore_mem>>) src(%dma_wait3A_1650 : memref<1000000x32xf32, #tpu.memory_space<hbm>>) dst(%dma_wait3A_1644 : memref<50x32xf32, #tpu.memory_space<vmem>>)
      %dma_wait3A_1651 = arith.constant 29 : i32
      %dma_wait3A_1652 = arith.constant 0 : i32
      %dma_wait3A_1653 = arith.constant 0 : i32
      %dma_wait3A_1654 = tpu.memref_slice %arg7[%dma_wait3A_1651, %dma_wait3A_1652, %dma_wait3A_1653] : memref<32x50x32xf32, #tpu.memory_space<vmem>> -> memref<1x50x32xf32, #tpu.memory_space<vmem>>
      %dma_wait3A_1655 = tpu.memref_squeeze %dma_wait3A_1654 : memref<1x50x32xf32, #tpu.memory_space<vmem>> -> memref<50x32xf32, #tpu.memory_space<vmem>>
      %dma_wait3A_1656 = arith.constant 0 : i32
      %dma_wait3A_1657 = tpu.memref_slice %arg5[%add3A_930, %dma_wait3A_1656] : memref<512x50xi32, #tpu.memory_space<vmem>> -> memref<1x50xi32, #tpu.memory_space<vmem>>
      %dma_wait3A_1658 = tpu.memref_squeeze %dma_wait3A_1657 : memref<1x50xi32, #tpu.memory_space<vmem>> -> memref<50xi32, #tpu.memory_space<vmem>>
      %dma_wait3A_1659 = arith.constant 0 : i32
      %dma_wait3A_1660 = arith.constant 0 : i32
      %dma_wait3A_1661 = tpu.memref_slice %arg3[%dma_wait3A_1659, %dma_wait3A_1660] : memref<1000000x32xf32, #tpu.memory_space<hbm>> -> memref<1000000x32xf32, #tpu.memory_space<hbm>>
      tpu.wait_indirect_dma semaphore(%arg9 : memref<!tpu.dma_semaphore, #tpu.memory_space<semaphore_mem>>) src(%dma_wait3A_1661 : memref<1000000x32xf32, #tpu.memory_space<hbm>>) dst(%dma_wait3A_1655 : memref<50x32xf32, #tpu.memory_space<vmem>>)
      %dma_wait3A_1662 = arith.constant 30 : i32
      %dma_wait3A_1663 = arith.constant 0 : i32
      %dma_wait3A_1664 = arith.constant 0 : i32
      %dma_wait3A_1665 = tpu.memref_slice %arg7[%dma_wait3A_1662, %dma_wait3A_1663, %dma_wait3A_1664] : memref<32x50x32xf32, #tpu.memory_space<vmem>> -> memref<1x50x32xf32, #tpu.memory_space<vmem>>
      %dma_wait3A_1666 = tpu.memref_squeeze %dma_wait3A_1665 : memref<1x50x32xf32, #tpu.memory_space<vmem>> -> memref<50x32xf32, #tpu.memory_space<vmem>>
      %dma_wait3A_1667 = arith.constant 0 : i32
      %dma_wait3A_1668 = tpu.memref_slice %arg5[%add3A_945, %dma_wait3A_1667] : memref<512x50xi32, #tpu.memory_space<vmem>> -> memref<1x50xi32, #tpu.memory_space<vmem>>
      %dma_wait3A_1669 = tpu.memref_squeeze %dma_wait3A_1668 : memref<1x50xi32, #tpu.memory_space<vmem>> -> memref<50xi32, #tpu.memory_space<vmem>>
      %dma_wait3A_1670 = arith.constant 0 : i32
      %dma_wait3A_1671 = arith.constant 0 : i32
      %dma_wait3A_1672 = tpu.memref_slice %arg3[%dma_wait3A_1670, %dma_wait3A_1671] : memref<1000000x32xf32, #tpu.memory_space<hbm>> -> memref<1000000x32xf32, #tpu.memory_space<hbm>>
      tpu.wait_indirect_dma semaphore(%arg9 : memref<!tpu.dma_semaphore, #tpu.memory_space<semaphore_mem>>) src(%dma_wait3A_1672 : memref<1000000x32xf32, #tpu.memory_space<hbm>>) dst(%dma_wait3A_1666 : memref<50x32xf32, #tpu.memory_space<vmem>>)
      %dma_wait3A_1673 = arith.constant 31 : i32
      %dma_wait3A_1674 = arith.constant 0 : i32
      %dma_wait3A_1675 = arith.constant 0 : i32
      %dma_wait3A_1676 = tpu.memref_slice %arg7[%dma_wait3A_1673, %dma_wait3A_1674, %dma_wait3A_1675] : memref<32x50x32xf32, #tpu.memory_space<vmem>> -> memref<1x50x32xf32, #tpu.memory_space<vmem>>
      %dma_wait3A_1677 = tpu.memref_squeeze %dma_wait3A_1676 : memref<1x50x32xf32, #tpu.memory_space<vmem>> -> memref<50x32xf32, #tpu.memory_space<vmem>>
      %dma_wait3A_1678 = arith.constant 0 : i32
      %dma_wait3A_1679 = tpu.memref_slice %arg5[%add3A_960, %dma_wait3A_1678] : memref<512x50xi32, #tpu.memory_space<vmem>> -> memref<1x50xi32, #tpu.memory_space<vmem>>
      %dma_wait3A_1680 = tpu.memref_squeeze %dma_wait3A_1679 : memref<1x50xi32, #tpu.memory_space<vmem>> -> memref<50xi32, #tpu.memory_space<vmem>>
      %dma_wait3A_1681 = arith.constant 0 : i32
      %dma_wait3A_1682 = arith.constant 0 : i32
      %dma_wait3A_1683 = tpu.memref_slice %arg3[%dma_wait3A_1681, %dma_wait3A_1682] : memref<1000000x32xf32, #tpu.memory_space<hbm>> -> memref<1000000x32xf32, #tpu.memory_space<hbm>>
      tpu.wait_indirect_dma semaphore(%arg9 : memref<!tpu.dma_semaphore, #tpu.memory_space<semaphore_mem>>) src(%dma_wait3A_1683 : memref<1000000x32xf32, #tpu.memory_space<hbm>>) dst(%dma_wait3A_1677 : memref<50x32xf32, #tpu.memory_space<vmem>>)
      %add3A_1684 = arith.constant 1 : i32
      %add3A_1685 = arith.addi %mul3A_10, %add3A_1684 : i32
      %mul3A_1686 = arith.constant 32 : i32
      %mul3A_1687 = arith.muli %add3A_1685, %mul3A_1686 : i32
      %add3A_1688 = arith.addi %mul3A_2, %mul3A_1687 : i32
      %dma_start3A_1689 = arith.constant 0 : i32
      %dma_start3A_1690 = arith.constant 0 : i32
      %dma_start3A_1691 = tpu.memref_slice %arg4[%add3A_1688, %dma_start3A_1689, %dma_start3A_1690] : memref<16384x56x128xf32, #tpu.memory_space<hbm>> -> memref<32x50x32xf32, #tpu.memory_space<hbm>>
      %dma_start3A_1692 = arith.constant 0 : i32
      %dma_start3A_1693 = arith.constant 0 : i32
      %dma_start3A_1694 = tpu.memref_slice %arg4[%add3A_1688, %dma_start3A_1692, %dma_start3A_1693] : memref<16384x56x128xf32, #tpu.memory_space<hbm>> -> memref<32x50x32xf32, #tpu.memory_space<hbm>>
      tpu.enqueue_dma source(%arg7 : memref<32x50x32xf32, #tpu.memory_space<vmem>>) target(%dma_start3A_1694 : memref<32x50x32xf32, #tpu.memory_space<hbm>>) target_semaphore(%arg11 : memref<!tpu.dma_semaphore, #tpu.memory_space<semaphore_mem>>)
      %dma_wait3A_1695 = arith.constant 0 : i32
      %dma_wait3A_1696 = arith.constant 0 : i32
      %dma_wait3A_1697 = tpu.memref_slice %arg4[%add3A_1325, %dma_wait3A_1695, %dma_wait3A_1696] : memref<16384x56x128xf32, #tpu.memory_space<hbm>> -> memref<32x50x32xf32, #tpu.memory_space<hbm>>
      %dma_wait3A_1698 = arith.constant 0 : i32
      %dma_wait3A_1699 = arith.constant 0 : i32
      %dma_wait3A_1700 = tpu.memref_slice %arg4[%add3A_1325, %dma_wait3A_1698, %dma_wait3A_1699] : memref<16384x56x128xf32, #tpu.memory_space<hbm>> -> memref<32x50x32xf32, #tpu.memory_space<hbm>>
      tpu.wait_dma2 semaphore(%arg10 : memref<!tpu.dma_semaphore, #tpu.memory_space<semaphore_mem>>) src(%arg6 : memref<32x50x32xf32, #tpu.memory_space<vmem>>) dst(%dma_wait3A_1700 : memref<32x50x32xf32, #tpu.memory_space<hbm>>)
      %dma_wait3A_1701 = arith.constant 0 : i32
      %dma_wait3A_1702 = arith.constant 0 : i32
      %dma_wait3A_1703 = tpu.memref_slice %arg4[%add3A_1688, %dma_wait3A_1701, %dma_wait3A_1702] : memref<16384x56x128xf32, #tpu.memory_space<hbm>> -> memref<32x50x32xf32, #tpu.memory_space<hbm>>
      %dma_wait3A_1704 = arith.constant 0 : i32
      %dma_wait3A_1705 = arith.constant 0 : i32
      %dma_wait3A_1706 = tpu.memref_slice %arg4[%add3A_1688, %dma_wait3A_1704, %dma_wait3A_1705] : memref<16384x56x128xf32, #tpu.memory_space<hbm>> -> memref<32x50x32xf32, #tpu.memory_space<hbm>>
      tpu.wait_dma2 semaphore(%arg11 : memref<!tpu.dma_semaphore, #tpu.memory_space<semaphore_mem>>) src(%arg7 : memref<32x50x32xf32, #tpu.memory_space<vmem>>) dst(%dma_wait3A_1706 : memref<32x50x32xf32, #tpu.memory_space<hbm>>)
    }
    %scan3A_7 = arith.constant 8 : i32
    return
  }
}

</mosaic_0001>

<sc_bundles>
// kernel: kernel.3.cloned.1.call-start
scs
__scs_entry_jumppad:
0x0: {  	(pc) =	sbr.rel $0x88, $3  }
0x1: {  	(tag) =	ssettag $0x0;
	lr =	simm.s32 $0x1  }
0x2: {  	[smem:$0x3F9F] =	sst lr;
	_ =	strace $0xD0000000  }
0x3: {  	_ = 	snop  }
0x4: {  	_ = 	snop  }
0x5: {  	_ = 	snop  }
0x6: {  	_ = 	snop  }
0x7: {  	_ = 	snop  }
__scs_overlays_trampoline_lowered:
0x8: {  	[smem:$0x3FAE] =	sst s0  }
0x9: {  	[smem:$0x3FAF] =	sst s1  }
0xa: {  	[smem:$0x3FB0] =	sst s2  }
0xb: {  	[smem:$0x3FB1] =	sst s3  }
0xc: {  	[smem:$0x3FB2] =	sst s4  }
0xd: {  	[smem:$0x3FB3] =	sst s5  }
0xe: {  	[smem:$0x3FB4] =	sst s6  }
0xf: {  	[smem:$0x3FB5] =	sst s7  }
0x10: {  	[smem:$0x3FB6] =	sst s8  }
0x11: {  	[smem:$0x3FB7] =	sst s9;
	s0 =	simm.s32 @!p0 $0x0  }
0x12: {  	s1 =	sld [smem:$0x3F9D];
	s0 =	simm.s32 @p0 $0x1  }
0x13: {  	[smem:$0x3FB8] =	sst s0;
	s0 =	simm.s32 @!p1 $0x0  }
0x14: {  	s2 =	sld [smem:$0x3F9C];
	s0 =	simm.s32 @p1 $0x1  }
0x15: {  	[smem:$0x3FB9] =	sst s0;
	s0 =	simm.s32 @!p2 $0x0  }
0x16: {  	s3 =	sld [smem:$0x3FDB];
	s0 =	simm.s32 @p2 $0x1  }
0x17: {  	s4 =	simm.s32 $0x1BF5;
	[smem:$0x3FBB] =	sst s0  }
0x18: {  	s0 =	sld [smem:$0x3F9E];
	_ =	swait.ge [sflag:s4], $0x0  }
0x19: {  	s7 =	sld [smem:$0x3F9F]  }
0x1a: {  	s8 =	sadd.s32 $0xFFFFE003, lr  }
0x1b: {  	s9 =	sadd.s32 $0xFFFFFEF7, lr;
	s5 =	simm.s32 $0xFFFFFFFF;
	p2 =	slt.u32 s8, $0xFFFFF086  }
0x1c: {  	p1 =	slt.u32 s9, $0xF7A;
	s5 =	simm.s32 @!p2 $0x0  }
0x1d: {  	s5 =	simm.s32 @p1 $0x1;
	p0 =	seq.s32 s7, s2  }
0x1e: {  	s7 =	smul.u32 @!p0 $0xF7A, s2;
	p2 =	seq.s32 @!p0 s5, $0x0  }
0x1f: {  	s9 =	smul.u32 $0xF7A, s1;
	s8 =	simm.s32 @!p0 $0x1BF5;
	p2 =	por !p2, p0  }
0x20: {  	[sflag:s8] =	ssyncset.s32 @!p0 $0xFFFFF086;
	s6 =	sadd.s32 @!p0 s3, s7;
	s7 =	simm.s32 @!p0 $0x108  }
0x21: {  	s3 =	sadd.s32 s3, s9;
	s6 =	sadd.s32 @!p0 $0x88, s6;
	s7 =	simm.s32 @p2 $0x1082  }
0x22: {  	[simem:s7], [sflag:s8] =	dma.local @!p0 [hbm:s6], $0xF7A  }
0x23: {  	s9 =	sor.u32 $0xD0000000, s2;
	s6 =	simm.s32 $0x108;
	_ =	swait.ge @!p0 [sflag:s8], $0x0  }
0x24: {  	s3 =	sadd.s32 $0x88, s3;
	s6 =	simm.s32 @!p1 $0x1082;
	[sflag:s4] =	ssyncset.s32 $0xFFFFF086  }
0x25: {  	[simem:s6], [sflag:s4] =	dma.local [hbm:s3], $0xF7A  }
0x26: {  	[smem:$0x3F9F] =	sst s1;
	(tag) =	ssettag s2;
	_ =	strace s9  }
0x27: {  	s1 =	sld [smem:$0x3FAF]  }
0x28: {  	s2 =	sld [smem:$0x3FB0]  }
0x29: {  	s4 =	sld [smem:$0x3FB2]  }
0x2a: {  	p0 =	seq.s32 s5, $0x0;
	s5 =	sld [smem:$0x3FB3]  }
0x2b: {  	s6 =	sld [smem:$0x3FB4]  }
0x2c: {  	s7 =	sld [smem:$0x3FB5]  }
0x2d: {  	s3 =	simm.s32 $0x108;
	s8 =	sld [smem:$0x3FB6]  }
0x2e: {  	s3 =	simm.s32 @!p0 $0x1082;
	s9 =	sld [smem:$0x3FB7]  }
0x2f: {  	lr =	sadd.s32 s0, s3;
	s0 =	sld [smem:$0x3FAE]  }
0x30: {  	s3 =	sld [smem:$0x3FB1]  }
0x31: {  	[smem:$0x3FBA] =	sst s10  }
0x32: {  	s10 =	sld [smem:$0x3FB8];
	_ =	sdelay $0x3  }
0x33: {  	p0 =	seq.s32 s10, $0x1;
	s10 =	sld [smem:$0x3FBA];
	_ =	sdelay $0x3  }
0x34: {  	[smem:$0x3FBA] =	sst s10  }
0x35: {  	s10 =	sld [smem:$0x3FB9];
	_ =	sdelay $0x3  }
0x36: {  	p1 =	seq.s32 s10, $0x1;
	s10 =	sld [smem:$0x3FBA];
	_ =	sdelay $0x3  }
0x37: {  	[smem:$0x3FBA] =	sst s10  }
0x38: {  	s10 =	sld [smem:$0x3FBB]  }
0x39: {  	_ = 	snop;
	(pc) =	sbr.ind lr, $3  }
0x3a: {  	_ = 	snop  }
0x3b: {  	_ = 	snop  }
0x3c: {  	p2 =	seq.s32 s10, $0x1;
	s10 =	sld [smem:$0x3FBA]  }
0x3d: {  	_ =	shalt  }
0x3e: {  	_ =	shalt  }
0x3f: {  	_ =	shalt  }
0x40: {  	_ =	shalt  }
0x41: {  	_ =	shalt  }
0x42: {  	_ =	shalt  }
0x43: {  	_ =	shalt  }
0x44: {  	_ =	shalt  }
0x45: {  	_ =	shalt  }
0x46: {  	_ =	shalt  }
0x47: {  	_ =	shalt  }
0x48: {  	_ =	shalt  }
0x49: {  	_ =	shalt  }
0x4a: {  	_ =	shalt  }
0x4b: {  	_ =	shalt  }
0x4c: {  	_ =	shalt  }
0x4d: {  	_ =	shalt  }
0x4e: {  	_ =	shalt  }
0x4f: {  	_ =	shalt  }
0x50: {  	_ =	shalt  }
0x51: {  	_ =	shalt  }
0x52: {  	_ =	shalt  }
0x53: {  	_ =	shalt  }
0x54: {  	_ =	shalt  }
0x55: {  	_ =	shalt  }
0x56: {  	_ =	shalt  }
0x57: {  	_ =	shalt  }
0x58: {  	_ =	shalt  }
0x59: {  	_ =	shalt  }
0x5a: {  	_ =	shalt  }
0x5b: {  	_ =	shalt  }
0x5c: {  	_ =	shalt  }
0x5d: {  	_ =	shalt  }
0x5e: {  	_ =	shalt  }
0x5f: {  	_ =	shalt  }
0x60: {  	_ =	shalt  }
0x61: {  	_ =	shalt  }
0x62: {  	_ =	shalt  }
0x63: {  	_ =	shalt  }
0x64: {  	_ =	shalt  }
0x65: {  	_ =	shalt  }
0x66: {  	_ =	shalt  }
0x67: {  	_ =	shalt  }
0x68: {  	_ =	shalt  }
0x69: {  	_ =	shalt  }
0x6a: {  	_ =	shalt  }
0x6b: {  	_ =	shalt  }
0x6c: {  	_ =	shalt  }
0x6d: {  	_ =	shalt  }
0x6e: {  	_ =	shalt  }
0x6f: {  	_ =	shalt  }
0x70: {  	_ =	shalt  }
0x71: {  	_ =	shalt  }
0x72: {  	_ =	shalt  }
0x73: {  	_ =	shalt  }
0x74: {  	_ =	shalt  }
0x75: {  	_ =	shalt  }
0x76: {  	_ =	shalt  }
0x77: {  	_ =	shalt  }
0x78: {  	_ =	shalt  }
0x79: {  	_ =	shalt  }
0x7a: {  	_ =	shalt  }
0x7b: {  	_ =	shalt  }
0x7c: {  	_ =	shalt  }
0x7d: {  	_ =	shalt  }
0x7e: {  	_ =	shalt  }
0x7f: {  	_ =	shalt  }
0x80: {  	_ =	shalt  }
0x81: {  	_ =	shalt  }
0x82: {  	_ =	shalt  }
0x83: {  	_ =	shalt  }
0x84: {  	_ =	shalt  }
0x85: {  	_ =	shalt  }
0x86: {  	_ =	shalt  }
0x87: {  	_ =	shalt  }
.Lfunc_end0:
.L_simem_size_0:
called_computation.1_lowered:
.L_overlay_start_0:
0x88: {  	s2 =	sld [smem:$0x3FD9]  }
0x89: {  	s3 =	sld [smem:$0x3FFE];
	_ =	sdelay $0x1  }
0x8a: {  	s1 =	srdreg.scid  }
0x8b: {  	s0 =	sand.u32 $0x1, s1  }
0x8c: {  	s17 =	sshll.u32 s0, $0xA;
	s2 =	sadd.s32 s3, s2  }
0x8d: {  	s2 =	sadd.s32 s2, s17  }
0x8e: {  	[smem:$0x3FC6] =	sst s2  }
0x8f: {  	_ = 	snop  }
0x90: {  	s2 =	sld [smem:$0x3FD0];
	(tm) =	ssettm $0x1  }
0x91: {  	s18 =	sld [smem:$0x3FFB];
	_ =	sdelay $0x3  }
0x92: {  	_ =	strace s18  }
0x93: {  	s3 =	sld [smem:$0x3FFC];
	_ =	sdelay $0x3  }
0x94: {  	_ =	strace s3  }
0x95: {  	s3 =	sld [smem:$0x3FFD];
	_ =	sdelay $0x3  }
0x96: {  	_ =	strace s3  }
0x97: {  	_ =	strace $0x8FFFFFFF  }
0x98: {  	s19 =	sld [smem:$0x3FDB];
	_ =	sdelay $0x1  }
0x99: {  	s4 =	simm.s32 $_scs_section_size  }
0x9a: {  	s5 =	simm.s32 $_size__tile_overlayer_lowered;
	s6 =	simm.s32 $_tile_overlayer_lowered  }
0x9b: {  	s22 =	simm.s32 $0x1BFF;
	s21 =	sshll.u32 s6, $0x1;
	s3 =	sadd.s32 s4, s19  }
0x9c: {  	s7 =	simm.s32 $0x0;
	s20 =	sshll.u32 s5, $0x1;
	s5 =	sadd.s32 s21, s3  }
0x9d: {  	[timem:s7], [sflag:s22] =	dma.local [hbm:s5], s20  }
0x9e: {  	_ =	swait.ge [sflag:s22], s20  }
0x9f: {  	s4 =	ssub.s32 $0x0, s20;
	[sflag:s22] =	ssyncset.done $0x0  }
0xa0: {  	[sflag:s22] =	ssyncadd.s32 s4;
	_ =	sdelay $0x1  }
0xa1: {  	s23 =	simm.s32 $0x1B8B  }
0xa2: {  	_ =	swait.ge [sflag:s23], $0x1  }
0xa3: {  	[sflag:s23] =	ssyncset.done $0x0  }
0xa4: {  	s25 =	simm.s32 $0x1B8E;
	s24 =	sld [smem:$0x3FFE];
	[sflag:s23] =	ssyncadd.s32 $0xFFFFFFFF  }
0xa5: {  	s26 =	simm.s32 $execute0_lowered;
	[smem:$0x3FD2] =	sst s25  }
0xa6: {  	s5 =	sshll.u32 s26, $0x1;
	_ =	strace $0x80000046;
	[dreg:$0x1] =	wrdreg $0xFFFFFFFF  }
0xa7: {  	s28 =	simm.s32 $_size_execute0_lowered;
	s3 =	sadd.s32 s3, s5;
	[dreg:$0x0] =	wrdreg $0x0  }
0xa8: {  	s5 =	sshll.u32 s28, $0x1;
	[dreg:$0x2] =	wrdreg s3  }
0xa9: {  	[dreg:$0x3] =	wrdreg s5  }
0xaa: {  	[dreg:$0x4] =	wrdreg $0xC0  }
0xab: {  	_ =	task [dreg:s7], $0x5FFFF  }
0xac: {  	[dreg:$0x1] =	wrdreg $0xFFFFFFFF  }
0xad: {  	[dreg:$0x0] =	wrdreg $0x60  }
0xae: {  	[dreg:$0x2] =	wrdreg s2  }
0xaf: {  	[dreg:$0x3] =	wrdreg s24  }
0xb0: {  	[dreg:$0x4] =	wrdreg $0x9  }
0xb1: {  	_ =	task.clear_ibuf [dreg:s7], $0x5FFFF;
	_ =	strace $0x90000046  }
0xb2: {  	s29 =	simm.s32 $0x9;
	_ =	strace $0x80000048  }
0xb3: {  	_ =	swait.ge [sflag:s29], $0x1  }
0xb4: {  	[sflag:s29] =	ssyncadd.s32 $0xFFFFFFFF  }
0xb5: {  	_ =	strace $0x90000048  }
0xb6: {  	_ =	sfence  }
0xb7: {  	s30 =	sld [smem:$0x0];
	_ =	sdelay $0x2  }
0xb8: {  	s31 =	sshll.u32 s1, $0xD;
	s1 =	sshrl.u32 s1, $0x2  }
0xb9: {  	s3 =	sand.u32 $0x4000, s31;
	s1 =	sadd.s32 s1, s30  }
0xba: {  	s0 =	sor.u32 s3, s0;
	s1 =	sshll.u32 s1, $0x11  }
0xbb: {  	s0 =	sor.u32 s1, s0  }
0xbc: {  	s0 =	sadd.s32 $0x8F2B, s0  }
0xbd: {  	[sflag:s0] =	ssyncadd.remote.s32 $0x1  }
0xbe: {  	_ =	sfence.sel $0xFFFF  }
0xbf: {  	[dreg:$0x0] =	wrdreg $0xFFFFFFFF;
	(pc) =	sbr.abs _section_cstart, $3  }
0xc0: {  	[dreg:$0x1] =	wrdreg $0xFFFFFFFF  }
0xc1: {  	_ =	task.clear_ibuf [dreg:s7], $0x2FFFF;
	_ =	strace $0x9FFFFFFF  }
0xc2: {  	(tm) =	ssettm $0x7FFFFFFF  }
0xc3: {  	_ =	shalt  }
tec
execute0_lowered:
.L_overlay_start_1:
0x0: {  	(tag) =	ssettag $0x1  }
0x1: {  	s0 =	rddreg [dreg:$0x0]  }
0x2: {  	s1 =	srdreg.scid;
	s2 =	rddreg [dreg:$0x1]  }
0x3: {  	s3 =	stileid.u32;
	s5 =	simm.s32 $0x0;
	s9 =	simm.s32 $0x32  }
0x4: {  	s7 =	simm.s32 $0x1BB40;
	s8 =	simm.s32 $0x1C180;
	s10 =	simm.s32 $0x1C7C0  }
0x5: {  	s11 =	simm.s32 $0x1CE00;
	s12 =	simm.s32 $0x1D440;
	s13 =	simm.s32 $0x1DA80  }
0x6: {  	s14 =	simm.s32 $0x1E0C0;
	s15 =	simm.s32 $0x1E700;
	s16 =	simm.s32 $0x1ED40  }
0x7: {  	s17 =	simm.s32 $0x1F380;
	s18 =	simm.s32 $0x1F9C0;
	s19 =	simm.s32 $0x1  }
0x8: {  	s20 =	simm.s32 $0x20;
	s21 =	simm.s32 $0x80;
	s22 =	simm.s32 $0x2  }
0x9: {  	s23 =	simm.s32 $0x3;
	s24 =	simm.s32 $0x4;
	s1 =	sand.u32 $0x1, s1  }
0xa: {  	s3 =	sshll.u32 s3, $0xA;
	s4 =	sshll.u32 s1, $0x9;
	s1 =	ssub.s32 $0x2, s1  }
0xb: {  	[smem:$0x7FF] =	sst s5;
	s3 =	sor.u32 s4, s3;
	s30 =	sshrl.u32 s1, $0x1  }
0xc: {  	s5 =	sadd.s32 $0xA00, s2;
	s6 =	smul.u32 $0x7, s3;
	s1 =	ssub.s32 s1, s30  }
0xd: {  	_ =	strace $0x80000047;
	s4 =	sadd.s32 $0xF42E00, s2;
	s31 =	smax.u32 s1, $0x1  }
0xe: {  	s2 =	simm.s32 $0x1AEC0;
	s0 =	sadd.s32 s0, s6;
	[dreg:$0x4] =	wrdreg s31  }
0xf: {  	s1 =	simm.s32 $0x0;
	s6 =	simm.s32 $0x1B500;
	[dreg:$0x3] =	wrdreg s0  }
.LBB2_1:
0x10: {  	[dreg:$0x5] =	wrdreg s1  }
0x11: {  	s0 =	simm.s32 $0x0;
	s25 =	rddreg [dreg:$0x3];
	s31 =	simm.s32 $0x5  }
0x12: {  	[tilespmem:s0], [sflag:$0x5] =	stream.linear.gather [hbm4b:s25+s0], $0x7000, $0x38;
	v63 =	vld [tilespmem:$0x0]  }
0x13: {  	_ =	swait.ge [sflag:s31], $0x7000  }
0x14: {  	[sflag:s31] =	ssyncset.done $0x0  }
0x15: {  	s25 =	simm.s32 $0x0;
	[sflag:s31] =	ssyncadd.s32 $0xFFFF9000  }
.LBB2_2:
0x16: {  	s0 =	smul.u32 $0x3800, s25;
	_ =	sdelay $0x1  }
0x17: {  	s28 =	simm.s32 $0x7000;
	s30 =	sshra.s32 s0, $0x2  }
0x18: {  	[tilespmem:s28], [sflag:$0x1] =	stream.indirect.gather [hbm4b:s4+s9], $0x20, s30, s9, $0xb8;
	v63 =	vld [tilespmem:$0x0]  }
0x19: {  	s26 =	simm.s32 $0x7640;
	s0 =	sor.u32 $0x38, s30  }
0x1a: {  	[tilespmem:s26], [sflag:$0x1] =	stream.indirect.gather [hbm4b:s4+s9], $0x20, s0, s9, $0xb8;
	v63 =	vld [tilespmem:$0x0]  }
0x1b: {  	s1 =	simm.s32 $0x7C80;
	s26 =	sor.u32 $0x70, s30  }
0x1c: {  	[tilespmem:s1], [sflag:$0x1] =	stream.indirect.gather [hbm4b:s4+s9], $0x20, s26, s9, $0xb8;
	v63 =	vld [tilespmem:$0x0]  }
0x1d: {  	s26 =	sor.u32 $0xA8, s30;
	s1 =	simm.s32 $0x82C0  }
0x1e: {  	[tilespmem:s1], [sflag:$0x1] =	stream.indirect.gather [hbm4b:s4+s9], $0x20, s26, s9, $0xb8;
	v63 =	vld [tilespmem:$0x0]  }
0x1f: {  	s26 =	sor.u32 $0xE0, s30;
	s1 =	simm.s32 $0x8900  }
0x20: {  	[tilespmem:s1], [sflag:$0x1] =	stream.indirect.gather [hbm4b:s4+s9], $0x20, s26, s9, $0xb8;
	v63 =	vld [tilespmem:$0x0]  }
0x21: {  	s26 =	sor.u32 $0x118, s30;
	s1 =	simm.s32 $0x8F40  }
0x22: {  	[tilespmem:s1], [sflag:$0x1] =	stream.indirect.gather [hbm4b:s4+s9], $0x20, s26, s9, $0xb8;
	v63 =	vld [tilespmem:$0x0]  }
0x23: {  	s26 =	sor.u32 $0x150, s30;
	s1 =	simm.s32 $0x9580  }
0x24: {  	[tilespmem:s1], [sflag:$0x1] =	stream.indirect.gather [hbm4b:s4+s9], $0x20, s26, s9, $0xb8;
	v63 =	vld [tilespmem:$0x0]  }
0x25: {  	s26 =	sor.u32 $0x188, s30;
	s1 =	simm.s32 $0x9BC0  }
0x26: {  	[tilespmem:s1], [sflag:$0x1] =	stream.indirect.gather [hbm4b:s4+s9], $0x20, s26, s9, $0xb8;
	v63 =	vld [tilespmem:$0x0]  }
0x27: {  	s26 =	sor.u32 $0x1C0, s30;
	s1 =	simm.s32 $0xA200  }
0x28: {  	[tilespmem:s1], [sflag:$0x1] =	stream.indirect.gather [hbm4b:s4+s9], $0x20, s26, s9, $0xb8;
	v63 =	vld [tilespmem:$0x0]  }
0x29: {  	s26 =	sor.u32 $0x1F8, s30;
	s1 =	simm.s32 $0xA840  }
0x2a: {  	[tilespmem:s1], [sflag:$0x1] =	stream.indirect.gather [hbm4b:s4+s9], $0x20, s26, s9, $0xb8;
	v63 =	vld [tilespmem:$0x0]  }
0x2b: {  	s26 =	sadd.s32 $0x230, s30;
	s1 =	simm.s32 $0xAE80  }
0x2c: {  	[tilespmem:s1], [sflag:$0x1] =	stream.indirect.gather [hbm4b:s4+s9], $0x20, s26, s9, $0xb8;
	v63 =	vld [tilespmem:$0x0]  }
0x2d: {  	s26 =	sadd.s32 $0x268, s30;
	s1 =	simm.s32 $0xB4C0  }
0x2e: {  	[tilespmem:s1], [sflag:$0x1] =	stream.indirect.gather [hbm4b:s4+s9], $0x20, s26, s9, $0xb8;
	v63 =	vld [tilespmem:$0x0]  }
0x2f: {  	s26 =	sadd.s32 $0x2A0, s30;
	s1 =	simm.s32 $0xBB00  }
0x30: {  	[tilespmem:s1], [sflag:$0x1] =	stream.indirect.gather [hbm4b:s4+s9], $0x20, s26, s9, $0xb8;
	v63 =	vld [tilespmem:$0x0]  }
0x31: {  	s26 =	sadd.s32 $0x2D8, s30;
	s1 =	simm.s32 $0xC140  }
0x32: {  	[tilespmem:s1], [sflag:$0x1] =	stream.indirect.gather [hbm4b:s4+s9], $0x20, s26, s9, $0xb8;
	v63 =	vld [tilespmem:$0x0]  }
0x33: {  	s26 =	sadd.s32 $0x310, s30;
	s1 =	simm.s32 $0xC780  }
0x34: {  	[tilespmem:s1], [sflag:$0x1] =	stream.indirect.gather [hbm4b:s4+s9], $0x20, s26, s9, $0xb8;
	v63 =	vld [tilespmem:$0x0]  }
0x35: {  	s26 =	sadd.s32 $0x348, s30;
	s1 =	simm.s32 $0xCDC0  }
0x36: {  	[tilespmem:s1], [sflag:$0x1] =	stream.indirect.gather [hbm4b:s4+s9], $0x20, s26, s9, $0xb8;
	v63 =	vld [tilespmem:$0x0]  }
0x37: {  	s26 =	sadd.s32 $0x380, s30;
	s1 =	simm.s32 $0xD400  }
0x38: {  	[tilespmem:s1], [sflag:$0x1] =	stream.indirect.gather [hbm4b:s4+s9], $0x20, s26, s9, $0xb8;
	v63 =	vld [tilespmem:$0x0]  }
0x39: {  	s26 =	sadd.s32 $0x3B8, s30;
	s1 =	simm.s32 $0xDA40  }
0x3a: {  	[tilespmem:s1], [sflag:$0x1] =	stream.indirect.gather [hbm4b:s4+s9], $0x20, s26, s9, $0xb8;
	v63 =	vld [tilespmem:$0x0]  }
0x3b: {  	s26 =	sadd.s32 $0x3F0, s30;
	s1 =	simm.s32 $0xE080  }
0x3c: {  	[tilespmem:s1], [sflag:$0x1] =	stream.indirect.gather [hbm4b:s4+s9], $0x20, s26, s9, $0xb8;
	v63 =	vld [tilespmem:$0x0]  }
0x3d: {  	s26 =	sadd.s32 $0x428, s30;
	s1 =	simm.s32 $0xE6C0  }
0x3e: {  	[tilespmem:s1], [sflag:$0x1] =	stream.indirect.gather [hbm4b:s4+s9], $0x20, s26, s9, $0xb8;
	v63 =	vld [tilespmem:$0x0]  }
0x3f: {  	s26 =	sadd.s32 $0x460, s30;
	s1 =	simm.s32 $0xED00  }
0x40: {  	[tilespmem:s1], [sflag:$0x1] =	stream.indirect.gather [hbm4b:s4+s9], $0x20, s26, s9, $0xb8;
	v63 =	vld [tilespmem:$0x0]  }
0x41: {  	s26 =	sadd.s32 $0x498, s30;
	s1 =	simm.s32 $0xF340  }
0x42: {  	[tilespmem:s1], [sflag:$0x1] =	stream.indirect.gather [hbm4b:s4+s9], $0x20, s26, s9, $0xb8;
	v63 =	vld [tilespmem:$0x0]  }
0x43: {  	s26 =	sadd.s32 $0x4D0, s30;
	s1 =	simm.s32 $0xF980  }
0x44: {  	[tilespmem:s1], [sflag:$0x1] =	stream.indirect.gather [hbm4b:s4+s9], $0x20, s26, s9, $0xb8;
	v63 =	vld [tilespmem:$0x0]  }
0x45: {  	s26 =	sadd.s32 $0x508, s30;
	s1 =	simm.s32 $0xFFC0  }
0x46: {  	[tilespmem:s1], [sflag:$0x1] =	stream.indirect.gather [hbm4b:s4+s9], $0x20, s26, s9, $0xb8;
	v63 =	vld [tilespmem:$0x0]  }
0x47: {  	s26 =	sadd.s32 $0x540, s30;
	s1 =	simm.s32 $0x10600  }
0x48: {  	[tilespmem:s1], [sflag:$0x1] =	stream.indirect.gather [hbm4b:s4+s9], $0x20, s26, s9, $0xb8;
	v63 =	vld [tilespmem:$0x0]  }
0x49: {  	s26 =	sadd.s32 $0x578, s30;
	s1 =	simm.s32 $0x10C40  }
0x4a: {  	[tilespmem:s1], [sflag:$0x1] =	stream.indirect.gather [hbm4b:s4+s9], $0x20, s26, s9, $0xb8;
	v63 =	vld [tilespmem:$0x0]  }
0x4b: {  	s26 =	sadd.s32 $0x5B0, s30;
	s1 =	simm.s32 $0x11280  }
0x4c: {  	[tilespmem:s1], [sflag:$0x1] =	stream.indirect.gather [hbm4b:s4+s9], $0x20, s26, s9, $0xb8;
	v63 =	vld [tilespmem:$0x0]  }
0x4d: {  	s26 =	sadd.s32 $0x5E8, s30;
	s1 =	simm.s32 $0x118C0  }
0x4e: {  	[tilespmem:s1], [sflag:$0x1] =	stream.indirect.gather [hbm4b:s4+s9], $0x20, s26, s9, $0xb8;
	v63 =	vld [tilespmem:$0x0]  }
0x4f: {  	s26 =	sadd.s32 $0x620, s30;
	s1 =	simm.s32 $0x11F00  }
0x50: {  	[tilespmem:s1], [sflag:$0x1] =	stream.indirect.gather [hbm4b:s4+s9], $0x20, s26, s9, $0xb8;
	v63 =	vld [tilespmem:$0x0]  }
0x51: {  	s26 =	sadd.s32 $0x658, s30;
	s1 =	simm.s32 $0x12540  }
0x52: {  	[tilespmem:s1], [sflag:$0x1] =	stream.indirect.gather [hbm4b:s4+s9], $0x20, s26, s9, $0xb8;
	v63 =	vld [tilespmem:$0x0]  }
0x53: {  	s29 =	sshll.u32 s25, $0x6;
	s26 =	sadd.s32 $0x690, s30;
	s1 =	simm.s32 $0x12B80  }
0x54: {  	[tilespmem:s1], [sflag:$0x1] =	stream.indirect.gather [hbm4b:s4+s9], $0x20, s26, s9, $0xb8;
	v63 =	vld [tilespmem:$0x0]  }
0x55: {  	s26 =	sor.u32 $0x20, s29  }
0x56: {  	s0 =	sadd.s32 $0x6C8, s30;
	s1 =	simm.s32 $0x131C0;
	s31 =	smul.u32 $0xE0, s26  }
0x57: {  	[tilespmem:s1], [sflag:$0x1] =	stream.indirect.gather [hbm4b:s4+s9], $0x20, s0, s9, $0xb8;
	v63 =	vld [tilespmem:$0x0]  }
0x58: {  	s1 =	simm.s32 $0x13800;
	s0 =	sshra.s32 s31, $0x2  }
0x59: {  	[tilespmem:s1], [sflag:$0x2] =	stream.indirect.gather [hbm4b:s4+s9], $0x20, s0, s9, $0xb8;
	v63 =	vld [tilespmem:$0x0]  }
0x5a: {  	s0 =	sadd.s32 $0x738, s30;
	s1 =	simm.s32 $0x13E40  }
0x5b: {  	[tilespmem:s1], [sflag:$0x2] =	stream.indirect.gather [hbm4b:s4+s9], $0x20, s0, s9, $0xb8;
	v63 =	vld [tilespmem:$0x0]  }
0x5c: {  	s0 =	sadd.s32 $0x770, s30;
	s1 =	simm.s32 $0x14480  }
0x5d: {  	[tilespmem:s1], [sflag:$0x2] =	stream.indirect.gather [hbm4b:s4+s9], $0x20, s0, s9, $0xb8;
	v63 =	vld [tilespmem:$0x0]  }
0x5e: {  	s0 =	sadd.s32 $0x7A8, s30;
	s1 =	simm.s32 $0x14AC0  }
0x5f: {  	[tilespmem:s1], [sflag:$0x2] =	stream.indirect.gather [hbm4b:s4+s9], $0x20, s0, s9, $0xb8;
	v63 =	vld [tilespmem:$0x0]  }
0x60: {  	s0 =	sadd.s32 $0x7E0, s30;
	s1 =	simm.s32 $0x15100  }
0x61: {  	[tilespmem:s1], [sflag:$0x2] =	stream.indirect.gather [hbm4b:s4+s9], $0x20, s0, s9, $0xb8;
	v63 =	vld [tilespmem:$0x0]  }
0x62: {  	s0 =	sadd.s32 $0x818, s30;
	s1 =	simm.s32 $0x15740  }
0x63: {  	[tilespmem:s1], [sflag:$0x2] =	stream.indirect.gather [hbm4b:s4+s9], $0x20, s0, s9, $0xb8;
	v63 =	vld [tilespmem:$0x0]  }
0x64: {  	s0 =	sadd.s32 $0x850, s30;
	s1 =	simm.s32 $0x15D80  }
0x65: {  	[tilespmem:s1], [sflag:$0x2] =	stream.indirect.gather [hbm4b:s4+s9], $0x20, s0, s9, $0xb8;
	v63 =	vld [tilespmem:$0x0]  }
0x66: {  	s0 =	sadd.s32 $0x888, s30;
	s1 =	simm.s32 $0x163C0  }
0x67: {  	[tilespmem:s1], [sflag:$0x2] =	stream.indirect.gather [hbm4b:s4+s9], $0x20, s0, s9, $0xb8;
	v63 =	vld [tilespmem:$0x0]  }
0x68: {  	s0 =	sadd.s32 $0x8C0, s30;
	s1 =	simm.s32 $0x16A00  }
0x69: {  	[tilespmem:s1], [sflag:$0x2] =	stream.indirect.gather [hbm4b:s4+s9], $0x20, s0, s9, $0xb8;
	v63 =	vld [tilespmem:$0x0]  }
0x6a: {  	s0 =	sadd.s32 $0x8F8, s30;
	s1 =	simm.s32 $0x17040  }
0x6b: {  	[tilespmem:s1], [sflag:$0x2] =	stream.indirect.gather [hbm4b:s4+s9], $0x20, s0, s9, $0xb8;
	v63 =	vld [tilespmem:$0x0]  }
0x6c: {  	s0 =	sadd.s32 $0x930, s30;
	s1 =	simm.s32 $0x17680  }
0x6d: {  	[tilespmem:s1], [sflag:$0x2] =	stream.indirect.gather [hbm4b:s4+s9], $0x20, s0, s9, $0xb8;
	v63 =	vld [tilespmem:$0x0]  }
0x6e: {  	s0 =	sadd.s32 $0x968, s30;
	s1 =	simm.s32 $0x17CC0  }
0x6f: {  	[tilespmem:s1], [sflag:$0x2] =	stream.indirect.gather [hbm4b:s4+s9], $0x20, s0, s9, $0xb8;
	v63 =	vld [tilespmem:$0x0]  }
0x70: {  	s0 =	sadd.s32 $0x9A0, s30;
	s1 =	simm.s32 $0x18300  }
0x71: {  	[tilespmem:s1], [sflag:$0x2] =	stream.indirect.gather [hbm4b:s4+s9], $0x20, s0, s9, $0xb8;
	v63 =	vld [tilespmem:$0x0]  }
0x72: {  	s0 =	sadd.s32 $0x9D8, s30;
	s1 =	simm.s32 $0x18940  }
0x73: {  	[tilespmem:s1], [sflag:$0x2] =	stream.indirect.gather [hbm4b:s4+s9], $0x20, s0, s9, $0xb8;
	v63 =	vld [tilespmem:$0x0]  }
0x74: {  	s0 =	sadd.s32 $0xA10, s30;
	s1 =	simm.s32 $0x18F80  }
0x75: {  	[tilespmem:s1], [sflag:$0x2] =	stream.indirect.gather [hbm4b:s4+s9], $0x20, s0, s9, $0xb8;
	v63 =	vld [tilespmem:$0x0]  }
0x76: {  	s0 =	sadd.s32 $0xA48, s30;
	s1 =	simm.s32 $0x195C0  }
0x77: {  	[tilespmem:s1], [sflag:$0x2] =	stream.indirect.gather [hbm4b:s4+s9], $0x20, s0, s9, $0xb8;
	v63 =	vld [tilespmem:$0x0]  }
0x78: {  	s0 =	sadd.s32 $0xA80, s30;
	s1 =	simm.s32 $0x19C00  }
0x79: {  	[tilespmem:s1], [sflag:$0x2] =	stream.indirect.gather [hbm4b:s4+s9], $0x20, s0, s9, $0xb8;
	v63 =	vld [tilespmem:$0x0]  }
0x7a: {  	s0 =	sadd.s32 $0xAB8, s30;
	s1 =	simm.s32 $0x1A240  }
0x7b: {  	[tilespmem:s1], [sflag:$0x2] =	stream.indirect.gather [hbm4b:s4+s9], $0x20, s0, s9, $0xb8;
	v63 =	vld [tilespmem:$0x0]  }
0x7c: {  	s0 =	sadd.s32 $0xAF0, s30;
	s1 =	simm.s32 $0x1A880  }
0x7d: {  	[tilespmem:s1], [sflag:$0x2] =	stream.indirect.gather [hbm4b:s4+s9], $0x20, s0, s9, $0xb8;
	v63 =	vld [tilespmem:$0x0]  }
0x7e: {  	s1 =	sadd.s32 $0xB28, s30  }
0x7f: {  	[tilespmem:s2], [sflag:$0x2] =	stream.indirect.gather [hbm4b:s4+s9], $0x20, s1, s9, $0xb8;
	v63 =	vld [tilespmem:$0x0]  }
0x80: {  	s1 =	sadd.s32 $0xB60, s30  }
0x81: {  	[tilespmem:s6], [sflag:$0x2] =	stream.indirect.gather [hbm4b:s4+s9], $0x20, s1, s9, $0xb8;
	v63 =	vld [tilespmem:$0x0]  }
0x82: {  	s1 =	sadd.s32 $0xB98, s30  }
0x83: {  	[tilespmem:s7], [sflag:$0x2] =	stream.indirect.gather [hbm4b:s4+s9], $0x20, s1, s9, $0xb8;
	v63 =	vld [tilespmem:$0x0]  }
0x84: {  	s1 =	sadd.s32 $0xBD0, s30  }
0x85: {  	[tilespmem:s8], [sflag:$0x2] =	stream.indirect.gather [hbm4b:s4+s9], $0x20, s1, s9, $0xb8;
	v63 =	vld [tilespmem:$0x0]  }
0x86: {  	s1 =	sadd.s32 $0xC08, s30  }
0x87: {  	[tilespmem:s10], [sflag:$0x2] =	stream.indirect.gather [hbm4b:s4+s9], $0x20, s1, s9, $0xb8;
	v63 =	vld [tilespmem:$0x0]  }
0x88: {  	s1 =	sadd.s32 $0xC40, s30  }
0x89: {  	[tilespmem:s11], [sflag:$0x2] =	stream.indirect.gather [hbm4b:s4+s9], $0x20, s1, s9, $0xb8;
	v63 =	vld [tilespmem:$0x0]  }
0x8a: {  	s1 =	sadd.s32 $0xC78, s30  }
0x8b: {  	[tilespmem:s12], [sflag:$0x2] =	stream.indirect.gather [hbm4b:s4+s9], $0x20, s1, s9, $0xb8;
	v63 =	vld [tilespmem:$0x0]  }
0x8c: {  	s1 =	sadd.s32 $0xCB0, s30  }
0x8d: {  	[tilespmem:s13], [sflag:$0x2] =	stream.indirect.gather [hbm4b:s4+s9], $0x20, s1, s9, $0xb8;
	v63 =	vld [tilespmem:$0x0]  }
0x8e: {  	s1 =	sadd.s32 $0xCE8, s30  }
0x8f: {  	[tilespmem:s14], [sflag:$0x2] =	stream.indirect.gather [hbm4b:s4+s9], $0x20, s1, s9, $0xb8;
	v63 =	vld [tilespmem:$0x0]  }
0x90: {  	s1 =	sadd.s32 $0xD20, s30  }
0x91: {  	[tilespmem:s15], [sflag:$0x2] =	stream.indirect.gather [hbm4b:s4+s9], $0x20, s1, s9, $0xb8;
	v63 =	vld [tilespmem:$0x0]  }
0x92: {  	s1 =	sadd.s32 $0xD58, s30  }
0x93: {  	[tilespmem:s16], [sflag:$0x2] =	stream.indirect.gather [hbm4b:s4+s9], $0x20, s1, s9, $0xb8;
	v63 =	vld [tilespmem:$0x0]  }
0x94: {  	s1 =	sadd.s32 $0xD90, s30  }
0x95: {  	[tilespmem:s17], [sflag:$0x2] =	stream.indirect.gather [hbm4b:s4+s9], $0x20, s1, s9, $0xb8;
	v63 =	vld [tilespmem:$0x0]  }
0x96: {  	s1 =	sadd.s32 $0xDC8, s30  }
0x97: {  	[tilespmem:s18], [sflag:$0x2] =	stream.indirect.gather [hbm4b:s4+s9], $0x20, s1, s9, $0xb8;
	v63 =	vld [tilespmem:$0x0]  }
0x98: {  	_ =	swait.ge [sflag:s19], $0x640  }
0x99: {  	[sflag:s19] =	ssyncset.done $0x0  }
0x9a: {  	[sflag:s19] =	ssyncadd.s32 $0xFFFFF9C0  }
0x9b: {  	_ =	swait.ge [sflag:s19], $0x640  }
0x9c: {  	[sflag:s19] =	ssyncset.done $0x0  }
0x9d: {  	[sflag:s19] =	ssyncadd.s32 $0xFFFFF9C0  }
0x9e: {  	_ =	swait.ge [sflag:s19], $0x640  }
0x9f: {  	[sflag:s19] =	ssyncset.done $0x0  }
0xa0: {  	[sflag:s19] =	ssyncadd.s32 $0xFFFFF9C0  }
0xa1: {  	_ =	swait.ge [sflag:s19], $0x640  }
0xa2: {  	[sflag:s19] =	ssyncset.done $0x0  }
0xa3: {  	[sflag:s19] =	ssyncadd.s32 $0xFFFFF9C0  }
0xa4: {  	_ =	swait.ge [sflag:s19], $0x640  }
0xa5: {  	[sflag:s19] =	ssyncset.done $0x0  }
0xa6: {  	[sflag:s19] =	ssyncadd.s32 $0xFFFFF9C0  }
0xa7: {  	_ =	swait.ge [sflag:s19], $0x640  }
0xa8: {  	[sflag:s19] =	ssyncset.done $0x0  }
0xa9: {  	[sflag:s19] =	ssyncadd.s32 $0xFFFFF9C0  }
0xaa: {  	_ =	swait.ge [sflag:s19], $0x640  }
0xab: {  	[sflag:s19] =	ssyncset.done $0x0  }
0xac: {  	[sflag:s19] =	ssyncadd.s32 $0xFFFFF9C0  }
0xad: {  	_ =	swait.ge [sflag:s19], $0x640  }
0xae: {  	[sflag:s19] =	ssyncset.done $0x0  }
0xaf: {  	[sflag:s19] =	ssyncadd.s32 $0xFFFFF9C0  }
0xb0: {  	_ =	swait.ge [sflag:s19], $0x640  }
0xb1: {  	[sflag:s19] =	ssyncset.done $0x0  }
0xb2: {  	[sflag:s19] =	ssyncadd.s32 $0xFFFFF9C0  }
0xb3: {  	_ =	swait.ge [sflag:s19], $0x640  }
0xb4: {  	[sflag:s19] =	ssyncset.done $0x0  }
0xb5: {  	[sflag:s19] =	ssyncadd.s32 $0xFFFFF9C0  }
0xb6: {  	_ =	swait.ge [sflag:s19], $0x640  }
0xb7: {  	[sflag:s19] =	ssyncset.done $0x0  }
0xb8: {  	[sflag:s19] =	ssyncadd.s32 $0xFFFFF9C0  }
0xb9: {  	_ =	swait.ge [sflag:s19], $0x640  }
0xba: {  	[sflag:s19] =	ssyncset.done $0x0  }
0xbb: {  	[sflag:s19] =	ssyncadd.s32 $0xFFFFF9C0  }
0xbc: {  	_ =	swait.ge [sflag:s19], $0x640  }
0xbd: {  	[sflag:s19] =	ssyncset.done $0x0  }
0xbe: {  	[sflag:s19] =	ssyncadd.s32 $0xFFFFF9C0  }
0xbf: {  	_ =	swait.ge [sflag:s19], $0x640  }
0xc0: {  	[sflag:s19] =	ssyncset.done $0x0  }
0xc1: {  	[sflag:s19] =	ssyncadd.s32 $0xFFFFF9C0  }
0xc2: {  	_ =	swait.ge [sflag:s19], $0x640  }
0xc3: {  	[sflag:s19] =	ssyncset.done $0x0  }
0xc4: {  	[sflag:s19] =	ssyncadd.s32 $0xFFFFF9C0  }
0xc5: {  	_ =	swait.ge [sflag:s19], $0x640  }
0xc6: {  	[sflag:s19] =	ssyncset.done $0x0  }
0xc7: {  	[sflag:s19] =	ssyncadd.s32 $0xFFFFF9C0  }
0xc8: {  	_ =	swait.ge [sflag:s19], $0x640  }
0xc9: {  	[sflag:s19] =	ssyncset.done $0x0  }
0xca: {  	[sflag:s19] =	ssyncadd.s32 $0xFFFFF9C0  }
0xcb: {  	_ =	swait.ge [sflag:s19], $0x640  }
0xcc: {  	[sflag:s19] =	ssyncset.done $0x0  }
0xcd: {  	[sflag:s19] =	ssyncadd.s32 $0xFFFFF9C0  }
0xce: {  	_ =	swait.ge [sflag:s19], $0x640  }
0xcf: {  	[sflag:s19] =	ssyncset.done $0x0  }
0xd0: {  	[sflag:s19] =	ssyncadd.s32 $0xFFFFF9C0  }
0xd1: {  	_ =	swait.ge [sflag:s19], $0x640  }
0xd2: {  	[sflag:s19] =	ssyncset.done $0x0  }
0xd3: {  	[sflag:s19] =	ssyncadd.s32 $0xFFFFF9C0  }
0xd4: {  	_ =	swait.ge [sflag:s19], $0x640  }
0xd5: {  	[sflag:s19] =	ssyncset.done $0x0  }
0xd6: {  	[sflag:s19] =	ssyncadd.s32 $0xFFFFF9C0  }
0xd7: {  	_ =	swait.ge [sflag:s19], $0x640  }
0xd8: {  	[sflag:s19] =	ssyncset.done $0x0  }
0xd9: {  	[sflag:s19] =	ssyncadd.s32 $0xFFFFF9C0  }
0xda: {  	_ =	swait.ge [sflag:s19], $0x640  }
0xdb: {  	[sflag:s19] =	ssyncset.done $0x0  }
0xdc: {  	[sflag:s19] =	ssyncadd.s32 $0xFFFFF9C0  }
0xdd: {  	_ =	swait.ge [sflag:s19], $0x640  }
0xde: {  	[sflag:s19] =	ssyncset.done $0x0  }
0xdf: {  	[sflag:s19] =	ssyncadd.s32 $0xFFFFF9C0  }
0xe0: {  	_ =	swait.ge [sflag:s19], $0x640  }
0xe1: {  	[sflag:s19] =	ssyncset.done $0x0  }
0xe2: {  	[sflag:s19] =	ssyncadd.s32 $0xFFFFF9C0  }
0xe3: {  	_ =	swait.ge [sflag:s19], $0x640  }
0xe4: {  	[sflag:s19] =	ssyncset.done $0x0  }
0xe5: {  	[sflag:s19] =	ssyncadd.s32 $0xFFFFF9C0  }
0xe6: {  	_ =	swait.ge [sflag:s19], $0x640  }
0xe7: {  	[sflag:s19] =	ssyncset.done $0x0  }
0xe8: {  	[sflag:s19] =	ssyncadd.s32 $0xFFFFF9C0  }
0xe9: {  	_ =	swait.ge [sflag:s19], $0x640  }
0xea: {  	[sflag:s19] =	ssyncset.done $0x0  }
0xeb: {  	[sflag:s19] =	ssyncadd.s32 $0xFFFFF9C0  }
0xec: {  	_ =	swait.ge [sflag:s19], $0x640  }
0xed: {  	[sflag:s19] =	ssyncset.done $0x0  }
0xee: {  	[sflag:s19] =	ssyncadd.s32 $0xFFFFF9C0  }
0xef: {  	_ =	swait.ge [sflag:s19], $0x640  }
0xf0: {  	[sflag:s19] =	ssyncset.done $0x0  }
0xf1: {  	[sflag:s19] =	ssyncadd.s32 $0xFFFFF9C0  }
0xf2: {  	_ =	swait.ge [sflag:s19], $0x640  }
0xf3: {  	s1 =	sadd.s32 s3, s29;
	[sflag:s19] =	ssyncset.done $0x0  }
0xf4: {  	s0 =	smul.u32 $0x380, s1;
	[sflag:s19] =	ssyncadd.s32 $0xFFFFF9C0  }
0xf5: {  	_ =	swait.ge [sflag:s19], $0x640  }
0xf6: {  	s31 =	simm.s32 $0x7640;
	s29 =	sadd.s32 s5, s0;
	[sflag:s19] =	ssyncset.done $0x0  }
0xf7: {  	s30 =	simm.s32 $0x380;
	s0 =	sadd.s32 $0x0, s29;
	[sflag:s19] =	ssyncadd.s32 $0xFFFFF9C0  }
.LBB2_3:
0xf8: {  	[hbm4b:s0+s20] =	stream.strided.scatter [tilespmem:s28], [sflag:$0x3], $0x640, s21, s20, $0x38;
	v63 =	vld [tilespmem:$0x0]  }
0xf9: {  	s0 =	smov.u32 s30;
	s28 =	smov.u32 s31;
	p0 =	sne.s32 s30, $0x6C80  }
.Ltmp0:
0xfa: {  	s30 =	sadd.s32 $0x380, s30;
	(pc) =	sbr.rel @p0 .LBB2_3-.Ltmp0, $2  }
0xfb: {  	_ =	sdelay $0x2  }
0xfc: {  	s31 =	sadd.s32 $0x640, s31;
	s0 =	sadd.s32 s0, s29  }
0xfd: {  	[hbm4b:s0+s20] =	stream.strided.scatter [tilespmem:s28], [sflag:$0x3], $0x640, s21, s20, $0x38;
	v63 =	vld [tilespmem:$0x0]  }
0xfe: {  	_ =	swait.ge [sflag:s22], $0x640  }
0xff: {  	[sflag:s22] =	ssyncset.done $0x0  }
0x100: {  	[sflag:s22] =	ssyncadd.s32 $0xFFFFF9C0  }
0x101: {  	_ =	swait.ge [sflag:s22], $0x640  }
0x102: {  	[sflag:s22] =	ssyncset.done $0x0  }
0x103: {  	[sflag:s22] =	ssyncadd.s32 $0xFFFFF9C0  }
0x104: {  	_ =	swait.ge [sflag:s22], $0x640  }
0x105: {  	[sflag:s22] =	ssyncset.done $0x0  }
0x106: {  	[sflag:s22] =	ssyncadd.s32 $0xFFFFF9C0  }
0x107: {  	_ =	swait.ge [sflag:s22], $0x640  }
0x108: {  	[sflag:s22] =	ssyncset.done $0x0  }
0x109: {  	[sflag:s22] =	ssyncadd.s32 $0xFFFFF9C0  }
0x10a: {  	_ =	swait.ge [sflag:s22], $0x640  }
0x10b: {  	[sflag:s22] =	ssyncset.done $0x0  }
0x10c: {  	[sflag:s22] =	ssyncadd.s32 $0xFFFFF9C0  }
0x10d: {  	_ =	swait.ge [sflag:s22], $0x640  }
0x10e: {  	[sflag:s22] =	ssyncset.done $0x0  }
0x10f: {  	[sflag:s22] =	ssyncadd.s32 $0xFFFFF9C0  }
0x110: {  	_ =	swait.ge [sflag:s22], $0x640  }
0x111: {  	[sflag:s22] =	ssyncset.done $0x0  }
0x112: {  	[sflag:s22] =	ssyncadd.s32 $0xFFFFF9C0  }
0x113: {  	_ =	swait.ge [sflag:s22], $0x640  }
0x114: {  	[sflag:s22] =	ssyncset.done $0x0  }
0x115: {  	[sflag:s22] =	ssyncadd.s32 $0xFFFFF9C0  }
0x116: {  	_ =	swait.ge [sflag:s22], $0x640  }
0x117: {  	[sflag:s22] =	ssyncset.done $0x0  }
0x118: {  	[sflag:s22] =	ssyncadd.s32 $0xFFFFF9C0  }
0x119: {  	_ =	swait.ge [sflag:s22], $0x640  }
0x11a: {  	[sflag:s22] =	ssyncset.done $0x0  }
0x11b: {  	[sflag:s22] =	ssyncadd.s32 $0xFFFFF9C0  }
0x11c: {  	_ =	swait.ge [sflag:s22], $0x640  }
0x11d: {  	[sflag:s22] =	ssyncset.done $0x0  }
0x11e: {  	[sflag:s22] =	ssyncadd.s32 $0xFFFFF9C0  }
0x11f: {  	_ =	swait.ge [sflag:s22], $0x640  }
0x120: {  	[sflag:s22] =	ssyncset.done $0x0  }
0x121: {  	[sflag:s22] =	ssyncadd.s32 $0xFFFFF9C0  }
0x122: {  	_ =	swait.ge [sflag:s22], $0x640  }
0x123: {  	[sflag:s22] =	ssyncset.done $0x0  }
0x124: {  	[sflag:s22] =	ssyncadd.s32 $0xFFFFF9C0  }
0x125: {  	_ =	swait.ge [sflag:s22], $0x640  }
0x126: {  	[sflag:s22] =	ssyncset.done $0x0  }
0x127: {  	[sflag:s22] =	ssyncadd.s32 $0xFFFFF9C0  }
0x128: {  	_ =	swait.ge [sflag:s22], $0x640  }
0x129: {  	[sflag:s22] =	ssyncset.done $0x0  }
0x12a: {  	[sflag:s22] =	ssyncadd.s32 $0xFFFFF9C0  }
0x12b: {  	_ =	swait.ge [sflag:s22], $0x640  }
0x12c: {  	[sflag:s22] =	ssyncset.done $0x0  }
0x12d: {  	[sflag:s22] =	ssyncadd.s32 $0xFFFFF9C0  }
0x12e: {  	_ =	swait.ge [sflag:s22], $0x640  }
0x12f: {  	[sflag:s22] =	ssyncset.done $0x0  }
0x130: {  	[sflag:s22] =	ssyncadd.s32 $0xFFFFF9C0  }
0x131: {  	_ =	swait.ge [sflag:s22], $0x640  }
0x132: {  	[sflag:s22] =	ssyncset.done $0x0  }
0x133: {  	[sflag:s22] =	ssyncadd.s32 $0xFFFFF9C0  }
0x134: {  	_ =	swait.ge [sflag:s22], $0x640  }
0x135: {  	[sflag:s22] =	ssyncset.done $0x0  }
0x136: {  	[sflag:s22] =	ssyncadd.s32 $0xFFFFF9C0  }
0x137: {  	_ =	swait.ge [sflag:s22], $0x640  }
0x138: {  	[sflag:s22] =	ssyncset.done $0x0  }
0x139: {  	[sflag:s22] =	ssyncadd.s32 $0xFFFFF9C0  }
0x13a: {  	_ =	swait.ge [sflag:s22], $0x640  }
0x13b: {  	[sflag:s22] =	ssyncset.done $0x0  }
0x13c: {  	[sflag:s22] =	ssyncadd.s32 $0xFFFFF9C0  }
0x13d: {  	_ =	swait.ge [sflag:s22], $0x640  }
0x13e: {  	[sflag:s22] =	ssyncset.done $0x0  }
0x13f: {  	[sflag:s22] =	ssyncadd.s32 $0xFFFFF9C0  }
0x140: {  	_ =	swait.ge [sflag:s22], $0x640  }
0x141: {  	[sflag:s22] =	ssyncset.done $0x0  }
0x142: {  	[sflag:s22] =	ssyncadd.s32 $0xFFFFF9C0  }
0x143: {  	_ =	swait.ge [sflag:s22], $0x640  }
0x144: {  	[sflag:s22] =	ssyncset.done $0x0  }
0x145: {  	[sflag:s22] =	ssyncadd.s32 $0xFFFFF9C0  }
0x146: {  	_ =	swait.ge [sflag:s22], $0x640  }
0x147: {  	[sflag:s22] =	ssyncset.done $0x0  }
0x148: {  	[sflag:s22] =	ssyncadd.s32 $0xFFFFF9C0  }
0x149: {  	_ =	swait.ge [sflag:s22], $0x640  }
0x14a: {  	[sflag:s22] =	ssyncset.done $0x0  }
0x14b: {  	[sflag:s22] =	ssyncadd.s32 $0xFFFFF9C0  }
0x14c: {  	_ =	swait.ge [sflag:s22], $0x640  }
0x14d: {  	[sflag:s22] =	ssyncset.done $0x0  }
0x14e: {  	[sflag:s22] =	ssyncadd.s32 $0xFFFFF9C0  }
0x14f: {  	_ =	swait.ge [sflag:s22], $0x640  }
0x150: {  	[sflag:s22] =	ssyncset.done $0x0  }
0x151: {  	[sflag:s22] =	ssyncadd.s32 $0xFFFFF9C0  }
0x152: {  	_ =	swait.ge [sflag:s22], $0x640  }
0x153: {  	[sflag:s22] =	ssyncset.done $0x0  }
0x154: {  	[sflag:s22] =	ssyncadd.s32 $0xFFFFF9C0  }
0x155: {  	_ =	swait.ge [sflag:s22], $0x640  }
0x156: {  	[sflag:s22] =	ssyncset.done $0x0  }
0x157: {  	[sflag:s22] =	ssyncadd.s32 $0xFFFFF9C0  }
0x158: {  	_ =	swait.ge [sflag:s22], $0x640  }
0x159: {  	s31 =	sadd.s32 s3, s26;
	[sflag:s22] =	ssyncset.done $0x0  }
0x15a: {  	s0 =	smul.u32 $0x380, s31;
	[sflag:s22] =	ssyncadd.s32 $0xFFFFF9C0  }
0x15b: {  	s28 =	simm.s32 $0x13800;
	_ =	swait.ge [sflag:s22], $0x640  }
0x15c: {  	s29 =	simm.s32 $0x380;
	s26 =	sadd.s32 s5, s0;
	[sflag:s22] =	ssyncset.done $0x0  }
0x15d: {  	s30 =	simm.s32 $0x13E40;
	s0 =	sadd.s32 $0x0, s26;
	[sflag:s22] =	ssyncadd.s32 $0xFFFFF9C0  }
.LBB2_5:
0x15e: {  	[hbm4b:s0+s20] =	stream.strided.scatter [tilespmem:s28], [sflag:$0x4], $0x640, s21, s20, $0x38;
	v63 =	vld [tilespmem:$0x0]  }
0x15f: {  	s0 =	smov.u32 s29;
	s28 =	smov.u32 s30;
	p0 =	sne.s32 s29, $0x6C80  }
.Ltmp1:
0x160: {  	s29 =	sadd.s32 $0x380, s29;
	(pc) =	sbr.rel @p0 .LBB2_5-.Ltmp1, $2  }
0x161: {  	_ =	sdelay $0x2  }
0x162: {  	s30 =	sadd.s32 $0x640, s30;
	s0 =	sadd.s32 s0, s26  }
0x163: {  	[hbm4b:s0+s20] =	stream.strided.scatter [tilespmem:s28], [sflag:$0x4], $0x640, s21, s20, $0x38;
	v63 =	vld [tilespmem:$0x0]  }
0x164: {  	s25 =	sadd.s32 $0x1, s25  }
0x165: {  	_ =	swait.ge [sflag:s23], $0xC800;
	p0 =	sne.s32 s25, $0x8  }
.Ltmp2:
0x166: {  	[sflag:s23] =	ssyncset.done $0x0;
	(pc) =	sbr.rel @p0 .LBB2_2-.Ltmp2, $4  }
0x167: {  	[sflag:s23] =	ssyncadd.s32 $0xFFFF3800  }
0x168: {  	_ =	swait.ge [sflag:s24], $0xC800  }
0x169: {  	[sflag:s24] =	ssyncset.done $0x0  }
0x16a: {  	[sflag:s24] =	ssyncadd.s32 $0xFFFF3800  }
0x16b: {  	s1 =	rddreg [dreg:$0x5]  }
0x16c: {  	s0 =	rddreg [dreg:$0x4];
	s1 =	sadd.s32 $0x1, s1  }
0x16d: {  	p0 =	sne.s32 s1, s0  }
.Ltmp3:
0x16e: {  	_ = 	snop;
	(pc) =	sbr.rel @p0 .LBB2_1-.Ltmp3, $1  }
0x16f: {  	_ =	sdelay $0x3  }
0x170: {  	_ =	sfence.sel $0x180000  }
0x171: {  	[bflag:$0x0] =	sbarrier.arrive $0xFFFF  }
0x172: {  	_ =	strace $0x90000047  }
0x173: {  	s0 =	stileid.u32;
	[bflag:$0x2] =	sbarrier.arrive $0xFFFF  }
0x174: {  	p0 =	sne.s32 s0, $0x0;
	s0 =	rddreg [dreg:$0x2]  }
0x175: {  	s0 =	sadd.s32 @!p0 $0x100000, s0  }
0x176: {  	[sflag:s0] =	ssyncadd.tile.s32 @!p0 $0x1;
	_ =	shalt  }
.Lfunc_end2:
_tile_overlayer_lowered:
.L_overlay_start_2:
0x177: {  	(tag) =	ssettag $0x2  }
0x178: {  	s0 =	rddreg [dreg:$0x0];
	s2 =	stileid.u32  }
0x179: {  	s1 =	rddreg [dreg:$0x1];
	p0 =	sne.s32 s2, $0x0  }
0x17a: {  	s3 =	rddreg [dreg:$0x2];
	[bflag:$0x3] =	sbarrier.arrive $0xFFFF;
	s2 =	simm.s32 @!p0 $0x1C05  }
0x17b: {  	[timem:s3], [sflag:s2] =	dma.local @!p0 [hbm:s0], s1  }
0x17c: {  	s0 =	simm.s32 @!p0 $0x5  }
0x17d: {  	_ =	swait.ge @!p0 [sflag:s0], s1  }
0x17e: {  	s1 =	ssub.s32 @!p0 $0x0, s1;
	[sflag:s0] =	ssyncset.done @!p0 $0x0  }
0x17f: {  	[sflag:s0] =	ssyncadd.s32 @!p0 s1  }
0x180: {  	[bflag:$0x3] =	sbarrier.arrive $0xFFFF  }
0x181: {  	_ =	shalt  }

// kernel: sparse-core-data-format-call.cloned.1.call-start
scs
called_computation_lowered:
.L_overlay_start_0:
0x0: {  	s2 =	sld [smem:$0x3FD9]  }
0x1: {  	s3 =	sld [smem:$0x3FFE];
	_ =	sdelay $0x1  }
0x2: {  	s1 =	srdreg.scid  }
0x3: {  	s0 =	sand.u32 $0x1, s1  }
0x4: {  	s18 =	sshll.u32 s0, $0xA;
	s2 =	sadd.s32 s3, s2  }
0x5: {  	s2 =	sadd.s32 s2, s18  }
0x6: {  	[smem:$0x3FC6] =	sst s2  }
0x7: {  	_ = 	snop  }
0x8: {  	s2 =	sld [smem:$0x3FD0];
	(tm) =	ssettm $0x1  }
0x9: {  	s19 =	sld [smem:$0x3FFB];
	_ =	sdelay $0x3  }
0xa: {  	_ =	strace s19  }
0xb: {  	s3 =	sld [smem:$0x3FFC];
	_ =	sdelay $0x3  }
0xc: {  	_ =	strace s3  }
0xd: {  	s3 =	sld [smem:$0x3FFD];
	_ =	sdelay $0x3  }
0xe: {  	_ =	strace s3  }
0xf: {  	_ =	strace $0x8FFFFFFF  }
0x10: {  	s20 =	sld [smem:$0x3FDB];
	_ =	sdelay $0x1  }
0x11: {  	s4 =	simm.s32 $_scs_section_size  }
0x12: {  	s5 =	simm.s32 $_size__tile_overlayer_lowered;
	s6 =	simm.s32 $_tile_overlayer_lowered  }
0x13: {  	s23 =	simm.s32 $0x1BFF;
	s22 =	sshll.u32 s6, $0x1;
	s3 =	sadd.s32 s4, s20  }
0x14: {  	s7 =	simm.s32 $0x0;
	s21 =	sshll.u32 s5, $0x1;
	s5 =	sadd.s32 s22, s3  }
0x15: {  	[timem:s7], [sflag:s23] =	dma.local [hbm:s5], s21  }
0x16: {  	_ =	swait.ge [sflag:s23], s21  }
0x17: {  	s4 =	ssub.s32 $0x0, s21;
	[sflag:s23] =	ssyncset.done $0x0  }
0x18: {  	[sflag:s23] =	ssyncadd.s32 s4;
	_ =	sdelay $0x1  }
0x19: {  	s24 =	simm.s32 $0x1B8B  }
0x1a: {  	_ =	swait.ge [sflag:s24], $0x1  }
0x1b: {  	[sflag:s24] =	ssyncset.done $0x0  }
0x1c: {  	s26 =	simm.s32 $0x1B8E;
	s25 =	sld [smem:$0x3FFE];
	[sflag:s24] =	ssyncadd.s32 $0xFFFFFFFF  }
0x1d: {  	s27 =	simm.s32 $execute0_lowered;
	[smem:$0x3FD2] =	sst s26  }
0x1e: {  	s5 =	sshll.u32 s27, $0x1;
	_ =	strace $0x80000049;
	[dreg:$0x1] =	wrdreg $0xFFFFFFFF  }
0x1f: {  	s28 =	simm.s32 $_size_execute0_lowered;
	s3 =	sadd.s32 s3, s5;
	[dreg:$0x0] =	wrdreg $0x0  }
0x20: {  	s5 =	sshll.u32 s28, $0x1;
	[dreg:$0x2] =	wrdreg s3  }
0x21: {  	[dreg:$0x3] =	wrdreg s5  }
0x22: {  	[dreg:$0x4] =	wrdreg $0xC0  }
0x23: {  	_ =	task [dreg:s7], $0x5FFFF  }
0x24: {  	[dreg:$0x1] =	wrdreg $0xFFFFFFFF  }
0x25: {  	[dreg:$0x0] =	wrdreg $0x60  }
0x26: {  	[dreg:$0x2] =	wrdreg s25  }
0x27: {  	[dreg:$0x3] =	wrdreg s2  }
0x28: {  	[dreg:$0x4] =	wrdreg $0x9  }
0x29: {  	_ =	task.clear_ibuf [dreg:s7], $0x5FFFF;
	_ =	strace $0x90000049  }
0x2a: {  	s29 =	simm.s32 $0x9;
	_ =	strace $0x8000004B  }
0x2b: {  	_ =	swait.ge [sflag:s29], $0x1  }
0x2c: {  	[sflag:s29] =	ssyncadd.s32 $0xFFFFFFFF  }
0x2d: {  	_ =	strace $0x9000004B  }
0x2e: {  	_ =	sfence  }
0x2f: {  	s30 =	sld [smem:$0x0];
	_ =	sdelay $0x2  }
0x30: {  	s31 =	sshll.u32 s1, $0xD;
	s1 =	sshrl.u32 s1, $0x2  }
0x31: {  	s3 =	sand.u32 $0x4000, s31;
	s1 =	sadd.s32 s1, s30  }
0x32: {  	s0 =	sor.u32 s3, s0;
	s1 =	sshll.u32 s1, $0x11  }
0x33: {  	s0 =	sor.u32 s1, s0  }
0x34: {  	s0 =	sadd.s32 $0x8F2B, s0  }
0x35: {  	[sflag:s0] =	ssyncadd.remote.s32 $0x1  }
0x36: {  	_ =	sfence.sel $0xFFFF  }
0x37: {  	[dreg:$0x0] =	wrdreg $0xFFFFFFFF;
	(pc) =	sbr.abs _section_cstart, $3  }
0x38: {  	[dreg:$0x1] =	wrdreg $0xFFFFFFFF  }
0x39: {  	_ =	task.clear_ibuf [dreg:s7], $0x2FFFF;
	_ =	strace $0x9FFFFFFF  }
0x3a: {  	(tm) =	ssettm $0x7FFFFFFF  }
0x3b: {  	_ =	shalt  }
tec
execute0_lowered:
.L_overlay_start_1:
0x0: {  	(tag) =	ssettag $0x1  }
0x1: {  	s0 =	srdreg.scid  }
0x2: {  	s1 =	sshll.u32 s0, $0x4  }
0x3: {  	s0 =	stileid.u32;
	s1 =	sand.u32 $0x10, s1  }
0x4: {  	s1 =	sor.u32 s0, s1  }
0x5: {  	s6 =	rddreg [dreg:$0x0];
	s4 =	simm.s32 $0x1;
	s2 =	sshll.u32 s1, $0x7  }
0x6: {  	s7 =	simm.s32 $0x2;
	s12 =	simm.s32 $0x0;
	s1 =	ssub.s32 $0x4000, s2  }
0x7: {  	s8 =	simm.s32 $0x20000;
	s13 =	simm.s32 $0x0;
	s3 =	sand.u32 $0xF80, s1  }
0x8: {  	s9 =	simm.s32 $0x0;
	s5 =	sshrl.u32 s1, $0xC;
	p0 =	sne.s32 s3, $0x0  }
.Ltmp0:
0x9: {  	s1 =	rddreg [dreg:$0x2];
	s4 =	simm.s32 @!p0 $0x0;
	(pc) =	sbr.rel .LBB1_1-.Ltmp0, $4  }
0xa: {  	s11 =	simm.s32 $0x0;
	s3 =	rddreg [dreg:$0x1];
	s5 =	sadd.s32 s4, s5  }
0xb: {  	_ =	strace $0x8000004A;
	s4 =	simm.s32 $0x1;
	s5 =	smul.u32 $0x32, s5  }
0xc: {  	s6 =	sadd.s32 $0xA00, s6;
	s10 =	smov.u32 s2;
	[sflag:s4] =	ssyncpa.u1 $0x0  }
0xd: {  	p0 =	por $0x0, $0x0;
	[sflag:s7] =	ssyncpa.u1 $0x0;
	s7 =	sor.u32 $0x1, s5  }
.LBB1_4:
0xe: {  	s16 =	sshll.u32 s13, $0x3;
	s17 =	sand.u32 $0x78, s13  }
0xf: {  	s30 =	sand.u32 $0xF800, s13;
	s12 =	sshll.u32 s12, $0x10;
	s16 =	sand.u32 $0x3C00, s16  }
0x10: {  	s31 =	sand.u32 $0x7, s13;
	s16 =	sor.u32 s17, s16;
	s17 =	sadd.s32 s3, s30  }
0x11: {  	s13 =	sshll.u32 s31, $0x12;
	s16 =	sshrl.u32 s16, $0x3;
	s12 =	sadd.s32 s12, s17  }
0x12: {  	[tilespmem:s15+$0x0 ss:$0x81] =	vst.msk $0xffff, v0;
	s13 =	sor.u32 $0x400, s13;
	s12 =	sadd.s32 s16, s12  }
0x13: {  	[hbm4b:s12+s13] =	stream.strided.scatter [tilespmem:s14], [sflag:$0x2], $0x1000, s8, s13, $0x20;
	[tilespmem:$0x4040] =	vst v63  }
.LBB1_5:
0x14: {  	s14 =	sadd.s32 $0x1, s9  }
0x15: {  	s12 =	sadd.s32 $0x1000, s10;
	s16 =	smov.u32 s10;
	p2 =	sgt.s32 s14, $0x31  }
0x16: {  	s16 =	smov.u32 @p2 s12  }
0x17: {  	s14 =	simm.s32 @p2 $0x0;
	p2 =	sgt.s32 s16, $0x3FFF  }
0x18: {  	s16 =	smov.u32 @p2 s2;
	p2 =	sne.s32 s11, s7  }
.Ltmp1:
0x19: {  	p1 =	slt.u32 s11, $0x2;
	(pc) =	sbr.rel @!p2 .LBB1_6-.Ltmp1, $4  }
0x1a: {  	s15 =	simm.s32 @!p1 $0x2  }
0x1b: {  	s13 =	smov.u32 s10;
	p0 =	por !p0, !p0;
	_ =	swait.ge @!p1 [sflag:s15], $0x1000  }
0x1c: {  	s12 =	smov.u32 s9;
	[sflag:s15] =	ssyncset.done @!p1 $0x0;
	s9 =	smov.u32 s14  }
0x1d: {  	s11 =	sadd.s32 $0x1, s11;
	[sflag:s15] =	ssyncadd.s32 @!p1 $0xFFFFF000;
	s10 =	smov.u32 s16  }
.LBB1_1:
0x1e: {  	p1 =	sge.u32 s11, s5  }
0x1f: {  	s14 =	sand.u32 @!p1 $0x1FFFFFF, s9  }
0x20: {  	s15 =	smulhi.u32 @!p1 $0x4924925, s14;
	_ =	sdelay $0x1  }
0x21: {  	s15 =	smul.u32 @!p1 $0x38, s15  }
0x22: {  	s16 =	sxor.u32 @!p1 $0xFFFFFFFF, s11;
	s17 =	smul.u32 @!p1 $0x380, s10  }
0x23: {  	s31 =	sadd.s32 $0xFFFFFFFF, s11;
	s16 =	sshll.u32 @!p1 s16, $0xC;
	s14 =	ssub.s32 @!p1 s14, s15  }
0x24: {  	s15 =	sand.u32 @!p1 $0x1000, s16;
	s16 =	sadd.s32 @!p1 s6, s17;
	s14 =	sshll.u32 @!p1 s14, $0x4  }
0x25: {  	s17 =	simm.s32 @!p1 $0x1C00;
	s14 =	sadd.s32 @!p1 s14, s16;
	s16 =	simm.s32 @!p1 $0x20  }
0x26: {  	[tilespmem:s15], [sflag:$0x1] =	stream.strided.gather @!p1 [hbm4b:s14+s16], $0x1000, s17, s16, $0x38;
	[tilespmem:$0x4040] =	vst v63  }
0x27: {  	p1 =	sge.u32 s31, s5  }
.Ltmp2:
0x28: {  	_ = 	snop;
	(pc) =	sbr.rel @p1 .LBB1_5-.Ltmp2, $1  }
0x29: {  	_ =	sdelay $0x3  }
0x2a: {  	s14 =	simm.s32 $0x1  }
0x2b: {  	_ =	swait.ge [sflag:s4], $0x1000;
	s14 =	simm.s32 @!p0 $0x0  }
0x2c: {  	[sflag:s4] =	ssyncset.done $0x0;
	s15 =	sshll.u32 s14, $0xC  }
0x2d: {  	[sflag:s4] =	ssyncadd.s32 $0xFFFFF000;
	s18 =	sor.u32 $0x10, s15  }
0x2e: {  	s14 =	smul.u32 $0x4080, s14;
	v1 =	vld [tilespmem:s18+$0x0]  }
0x2f: {  	s30 =	sand.u32 $0x1, s11;
	v0 =	vld [tilespmem:s18+$0xFFFFFFF0]  }
0x30: {  	s15 =	smul.u32 $0x4080, s30;
	s14 =	sshrl.u32 s14, $0x2  }
0x31: {  	s16 =	sor.u32 $0x2000, s14  }
0x32: {  	s31 =	sshrl.u32 s15, $0x2;
	s15 =	sadd.s32 $0x0, s16  }
0x33: {  	s17 =	simm.s32 $0x4;
	s18 =	sadd.s32 $0x20, s18;
	s14 =	sor.u32 $0x2000, s31;
	[tilespmem:s15+$0x810 ss:$0x81] =	vst.msk $0xffff, v1  }
.LBB1_3:
0x34: {  	v1 =	vld [tilespmem:s18+$0x0];
	p1 =	sne.s32 s17, $0x1FC;
	[tilespmem:s15+$0x0 ss:$0x81] =	vst.msk $0xffff, v0;
	s15 =	smov.u32 s17;
	s17 =	sadd.s32 $0x4, s17  }
.Ltmp3:
0x35: {  	v0 =	vld [tilespmem:s18+$0xFFFFFFF0];
	(pc) =	sbr.rel @p1 .LBB1_3-.Ltmp3, $4  }
0x36: {  	_ = 	snop  }
0x37: {  	s15 =	sshra.s32 s15, $0x2  }
0x38: {  	s15 =	sadd.s32 s15, s16  }
0x39: {  	s18 =	sadd.s32 $0x20, s18;
	[tilespmem:s15+$0x810 ss:$0x81] =	vst.msk $0xffff, v1  }
.Ltmp4:
0x3a: {  	_ = 	snop;
	(pc) =	sbr.rel .LBB1_4-.Ltmp4, $1  }
0x3b: {  	_ =	sdelay $0x3  }
.LBB1_6:
0x3c: {  	_ =	sfence.sel $0x180000  }
0x3d: {  	s2 =	simm.s32 $0x1;
	[bflag:$0x0] =	sbarrier.arrive $0xFFFF  }
0x3e: {  	s31 =	simm.s32 $0x2;
	[sflag:s2] =	ssyncpa.u1 $0x1  }
0x3f: {  	[sflag:s31] =	ssyncpa.u1 $0x1  }
0x40: {  	p0 =	sne.s32 s0, $0x0;
	_ =	strace $0x9000004A  }
0x41: {  	s0 =	sadd.s32 @!p0 $0x100000, s1;
	[bflag:$0x2] =	sbarrier.arrive $0xFFFF  }
0x42: {  	[sflag:s0] =	ssyncadd.tile.s32 @!p0 $0x1;
	_ =	shalt  }
.Lfunc_end1:
_tile_overlayer_lowered:
.L_overlay_start_2:
0x43: {  	(tag) =	ssettag $0x2  }
0x44: {  	s0 =	rddreg [dreg:$0x0];
	s2 =	stileid.u32  }
0x45: {  	s1 =	rddreg [dreg:$0x1];
	p0 =	sne.s32 s2, $0x0  }
0x46: {  	s3 =	rddreg [dreg:$0x2];
	[bflag:$0x3] =	sbarrier.arrive $0xFFFF;
	s2 =	simm.s32 @!p0 $0x1C01  }
0x47: {  	[timem:s3], [sflag:s2] =	dma.local @!p0 [hbm:s0], s1  }
0x48: {  	s0 =	simm.s32 @!p0 $0x1  }
0x49: {  	_ =	swait.ge @!p0 [sflag:s0], s1  }
0x4a: {  	s1 =	ssub.s32 @!p0 $0x0, s1;
	[sflag:s0] =	ssyncset.done @!p0 $0x0  }
0x4b: {  	[sflag:s0] =	ssyncadd.s32 @!p0 s1  }
0x4c: {  	[bflag:$0x3] =	sbarrier.arrive $0xFFFF  }
0x4d: {  	_ =	shalt  }

</sc_bundles>
